<compile_context>
chip_gen: v7x
topology: tpu7x:2x2x1
jax: 0.10.2.dev20260603
libtpu: 0.0.44.dev20260713+nightly
codegen_flags: <defaults>
</compile_context>

<pallas_src>
import functools

import jax
import jax.numpy as jnp
from jax import lax
from jax.experimental import pallas as pl
from jax.experimental.pallas import tpu as pltpu
from jax.experimental.pallas import tpu_sc as plsc

N_NODES = 10000
D = 128
N_EDGES = 320000

NC = 2
NS = 16
NW = NC * NS
CHUNK = 128
NCH0 = 92
NCH1 = 66
EPW0 = NCH0 * CHUNK
EPW1 = NCH1 * CHUNK
E_PAD = NS * (EPW0 + EPW1)
NROWS = 10240
RPT = NROWS // NS
TRASH = N_NODES
BLK = 1024



def _sc_degree_body(dst_hbm, deg_out_hbm, degacc, obuf, zbuf, fbuf, idxv):
    cid = lax.axis_index("c")
    sid = lax.axis_index("s")
    base0 = cid * NS * EPW0 + sid * jnp.where(cid == 0, EPW0, EPW1)
    nch = jnp.where(cid == 0, NCH0, NCH1)

    def fill(r, carry):
        obuf[r, :] = jnp.ones((16,), jnp.float32)
        zbuf[r, :] = jnp.zeros((16,), jnp.float32)
        return carry

    lax.fori_loop(0, CHUNK, fill, 0)
    for c in range(RPT // CHUNK):
        pltpu.sync_copy(zbuf, degacc.at[pl.ds(sid * RPT + c * CHUNK, CHUNK)])
    plsc.subcore_barrier()

    def body(c, carry):
        base = base0 + c * CHUNK
        pltpu.sync_copy(dst_hbm.at[pl.ds(base, CHUNK)], idxv)
        pltpu.sync_copy(obuf, degacc.at[idxv], add=True)
        return carry

    lax.fori_loop(0, nch, body, 0)
    plsc.subcore_barrier()

    for c in range(RPT // CHUNK):
        r0 = sid * RPT + c * CHUNK
        pltpu.sync_copy(degacc.at[pl.ds(r0, CHUNK)], zbuf)

        def repack(j, carry):
            for k in range(8):
                fbuf[j, pl.ds(k * 16, 16)] = zbuf[8 * j + k, :]
            return carry

        lax.fori_loop(0, 16, repack, 0)
        orow = pl.multiple_of(sid * (RPT // 8) + c * 16, 8)
        pltpu.sync_copy(fbuf, deg_out_hbm.at[cid, pl.ds(orow, 16)])


def _sc_segsum_body(xw_hbm, src_hbm, dst_hbm, zeros128_hbm, part_hbm,
                    acc, rows, sidx, didx, sem):
    cid = lax.axis_index("c")
    sid = lax.axis_index("s")
    base0 = cid * NS * EPW0 + sid * jnp.where(cid == 0, EPW0, EPW1)
    nch = jnp.where(cid == 0, NCH0, NCH1)

    pltpu.sync_copy(zeros128_hbm, rows)
    for c in range(RPT // CHUNK):
        pltpu.sync_copy(rows, acc.at[pl.ds(sid * RPT + c * CHUNK, CHUNK)])
    plsc.subcore_barrier()

    def body(c, carry):
        base = base0 + c * CHUNK
        pltpu.sync_copy(src_hbm.at[pl.ds(base, CHUNK)], sidx)
        pltpu.sync_copy(dst_hbm.at[pl.ds(base, CHUNK)], didx)
        pltpu.async_copy(xw_hbm.at[sidx], rows, sem).wait()
        pltpu.sync_copy(rows, acc.at[didx], add=True)
        return carry

    lax.fori_loop(0, nch, body, 0)
    plsc.subcore_barrier()

    for c in range(RPT // CHUNK):
        r0 = sid * RPT + c * CHUNK
        pltpu.sync_copy(acc.at[pl.ds(r0, CHUNK)], rows)
        pltpu.sync_copy(rows, part_hbm.at[cid, pl.ds(r0, CHUNK)])


_SC_MESH = plsc.VectorSubcoreMesh(
    core_axis_name="c", subcore_axis_name="s", num_cores=NC, num_subcores=NS)

_sc_degree = pl.kernel(
    _sc_degree_body,
    out_type=jax.ShapeDtypeStruct((NC, NROWS // 8, D), jnp.float32),
    mesh=_SC_MESH,
    scratch_types=[
        pltpu.VMEM_SHARED((NROWS, 16), jnp.float32),
        pltpu.VMEM((CHUNK, 16), jnp.float32),
        pltpu.VMEM((CHUNK, 16), jnp.float32),
        pltpu.VMEM((16, D), jnp.float32),
        pltpu.VMEM((CHUNK,), jnp.int32),
    ],
)

_sc_segsum = pl.kernel(
    _sc_segsum_body,
    out_type=jax.ShapeDtypeStruct((NC, NROWS, D), jnp.float32),
    mesh=_SC_MESH,
    scratch_types=[
        pltpu.VMEM_SHARED((NROWS, D), jnp.float32),
        pltpu.VMEM((CHUNK, D), jnp.float32),
        pltpu.VMEM((CHUNK,), jnp.int32),
        pltpu.VMEM((CHUNK,), jnp.int32),
        pltpu.SemaphoreType.DMA,
    ],
)



def _dinv_of(deg_ref):
    deg = deg_ref[0, :, 0] + deg_ref[1, :, 0] + 1.0
    return lax.rsqrt(deg)


def _tc_prep_body(x_ref, w_ref, deg_ref, o_ref):
    dinv = _dinv_of(deg_ref)
    xw = jnp.dot(x_ref[...], w_ref[...], preferred_element_type=jnp.float32)
    o_ref[...] = xw * dinv[:, None]


def _tc_mid_body(part_ref, xwp_ref, deg_ref, b_ref, w_ref, o_ref):
    dinv = _dinv_of(deg_ref)
    s = part_ref[0] + part_ref[1] + xwp_ref[...]
    h = jnp.maximum(s * dinv[:, None] + b_ref[...], 0.0)
    o_ref[...] = jnp.dot(h, w_ref[...],
                         preferred_element_type=jnp.float32) * dinv[:, None]


def _tc_final_body(part_ref, xwp_ref, deg_ref, b_ref, o_ref):
    dinv = _dinv_of(deg_ref)
    s = part_ref[0] + part_ref[1] + xwp_ref[...]
    o_ref[...] = jnp.maximum(s * dinv[:, None] + b_ref[...], 0.0)


_GRID = (NROWS // BLK,)
_row_spec = pl.BlockSpec((BLK, D), lambda i: (i, 0))
_part_spec = pl.BlockSpec((NC, BLK, D), lambda i: (0, i, 0))
_deg_spec = pl.BlockSpec((NC, BLK, 16), lambda i: (0, i, 0))
_w_spec = pl.BlockSpec((D, D), lambda i: (0, 0))
_b_spec = pl.BlockSpec((1, D), lambda i: (0, 0))

_tc_prep = pl.pallas_call(
    _tc_prep_body, grid=_GRID,
    in_specs=[_row_spec, _w_spec, _deg_spec],
    out_specs=_row_spec,
    out_shape=jax.ShapeDtypeStruct((NROWS, D), jnp.float32),
)

_tc_mid = pl.pallas_call(
    _tc_mid_body, grid=_GRID,
    in_specs=[_part_spec, _row_spec, _deg_spec, _b_spec, _w_spec],
    out_specs=_row_spec,
    out_shape=jax.ShapeDtypeStruct((NROWS, D), jnp.float32),
)

_tc_final = pl.pallas_call(
    _tc_final_body, grid=_GRID,
    in_specs=[_part_spec, _row_spec, _deg_spec, _b_spec],
    out_specs=_row_spec,
    out_shape=jax.ShapeDtypeStruct((NROWS, D), jnp.float32),
)



def kernel(x, edge_index, W1, b1, W2, b2):
    src = edge_index[0].astype(jnp.int32)
    dst = edge_index[1].astype(jnp.int32)
    pad = E_PAD - N_EDGES
    src_p = jnp.concatenate([src, jnp.zeros((pad,), jnp.int32)])
    dst_p = jnp.concatenate([dst, jnp.full((pad,), TRASH, jnp.int32)])
    x_p = jnp.pad(x, ((0, NROWS - N_NODES), (0, 0)))

    zeros128 = jnp.zeros((CHUNK, D), jnp.float32)

    degcnt = _sc_degree(dst_p).reshape(NC, NROWS, 16)
    xw1p = _tc_prep(x_p, W1, degcnt)
    part1 = _sc_segsum(xw1p, src_p, dst_p, zeros128)
    xw2p = _tc_mid(part1, xw1p, degcnt, b1.reshape(1, D), W2)
    part2 = _sc_segsum(xw2p, src_p, dst_p, zeros128)
    out = _tc_final(part2, xw2p, degcnt, b2.reshape(1, D))
    return out[:N_NODES]

# --- scband reference (transcript-rebuilt; emitter-appended) ---
"""Pipeline reference for scband-gcn-10892037062909 (READ-ONLY COPY).

The authoritative reference and input builder live on the scoring server;
editing this copy changes nothing except your own understanding.
"""

import jax, jax.numpy as jnp
import numpy as np

N_NODES = 10000
D_IN = 128
D_HID = 128
D_OUT = 128
N_EDGES = 320000


def glorot(key, shape):
    limit = float(np.sqrt(6.0 / (shape[0] + shape[1])))
    return jax.random.uniform(key, shape, dtype=jnp.float32, minval=-limit, maxval=limit)


def setup_inputs(seed: int = 0) -> dict:
    key = jax.random.key(seed)
    k_x, k_e, k_w1, k_w2 = jax.random.split(key, 4)
    x = jax.random.normal(k_x, (N_NODES, D_IN), dtype=jnp.float32)
    edge_index = jax.random.randint(k_e, (2, N_EDGES), 0, N_NODES, dtype=jnp.int64)
    W1 = glorot(k_w1, (D_IN, D_HID))
    b1 = jnp.zeros((D_HID,), dtype=jnp.float32)
    W2 = glorot(k_w2, (D_HID, D_OUT))
    b2 = jnp.zeros((D_OUT,), dtype=jnp.float32)
    return {"x": x, "edge_index": edge_index, "W1": W1, "b1": b1, "W2": W2, "b2": b2}


def gcn_conv(x, src, dst, W, b, n_nodes):
    # GCNConv: x' = D^{-1/2} (A + I) D^{-1/2} (x W) + b, with self-loops added
    loop = jnp.arange(n_nodes, dtype=src.dtype)
    src_sl = jnp.concatenate([src, loop])
    dst_sl = jnp.concatenate([dst, loop])
    ones = jnp.ones(src_sl.shape[0], dtype=jnp.float32)
    deg = jnp.zeros((n_nodes,), dtype=jnp.float32).at[dst_sl].add(ones)
    deg_inv_sqrt = jnp.where(deg > 0, jax.lax.rsqrt(deg), 0.0)
    norm = deg_inv_sqrt[src_sl] * deg_inv_sqrt[dst_sl]
    xw = x @ W
    msg = xw[src_sl] * norm[:, None]
    out = jax.ops.segment_sum(msg, dst_sl, num_segments=n_nodes)
    return out + b


def reference(x, edge_index, W1, b1, W2, b2):
    src, dst = edge_index[0], edge_index[1]
    h = gcn_conv(x, src, dst, W1, b1, N_NODES)
    h = jax.nn.relu(h)
    out = gcn_conv(h, src, dst, W2, b2, N_NODES)
    out = jax.nn.relu(out)
    return out

if __name__ == "__main__":
    import jax
    _d = setup_inputs()
    print(jax.jit(kernel)(*tuple(_d.values())))

</pallas_src>

<mosaic_0001>
#map = affine_map<(d0, d1) -> (0)>
#map1 = affine_map<(d0, d1) -> (0, 0, 0)>
module attributes {stable_mosaic.version = 14 : i64} {
  func.func @_sc_degree_body(%arg0: i32, %arg1: i32, %arg2: memref<323584xi32, #tpu.memory_space<hbm>>, %arg3: memref<2x1280x128xf32, #tpu.memory_space<hbm>>, %arg4: memref<10240x16xf32, #tpu.memory_space<vmem_shared>>, %arg5: memref<128x16xf32, #tpu.memory_space<vmem>>, %arg6: memref<128x16xf32, #tpu.memory_space<vmem>>, %arg7: memref<16x128xf32, #tpu.memory_space<vmem>>, %arg8: memref<128xi32, #tpu.memory_space<vmem>>) attributes {dimension_semantics = [#tpu.dimension_semantics<core_parallel>, #tpu.dimension_semantics<subcore_parallel>], iteration_bounds = array<i64: 2, 16>, scalar_prefetch = 0 : i64, scratch_operands = 5 : i64, tpu.core_type = #tpu.core_type<sc_vector_subcore>, window_params = [{transform_indices = #map}, {transform_indices = #map1}]} {
    %mul3A = arith.constant 16 : i32
    %mul3A_0 = arith.muli %arg0, %mul3A : i32
    %mul3A_1 = arith.constant 11776 : i32
    %mul3A_2 = arith.muli %mul3A_0, %mul3A_1 : i32
    %eq3A = arith.constant 0 : i32
    %eq3A_3 = arith.cmpi eq, %arg0, %eq3A : i32
    %jit3A = arith.constant 11776 : i32
    %jit3A_4 = arith.constant 8448 : i32
    %select_n3A = arith.select %eq3A_3, %jit3A, %jit3A_4 : i32
    %mul3A_5 = arith.muli %arg1, %select_n3A : i32
    %add3A = arith.addi %mul3A_2, %mul3A_5 : i32
    %eq3A_6 = arith.constant 0 : i32
    %eq3A_7 = arith.cmpi eq, %arg0, %eq3A_6 : i32
    %jit3A_8 = arith.constant 92 : i32
    %jit3A_9 = arith.constant 66 : i32
    %select_n3A_10 = arith.select %eq3A_7, %jit3A_8, %jit3A_9 : i32
    %scan3A = arith.constant 0 : i32
    %scan3A_11 = arith.constant 0 : i32
    %scan3A_12 = arith.constant 128 : i32
    %scan3A_13 = arith.addi %scan3A_11, %scan3A_12 : i32
    %scan3A_14 = arith.constant 1 : i32
    scf.for %scan3A_120 = %scan3A_11 to %scan3A_13 step %scan3A_14  : i32 {
      %broadcast_in_dim3A = arith.constant 1.000000e+00 : f32
      %broadcast_in_dim3A_121 = vector.broadcast %broadcast_in_dim3A : f32 to vector<16xf32>
      %swap3A = arith.index_cast %scan3A_120 : i32 to index
      %swap3A_122 = arith.constant 0 : index
      %swap3A_123 = tpu.vector_load %arg5[%swap3A, %swap3A_122] {strides = array<i32>} : memref<128x16xf32, #tpu.memory_space<vmem>>, vector<1x16xf32>,
      %swap3A_124 = vector.shape_cast %swap3A_123 : vector<1x16xf32> to vector<16xf32>
      %swap3A_125 = vector.shape_cast %broadcast_in_dim3A_121 : vector<16xf32> to vector<1x16xf32>
      tpu.vector_store %arg5[%swap3A, %swap3A_122], %swap3A_125 {strides = array<i32>} : memref<128x16xf32, #tpu.memory_space<vmem>>, vector<1x16xf32>,
      %broadcast_in_dim3A_126 = arith.constant 0.000000e+00 : f32
      %broadcast_in_dim3A_127 = vector.broadcast %broadcast_in_dim3A_126 : f32 to vector<16xf32>
      %swap3A_128 = arith.index_cast %scan3A_120 : i32 to index
      %swap3A_129 = arith.constant 0 : index
      %swap3A_130 = tpu.vector_load %arg6[%swap3A_128, %swap3A_129] {strides = array<i32>} : memref<128x16xf32, #tpu.memory_space<vmem>>, vector<1x16xf32>,
      %swap3A_131 = vector.shape_cast %swap3A_130 : vector<1x16xf32> to vector<16xf32>
      %swap3A_132 = vector.shape_cast %broadcast_in_dim3A_127 : vector<16xf32> to vector<1x16xf32>
      tpu.vector_store %arg6[%swap3A_128, %swap3A_129], %swap3A_132 {strides = array<i32>} : memref<128x16xf32, #tpu.memory_space<vmem>>, vector<1x16xf32>,
    }
    %scan3A_15 = arith.constant 128 : i32
    %mul3A_16 = arith.constant 640 : i32
    %mul3A_17 = arith.muli %arg1, %mul3A_16 : i32
    %add3A_18 = arith.constant 0 : i32
    %add3A_19 = arith.addi %mul3A_17, %add3A_18 : i32
    "tpu.region"() ({
      %run_scoped3A = tpu.sem_alloc : memref<!tpu.dma_semaphore, #tpu.memory_space<semaphore_mem>>
      %dma_start3A = arith.constant 0 : i32
      %dma_start3A_120 = tpu.memref_slice %arg4[%add3A_19, %dma_start3A] : memref<10240x16xf32, #tpu.memory_space<vmem_shared>> -> memref<128x16xf32, #tpu.memory_space<vmem_shared>>
      %dma_start3A_121 = arith.constant 0 : i32
      %dma_start3A_122 = tpu.memref_slice %arg4[%add3A_19, %dma_start3A_121] : memref<10240x16xf32, #tpu.memory_space<vmem_shared>> -> memref<128x16xf32, #tpu.memory_space<vmem_shared>>
      tpu.enqueue_dma source(%arg6 : memref<128x16xf32, #tpu.memory_space<vmem>>) target(%dma_start3A_122 : memref<128x16xf32, #tpu.memory_space<vmem_shared>>) target_semaphore(%run_scoped3A : memref<!tpu.dma_semaphore, #tpu.memory_space<semaphore_mem>>)
      %dma_wait3A = arith.constant 0 : i32
      %dma_wait3A_123 = tpu.memref_slice %arg4[%add3A_19, %dma_wait3A] : memref<10240x16xf32, #tpu.memory_space<vmem_shared>> -> memref<128x16xf32, #tpu.memory_space<vmem_shared>>
      %dma_wait3A_124 = arith.constant 0 : i32
      %dma_wait3A_125 = tpu.memref_slice %arg4[%add3A_19, %dma_wait3A_124] : memref<10240x16xf32, #tpu.memory_space<vmem_shared>> -> memref<128x16xf32, #tpu.memory_space<vmem_shared>>
      tpu.wait_dma2 semaphore(%run_scoped3A : memref<!tpu.dma_semaphore, #tpu.memory_space<semaphore_mem>>) src(%arg6 : memref<128x16xf32, #tpu.memory_space<vmem>>) dst(%dma_wait3A_125 : memref<128x16xf32, #tpu.memory_space<vmem_shared>>)
      tpu.yield
    }) : () -> ()
    %mul3A_20 = arith.constant 640 : i32
    %mul3A_21 = arith.muli %arg1, %mul3A_20 : i32
    %add3A_22 = arith.constant 128 : i32
    %add3A_23 = arith.addi %mul3A_21, %add3A_22 : i32
    "tpu.region"() ({
      %run_scoped3A = tpu.sem_alloc : memref<!tpu.dma_semaphore, #tpu.memory_space<semaphore_mem>>
      %dma_start3A = arith.constant 0 : i32
      %dma_start3A_120 = tpu.memref_slice %arg4[%add3A_23, %dma_start3A] : memref<10240x16xf32, #tpu.memory_space<vmem_shared>> -> memref<128x16xf32, #tpu.memory_space<vmem_shared>>
      %dma_start3A_121 = arith.constant 0 : i32
      %dma_start3A_122 = tpu.memref_slice %arg4[%add3A_23, %dma_start3A_121] : memref<10240x16xf32, #tpu.memory_space<vmem_shared>> -> memref<128x16xf32, #tpu.memory_space<vmem_shared>>
      tpu.enqueue_dma source(%arg6 : memref<128x16xf32, #tpu.memory_space<vmem>>) target(%dma_start3A_122 : memref<128x16xf32, #tpu.memory_space<vmem_shared>>) target_semaphore(%run_scoped3A : memref<!tpu.dma_semaphore, #tpu.memory_space<semaphore_mem>>)
      %dma_wait3A = arith.constant 0 : i32
      %dma_wait3A_123 = tpu.memref_slice %arg4[%add3A_23, %dma_wait3A] : memref<10240x16xf32, #tpu.memory_space<vmem_shared>> -> memref<128x16xf32, #tpu.memory_space<vmem_shared>>
      %dma_wait3A_124 = arith.constant 0 : i32
      %dma_wait3A_125 = tpu.memref_slice %arg4[%add3A_23, %dma_wait3A_124] : memref<10240x16xf32, #tpu.memory_space<vmem_shared>> -> memref<128x16xf32, #tpu.memory_space<vmem_shared>>
      tpu.wait_dma2 semaphore(%run_scoped3A : memref<!tpu.dma_semaphore, #tpu.memory_space<semaphore_mem>>) src(%arg6 : memref<128x16xf32, #tpu.memory_space<vmem>>) dst(%dma_wait3A_125 : memref<128x16xf32, #tpu.memory_space<vmem_shared>>)
      tpu.yield
    }) : () -> ()
    %mul3A_24 = arith.constant 640 : i32
    %mul3A_25 = arith.muli %arg1, %mul3A_24 : i32
    %add3A_26 = arith.constant 256 : i32
    %add3A_27 = arith.addi %mul3A_25, %add3A_26 : i32
    "tpu.region"() ({
      %run_scoped3A = tpu.sem_alloc : memref<!tpu.dma_semaphore, #tpu.memory_space<semaphore_mem>>
      %dma_start3A = arith.constant 0 : i32
      %dma_start3A_120 = tpu.memref_slice %arg4[%add3A_27, %dma_start3A] : memref<10240x16xf32, #tpu.memory_space<vmem_shared>> -> memref<128x16xf32, #tpu.memory_space<vmem_shared>>
      %dma_start3A_121 = arith.constant 0 : i32
      %dma_start3A_122 = tpu.memref_slice %arg4[%add3A_27, %dma_start3A_121] : memref<10240x16xf32, #tpu.memory_space<vmem_shared>> -> memref<128x16xf32, #tpu.memory_space<vmem_shared>>
      tpu.enqueue_dma source(%arg6 : memref<128x16xf32, #tpu.memory_space<vmem>>) target(%dma_start3A_122 : memref<128x16xf32, #tpu.memory_space<vmem_shared>>) target_semaphore(%run_scoped3A : memref<!tpu.dma_semaphore, #tpu.memory_space<semaphore_mem>>)
      %dma_wait3A = arith.constant 0 : i32
      %dma_wait3A_123 = tpu.memref_slice %arg4[%add3A_27, %dma_wait3A] : memref<10240x16xf32, #tpu.memory_space<vmem_shared>> -> memref<128x16xf32, #tpu.memory_space<vmem_shared>>
      %dma_wait3A_124 = arith.constant 0 : i32
      %dma_wait3A_125 = tpu.memref_slice %arg4[%add3A_27, %dma_wait3A_124] : memref<10240x16xf32, #tpu.memory_space<vmem_shared>> -> memref<128x16xf32, #tpu.memory_space<vmem_shared>>
      tpu.wait_dma2 semaphore(%run_scoped3A : memref<!tpu.dma_semaphore, #tpu.memory_space<semaphore_mem>>) src(%arg6 : memref<128x16xf32, #tpu.memory_space<vmem>>) dst(%dma_wait3A_125 : memref<128x16xf32, #tpu.memory_space<vmem_shared>>)
      tpu.yield
    }) : () -> ()
    %mul3A_28 = arith.constant 640 : i32
    %mul3A_29 = arith.muli %arg1, %mul3A_28 : i32
    %add3A_30 = arith.constant 384 : i32
    %add3A_31 = arith.addi %mul3A_29, %add3A_30 : i32
    "tpu.region"() ({
      %run_scoped3A = tpu.sem_alloc : memref<!tpu.dma_semaphore, #tpu.memory_space<semaphore_mem>>
      %dma_start3A = arith.constant 0 : i32
      %dma_start3A_120 = tpu.memref_slice %arg4[%add3A_31, %dma_start3A] : memref<10240x16xf32, #tpu.memory_space<vmem_shared>> -> memref<128x16xf32, #tpu.memory_space<vmem_shared>>
      %dma_start3A_121 = arith.constant 0 : i32
      %dma_start3A_122 = tpu.memref_slice %arg4[%add3A_31, %dma_start3A_121] : memref<10240x16xf32, #tpu.memory_space<vmem_shared>> -> memref<128x16xf32, #tpu.memory_space<vmem_shared>>
      tpu.enqueue_dma source(%arg6 : memref<128x16xf32, #tpu.memory_space<vmem>>) target(%dma_start3A_122 : memref<128x16xf32, #tpu.memory_space<vmem_shared>>) target_semaphore(%run_scoped3A : memref<!tpu.dma_semaphore, #tpu.memory_space<semaphore_mem>>)
      %dma_wait3A = arith.constant 0 : i32
      %dma_wait3A_123 = tpu.memref_slice %arg4[%add3A_31, %dma_wait3A] : memref<10240x16xf32, #tpu.memory_space<vmem_shared>> -> memref<128x16xf32, #tpu.memory_space<vmem_shared>>
      %dma_wait3A_124 = arith.constant 0 : i32
      %dma_wait3A_125 = tpu.memref_slice %arg4[%add3A_31, %dma_wait3A_124] : memref<10240x16xf32, #tpu.memory_space<vmem_shared>> -> memref<128x16xf32, #tpu.memory_space<vmem_shared>>
      tpu.wait_dma2 semaphore(%run_scoped3A : memref<!tpu.dma_semaphore, #tpu.memory_space<semaphore_mem>>) src(%arg6 : memref<128x16xf32, #tpu.memory_space<vmem>>) dst(%dma_wait3A_125 : memref<128x16xf32, #tpu.memory_space<vmem_shared>>)
      tpu.yield
    }) : () -> ()
    %mul3A_32 = arith.constant 640 : i32
    %mul3A_33 = arith.muli %arg1, %mul3A_32 : i32
    %add3A_34 = arith.constant 512 : i32
    %add3A_35 = arith.addi %mul3A_33, %add3A_34 : i32
    "tpu.region"() ({
      %run_scoped3A = tpu.sem_alloc : memref<!tpu.dma_semaphore, #tpu.memory_space<semaphore_mem>>
      %dma_start3A = arith.constant 0 : i32
      %dma_start3A_120 = tpu.memref_slice %arg4[%add3A_35, %dma_start3A] : memref<10240x16xf32, #tpu.memory_space<vmem_shared>> -> memref<128x16xf32, #tpu.memory_space<vmem_shared>>
      %dma_start3A_121 = arith.constant 0 : i32
      %dma_start3A_122 = tpu.memref_slice %arg4[%add3A_35, %dma_start3A_121] : memref<10240x16xf32, #tpu.memory_space<vmem_shared>> -> memref<128x16xf32, #tpu.memory_space<vmem_shared>>
      tpu.enqueue_dma source(%arg6 : memref<128x16xf32, #tpu.memory_space<vmem>>) target(%dma_start3A_122 : memref<128x16xf32, #tpu.memory_space<vmem_shared>>) target_semaphore(%run_scoped3A : memref<!tpu.dma_semaphore, #tpu.memory_space<semaphore_mem>>)
      %dma_wait3A = arith.constant 0 : i32
      %dma_wait3A_123 = tpu.memref_slice %arg4[%add3A_35, %dma_wait3A] : memref<10240x16xf32, #tpu.memory_space<vmem_shared>> -> memref<128x16xf32, #tpu.memory_space<vmem_shared>>
      %dma_wait3A_124 = arith.constant 0 : i32
      %dma_wait3A_125 = tpu.memref_slice %arg4[%add3A_35, %dma_wait3A_124] : memref<10240x16xf32, #tpu.memory_space<vmem_shared>> -> memref<128x16xf32, #tpu.memory_space<vmem_shared>>
      tpu.wait_dma2 semaphore(%run_scoped3A : memref<!tpu.dma_semaphore, #tpu.memory_space<semaphore_mem>>) src(%arg6 : memref<128x16xf32, #tpu.memory_space<vmem>>) dst(%dma_wait3A_125 : memref<128x16xf32, #tpu.memory_space<vmem_shared>>)
      tpu.yield
    }) : () -> ()
    %barrier3A = arith.constant 0 : index
    tpu.barrier barrier_id(%barrier3A)
    %while3A = arith.constant 0 : i32
    %while3A_36 = arith.constant 0 : i32
    %while3A_37 = arith.subi %select_n3A_10, %while3A_36 : i32
    %while3A_38 = arith.addi %while3A_36, %while3A_37 : i32
    %while3A_39 = arith.constant 1 : i32
    %while3A_40 = arith.divsi %while3A_37, %while3A_39 : i32
    %while3A_41 = arith.muli %while3A_40, %while3A_39 : i32
    %while3A_42 = arith.addi %while3A_36, %while3A_41 : i32
    %while3A_43 = arith.constant 1 : i32
    scf.for %while3A_120 = %while3A_36 to %while3A_42 step %while3A_43  : i32 {
      %mul3A_121 = arith.constant 128 : i32
      %mul3A_122 = arith.muli %while3A_120, %mul3A_121 : i32
      %add3A_123 = arith.addi %add3A, %mul3A_122 : i32
      "tpu.region"() ({
        %run_scoped3A = tpu.sem_alloc : memref<!tpu.dma_semaphore, #tpu.memory_space<semaphore_mem>>
        %dma_start3A = tpu.memref_slice %arg2[%add3A_123] : memref<323584xi32, #tpu.memory_space<hbm>> -> memref<128xi32, #tpu.memory_space<hbm>>
        %dma_start3A_124 = tpu.memref_slice %arg2[%add3A_123] : memref<323584xi32, #tpu.memory_space<hbm>> -> memref<128xi32, #tpu.memory_space<hbm>>
        tpu.enqueue_dma source(%dma_start3A_124 : memref<128xi32, #tpu.memory_space<hbm>>) target(%arg8 : memref<128xi32, #tpu.memory_space<vmem>>) target_semaphore(%run_scoped3A : memref<!tpu.dma_semaphore, #tpu.memory_space<semaphore_mem>>)
        %dma_wait3A = tpu.memref_slice %arg2[%add3A_123] : memref<323584xi32, #tpu.memory_space<hbm>> -> memref<128xi32, #tpu.memory_space<hbm>>
        %dma_wait3A_125 = tpu.memref_slice %arg2[%add3A_123] : memref<323584xi32, #tpu.memory_space<hbm>> -> memref<128xi32, #tpu.memory_space<hbm>>
        tpu.wait_dma2 semaphore(%run_scoped3A : memref<!tpu.dma_semaphore, #tpu.memory_space<semaphore_mem>>) src(%dma_wait3A_125 : memref<128xi32, #tpu.memory_space<hbm>>) dst(%arg8 : memref<128xi32, #tpu.memory_space<vmem>>)
        tpu.yield
      }) : () -> ()
      "tpu.region"() ({
        %run_scoped3A = tpu.sem_alloc : memref<!tpu.dma_semaphore, #tpu.memory_space<semaphore_mem>>
        %dma_start3A = arith.constant 0 : i32
        %dma_start3A_124 = arith.constant 0 : i32
        %dma_start3A_125 = tpu.memref_slice %arg4[%dma_start3A, %dma_start3A_124] : memref<10240x16xf32, #tpu.memory_space<vmem_shared>> -> memref<10240x16xf32, #tpu.memory_space<vmem_shared>>
        tpu.enqueue_indirect_dma source(%arg5 : memref<128x16xf32, #tpu.memory_space<vmem>>) target(%dma_start3A_125 : memref<10240x16xf32, #tpu.memory_space<vmem_shared>>) offsets(%arg8 : memref<128xi32, #tpu.memory_space<vmem>>) semaphore(%run_scoped3A : memref<!tpu.dma_semaphore, #tpu.memory_space<semaphore_mem>>) {add = true}
        %dma_wait3A = arith.constant 0 : i32
        %dma_wait3A_126 = arith.constant 0 : i32
        %dma_wait3A_127 = tpu.memref_slice %arg4[%dma_wait3A, %dma_wait3A_126] : memref<10240x16xf32, #tpu.memory_space<vmem_shared>> -> memref<10240x16xf32, #tpu.memory_space<vmem_shared>>
        tpu.wait_indirect_dma semaphore(%run_scoped3A : memref<!tpu.dma_semaphore, #tpu.memory_space<semaphore_mem>>) src(%arg5 : memref<128x16xf32, #tpu.memory_space<vmem>>) dst(%dma_wait3A_127 : memref<10240x16xf32, #tpu.memory_space<vmem_shared>>)
        tpu.yield
      }) : () -> ()
    }
    %while3A_44 = arith.constant 1 : i32
    scf.for %while3A_120 = %while3A_42 to %while3A_38 step %while3A_44  : i32 {
      %mul3A_121 = arith.constant 128 : i32
      %mul3A_122 = arith.muli %while3A_120, %mul3A_121 : i32
      %add3A_123 = arith.addi %add3A, %mul3A_122 : i32
      "tpu.region"() ({
        %run_scoped3A = tpu.sem_alloc : memref<!tpu.dma_semaphore, #tpu.memory_space<semaphore_mem>>
        %dma_start3A = tpu.memref_slice %arg2[%add3A_123] : memref<323584xi32, #tpu.memory_space<hbm>> -> memref<128xi32, #tpu.memory_space<hbm>>
        %dma_start3A_124 = tpu.memref_slice %arg2[%add3A_123] : memref<323584xi32, #tpu.memory_space<hbm>> -> memref<128xi32, #tpu.memory_space<hbm>>
        tpu.enqueue_dma source(%dma_start3A_124 : memref<128xi32, #tpu.memory_space<hbm>>) target(%arg8 : memref<128xi32, #tpu.memory_space<vmem>>) target_semaphore(%run_scoped3A : memref<!tpu.dma_semaphore, #tpu.memory_space<semaphore_mem>>)
        %dma_wait3A = tpu.memref_slice %arg2[%add3A_123] : memref<323584xi32, #tpu.memory_space<hbm>> -> memref<128xi32, #tpu.memory_space<hbm>>
        %dma_wait3A_125 = tpu.memref_slice %arg2[%add3A_123] : memref<323584xi32, #tpu.memory_space<hbm>> -> memref<128xi32, #tpu.memory_space<hbm>>
        tpu.wait_dma2 semaphore(%run_scoped3A : memref<!tpu.dma_semaphore, #tpu.memory_space<semaphore_mem>>) src(%dma_wait3A_125 : memref<128xi32, #tpu.memory_space<hbm>>) dst(%arg8 : memref<128xi32, #tpu.memory_space<vmem>>)
        tpu.yield
      }) : () -> ()
      "tpu.region"() ({
        %run_scoped3A = tpu.sem_alloc : memref<!tpu.dma_semaphore, #tpu.memory_space<semaphore_mem>>
        %dma_start3A = arith.constant 0 : i32
        %dma_start3A_124 = arith.constant 0 : i32
        %dma_start3A_125 = tpu.memref_slice %arg4[%dma_start3A, %dma_start3A_124] : memref<10240x16xf32, #tpu.memory_space<vmem_shared>> -> memref<10240x16xf32, #tpu.memory_space<vmem_shared>>
        tpu.enqueue_indirect_dma source(%arg5 : memref<128x16xf32, #tpu.memory_space<vmem>>) target(%dma_start3A_125 : memref<10240x16xf32, #tpu.memory_space<vmem_shared>>) offsets(%arg8 : memref<128xi32, #tpu.memory_space<vmem>>) semaphore(%run_scoped3A : memref<!tpu.dma_semaphore, #tpu.memory_space<semaphore_mem>>) {add = true}
        %dma_wait3A = arith.constant 0 : i32
        %dma_wait3A_126 = arith.constant 0 : i32
        %dma_wait3A_127 = tpu.memref_slice %arg4[%dma_wait3A, %dma_wait3A_126] : memref<10240x16xf32, #tpu.memory_space<vmem_shared>> -> memref<10240x16xf32, #tpu.memory_space<vmem_shared>>
        tpu.wait_indirect_dma semaphore(%run_scoped3A : memref<!tpu.dma_semaphore, #tpu.memory_space<semaphore_mem>>) src(%arg5 : memref<128x16xf32, #tpu.memory_space<vmem>>) dst(%dma_wait3A_127 : memref<10240x16xf32, #tpu.memory_space<vmem_shared>>)
        tpu.yield
      }) : () -> ()
    }
    %barrier3A_45 = arith.constant 0 : index
    tpu.barrier barrier_id(%barrier3A_45)
    %mul3A_46 = arith.constant 640 : i32
    %mul3A_47 = arith.muli %arg1, %mul3A_46 : i32
    %add3A_48 = arith.constant 0 : i32
    %add3A_49 = arith.addi %mul3A_47, %add3A_48 : i32
    "tpu.region"() ({
      %run_scoped3A = tpu.sem_alloc : memref<!tpu.dma_semaphore, #tpu.memory_space<semaphore_mem>>
      %dma_start3A = arith.constant 0 : i32
      %dma_start3A_120 = tpu.memref_slice %arg4[%add3A_49, %dma_start3A] : memref<10240x16xf32, #tpu.memory_space<vmem_shared>> -> memref<128x16xf32, #tpu.memory_space<vmem_shared>>
      %dma_start3A_121 = arith.constant 0 : i32
      %dma_start3A_122 = tpu.memref_slice %arg4[%add3A_49, %dma_start3A_121] : memref<10240x16xf32, #tpu.memory_space<vmem_shared>> -> memref<128x16xf32, #tpu.memory_space<vmem_shared>>
      tpu.enqueue_dma source(%dma_start3A_122 : memref<128x16xf32, #tpu.memory_space<vmem_shared>>) target(%arg6 : memref<128x16xf32, #tpu.memory_space<vmem>>) target_semaphore(%run_scoped3A : memref<!tpu.dma_semaphore, #tpu.memory_space<semaphore_mem>>)
      %dma_wait3A = arith.constant 0 : i32
      %dma_wait3A_123 = tpu.memref_slice %arg4[%add3A_49, %dma_wait3A] : memref<10240x16xf32, #tpu.memory_space<vmem_shared>> -> memref<128x16xf32, #tpu.memory_space<vmem_shared>>
      %dma_wait3A_124 = arith.constant 0 : i32
      %dma_wait3A_125 = tpu.memref_slice %arg4[%add3A_49, %dma_wait3A_124] : memref<10240x16xf32, #tpu.memory_space<vmem_shared>> -> memref<128x16xf32, #tpu.memory_space<vmem_shared>>
      tpu.wait_dma2 semaphore(%run_scoped3A : memref<!tpu.dma_semaphore, #tpu.memory_space<semaphore_mem>>) src(%dma_wait3A_125 : memref<128x16xf32, #tpu.memory_space<vmem_shared>>) dst(%arg6 : memref<128x16xf32, #tpu.memory_space<vmem>>)
      tpu.yield
    }) : () -> ()
    %scan3A_50 = arith.constant 0 : i32
    %scan3A_51 = arith.constant 0 : i32
    %scan3A_52 = arith.constant 16 : i32
    %scan3A_53 = arith.addi %scan3A_51, %scan3A_52 : i32
    %scan3A_54 = arith.constant 1 : i32
    scf.for %scan3A_120 = %scan3A_51 to %scan3A_53 step %scan3A_54  : i32 {
      %mul3A_121 = arith.constant 8 : i32
      %mul3A_122 = arith.muli %mul3A_121, %scan3A_120 : i32
      %add3A_123 = arith.constant 0 : i32
      %add3A_124 = arith.addi %mul3A_122, %add3A_123 : i32
      %get3A = arith.index_cast %add3A_124 : i32 to index
      %get3A_125 = arith.constant 0 : index
      %get3A_126 = tpu.vector_load %arg6[%get3A, %get3A_125] {strides = array<i32>} : memref<128x16xf32, #tpu.memory_space<vmem>>, vector<1x16xf32>,
      %get3A_127 = vector.shape_cast %get3A_126 : vector<1x16xf32> to vector<16xf32>
      %swap3A = arith.index_cast %scan3A_120 : i32 to index
      %swap3A_128 = arith.constant 0 : index
      %swap3A_129 = tpu.vector_load %arg7[%swap3A, %swap3A_128] {strides = array<i32>} : memref<16x128xf32, #tpu.memory_space<vmem>>, vector<1x16xf32>,
      %swap3A_130 = vector.shape_cast %swap3A_129 : vector<1x16xf32> to vector<16xf32>
      %swap3A_131 = vector.shape_cast %get3A_127 : vector<16xf32> to vector<1x16xf32>
      tpu.vector_store %arg7[%swap3A, %swap3A_128], %swap3A_131 {strides = array<i32>} : memref<16x128xf32, #tpu.memory_space<vmem>>, vector<1x16xf32>,
      %mul3A_132 = arith.constant 8 : i32
      %mul3A_133 = arith.muli %mul3A_132, %scan3A_120 : i32
      %add3A_134 = arith.constant 1 : i32
      %add3A_135 = arith.addi %mul3A_133, %add3A_134 : i32
      %get3A_136 = arith.index_cast %add3A_135 : i32 to index
      %get3A_137 = arith.constant 0 : index
      %get3A_138 = tpu.vector_load %arg6[%get3A_136, %get3A_137] {strides = array<i32>} : memref<128x16xf32, #tpu.memory_space<vmem>>, vector<1x16xf32>,
      %get3A_139 = vector.shape_cast %get3A_138 : vector<1x16xf32> to vector<16xf32>
      %swap3A_140 = arith.index_cast %scan3A_120 : i32 to index
      %swap3A_141 = arith.constant 16 : index
      %swap3A_142 = tpu.vector_load %arg7[%swap3A_140, %swap3A_141] {strides = array<i32>} : memref<16x128xf32, #tpu.memory_space<vmem>>, vector<1x16xf32>,
      %swap3A_143 = vector.shape_cast %swap3A_142 : vector<1x16xf32> to vector<16xf32>
      %swap3A_144 = vector.shape_cast %get3A_139 : vector<16xf32> to vector<1x16xf32>
      tpu.vector_store %arg7[%swap3A_140, %swap3A_141], %swap3A_144 {strides = array<i32>} : memref<16x128xf32, #tpu.memory_space<vmem>>, vector<1x16xf32>,
      %mul3A_145 = arith.constant 8 : i32
      %mul3A_146 = arith.muli %mul3A_145, %scan3A_120 : i32
      %add3A_147 = arith.constant 2 : i32
      %add3A_148 = arith.addi %mul3A_146, %add3A_147 : i32
      %get3A_149 = arith.index_cast %add3A_148 : i32 to index
      %get3A_150 = arith.constant 0 : index
      %get3A_151 = tpu.vector_load %arg6[%get3A_149, %get3A_150] {strides = array<i32>} : memref<128x16xf32, #tpu.memory_space<vmem>>, vector<1x16xf32>,
      %get3A_152 = vector.shape_cast %get3A_151 : vector<1x16xf32> to vector<16xf32>
      %swap3A_153 = arith.index_cast %scan3A_120 : i32 to index
      %swap3A_154 = arith.constant 32 : index
      %swap3A_155 = tpu.vector_load %arg7[%swap3A_153, %swap3A_154] {strides = array<i32>} : memref<16x128xf32, #tpu.memory_space<vmem>>, vector<1x16xf32>,
      %swap3A_156 = vector.shape_cast %swap3A_155 : vector<1x16xf32> to vector<16xf32>
      %swap3A_157 = vector.shape_cast %get3A_152 : vector<16xf32> to vector<1x16xf32>
      tpu.vector_store %arg7[%swap3A_153, %swap3A_154], %swap3A_157 {strides = array<i32>} : memref<16x128xf32, #tpu.memory_space<vmem>>, vector<1x16xf32>,
      %mul3A_158 = arith.constant 8 : i32
      %mul3A_159 = arith.muli %mul3A_158, %scan3A_120 : i32
      %add3A_160 = arith.constant 3 : i32
      %add3A_161 = arith.addi %mul3A_159, %add3A_160 : i32
      %get3A_162 = arith.index_cast %add3A_161 : i32 to index
      %get3A_163 = arith.constant 0 : index
      %get3A_164 = tpu.vector_load %arg6[%get3A_162, %get3A_163] {strides = array<i32>} : memref<128x16xf32, #tpu.memory_space<vmem>>, vector<1x16xf32>,
      %get3A_165 = vector.shape_cast %get3A_164 : vector<1x16xf32> to vector<16xf32>
      %swap3A_166 = arith.index_cast %scan3A_120 : i32 to index
      %swap3A_167 = arith.constant 48 : index
      %swap3A_168 = tpu.vector_load %arg7[%swap3A_166, %swap3A_167] {strides = array<i32>} : memref<16x128xf32, #tpu.memory_space<vmem>>, vector<1x16xf32>,
      %swap3A_169 = vector.shape_cast %swap3A_168 : vector<1x16xf32> to vector<16xf32>
      %swap3A_170 = vector.shape_cast %get3A_165 : vector<16xf32> to vector<1x16xf32>
      tpu.vector_store %arg7[%swap3A_166, %swap3A_167], %swap3A_170 {strides = array<i32>} : memref<16x128xf32, #tpu.memory_space<vmem>>, vector<1x16xf32>,
      %mul3A_171 = arith.constant 8 : i32
      %mul3A_172 = arith.muli %mul3A_171, %scan3A_120 : i32
      %add3A_173 = arith.constant 4 : i32
      %add3A_174 = arith.addi %mul3A_172, %add3A_173 : i32
      %get3A_175 = arith.index_cast %add3A_174 : i32 to index
      %get3A_176 = arith.constant 0 : index
      %get3A_177 = tpu.vector_load %arg6[%get3A_175, %get3A_176] {strides = array<i32>} : memref<128x16xf32, #tpu.memory_space<vmem>>, vector<1x16xf32>,
      %get3A_178 = vector.shape_cast %get3A_177 : vector<1x16xf32> to vector<16xf32>
      %swap3A_179 = arith.index_cast %scan3A_120 : i32 to index
      %swap3A_180 = arith.constant 64 : index
      %swap3A_181 = tpu.vector_load %arg7[%swap3A_179, %swap3A_180] {strides = array<i32>} : memref<16x128xf32, #tpu.memory_space<vmem>>, vector<1x16xf32>,
      %swap3A_182 = vector.shape_cast %swap3A_181 : vector<1x16xf32> to vector<16xf32>
      %swap3A_183 = vector.shape_cast %get3A_178 : vector<16xf32> to vector<1x16xf32>
      tpu.vector_store %arg7[%swap3A_179, %swap3A_180], %swap3A_183 {strides = array<i32>} : memref<16x128xf32, #tpu.memory_space<vmem>>, vector<1x16xf32>,
      %mul3A_184 = arith.constant 8 : i32
      %mul3A_185 = arith.muli %mul3A_184, %scan3A_120 : i32
      %add3A_186 = arith.constant 5 : i32
      %add3A_187 = arith.addi %mul3A_185, %add3A_186 : i32
      %get3A_188 = arith.index_cast %add3A_187 : i32 to index
      %get3A_189 = arith.constant 0 : index
      %get3A_190 = tpu.vector_load %arg6[%get3A_188, %get3A_189] {strides = array<i32>} : memref<128x16xf32, #tpu.memory_space<vmem>>, vector<1x16xf32>,
      %get3A_191 = vector.shape_cast %get3A_190 : vector<1x16xf32> to vector<16xf32>
      %swap3A_192 = arith.index_cast %scan3A_120 : i32 to index
      %swap3A_193 = arith.constant 80 : index
      %swap3A_194 = tpu.vector_load %arg7[%swap3A_192, %swap3A_193] {strides = array<i32>} : memref<16x128xf32, #tpu.memory_space<vmem>>, vector<1x16xf32>,
      %swap3A_195 = vector.shape_cast %swap3A_194 : vector<1x16xf32> to vector<16xf32>
      %swap3A_196 = vector.shape_cast %get3A_191 : vector<16xf32> to vector<1x16xf32>
      tpu.vector_store %arg7[%swap3A_192, %swap3A_193], %swap3A_196 {strides = array<i32>} : memref<16x128xf32, #tpu.memory_space<vmem>>, vector<1x16xf32>,
      %mul3A_197 = arith.constant 8 : i32
      %mul3A_198 = arith.muli %mul3A_197, %scan3A_120 : i32
      %add3A_199 = arith.constant 6 : i32
      %add3A_200 = arith.addi %mul3A_198, %add3A_199 : i32
      %get3A_201 = arith.index_cast %add3A_200 : i32 to index
      %get3A_202 = arith.constant 0 : index
      %get3A_203 = tpu.vector_load %arg6[%get3A_201, %get3A_202] {strides = array<i32>} : memref<128x16xf32, #tpu.memory_space<vmem>>, vector<1x16xf32>,
      %get3A_204 = vector.shape_cast %get3A_203 : vector<1x16xf32> to vector<16xf32>
      %swap3A_205 = arith.index_cast %scan3A_120 : i32 to index
      %swap3A_206 = arith.constant 96 : index
      %swap3A_207 = tpu.vector_load %arg7[%swap3A_205, %swap3A_206] {strides = array<i32>} : memref<16x128xf32, #tpu.memory_space<vmem>>, vector<1x16xf32>,
      %swap3A_208 = vector.shape_cast %swap3A_207 : vector<1x16xf32> to vector<16xf32>
      %swap3A_209 = vector.shape_cast %get3A_204 : vector<16xf32> to vector<1x16xf32>
      tpu.vector_store %arg7[%swap3A_205, %swap3A_206], %swap3A_209 {strides = array<i32>} : memref<16x128xf32, #tpu.memory_space<vmem>>, vector<1x16xf32>,
      %mul3A_210 = arith.constant 8 : i32
      %mul3A_211 = arith.muli %mul3A_210, %scan3A_120 : i32
      %add3A_212 = arith.constant 7 : i32
      %add3A_213 = arith.addi %mul3A_211, %add3A_212 : i32
      %get3A_214 = arith.index_cast %add3A_213 : i32 to index
      %get3A_215 = arith.constant 0 : index
      %get3A_216 = tpu.vector_load %arg6[%get3A_214, %get3A_215] {strides = array<i32>} : memref<128x16xf32, #tpu.memory_space<vmem>>, vector<1x16xf32>,
      %get3A_217 = vector.shape_cast %get3A_216 : vector<1x16xf32> to vector<16xf32>
      %swap3A_218 = arith.index_cast %scan3A_120 : i32 to index
      %swap3A_219 = arith.constant 112 : index
      %swap3A_220 = tpu.vector_load %arg7[%swap3A_218, %swap3A_219] {strides = array<i32>} : memref<16x128xf32, #tpu.memory_space<vmem>>, vector<1x16xf32>,
      %swap3A_221 = vector.shape_cast %swap3A_220 : vector<1x16xf32> to vector<16xf32>
      %swap3A_222 = vector.shape_cast %get3A_217 : vector<16xf32> to vector<1x16xf32>
      tpu.vector_store %arg7[%swap3A_218, %swap3A_219], %swap3A_222 {strides = array<i32>} : memref<16x128xf32, #tpu.memory_space<vmem>>, vector<1x16xf32>,
    }
    %scan3A_55 = arith.constant 16 : i32
    %mul3A_56 = arith.constant 80 : i32
    %mul3A_57 = arith.muli %arg1, %mul3A_56 : i32
    %add3A_58 = arith.constant 0 : i32
    %add3A_59 = arith.addi %mul3A_57, %add3A_58 : i32
    %multiple_of3A = tpu.assume_multiple %add3A_59, 8 : i32
    "tpu.region"() ({
      %run_scoped3A = tpu.sem_alloc : memref<!tpu.dma_semaphore, #tpu.memory_space<semaphore_mem>>
      %dma_start3A = arith.constant 0 : i32
      %dma_start3A_120 = tpu.memref_slice %arg3[%arg0, %multiple_of3A, %dma_start3A] : memref<2x1280x128xf32, #tpu.memory_space<hbm>> -> memref<1x16x128xf32, #tpu.memory_space<hbm>>
      %dma_start3A_121 = tpu.memref_squeeze %dma_start3A_120 : memref<1x16x128xf32, #tpu.memory_space<hbm>> -> memref<16x128xf32, #tpu.memory_space<hbm>>
      %dma_start3A_122 = arith.constant 0 : i32
      %dma_start3A_123 = tpu.memref_slice %arg3[%arg0, %multiple_of3A, %dma_start3A_122] : memref<2x1280x128xf32, #tpu.memory_space<hbm>> -> memref<1x16x128xf32, #tpu.memory_space<hbm>>
      %dma_start3A_124 = tpu.memref_squeeze %dma_start3A_123 : memref<1x16x128xf32, #tpu.memory_space<hbm>> -> memref<16x128xf32, #tpu.memory_space<hbm>>
      tpu.enqueue_dma source(%arg7 : memref<16x128xf32, #tpu.memory_space<vmem>>) target(%dma_start3A_124 : memref<16x128xf32, #tpu.memory_space<hbm>>) target_semaphore(%run_scoped3A : memref<!tpu.dma_semaphore, #tpu.memory_space<semaphore_mem>>)
      %dma_wait3A = arith.constant 0 : i32
      %dma_wait3A_125 = tpu.memref_slice %arg3[%arg0, %multiple_of3A, %dma_wait3A] : memref<2x1280x128xf32, #tpu.memory_space<hbm>> -> memref<1x16x128xf32, #tpu.memory_space<hbm>>
      %dma_wait3A_126 = tpu.memref_squeeze %dma_wait3A_125 : memref<1x16x128xf32, #tpu.memory_space<hbm>> -> memref<16x128xf32, #tpu.memory_space<hbm>>
      %dma_wait3A_127 = arith.constant 0 : i32
      %dma_wait3A_128 = tpu.memref_slice %arg3[%arg0, %multiple_of3A, %dma_wait3A_127] : memref<2x1280x128xf32, #tpu.memory_space<hbm>> -> memref<1x16x128xf32, #tpu.memory_space<hbm>>
      %dma_wait3A_129 = tpu.memref_squeeze %dma_wait3A_128 : memref<1x16x128xf32, #tpu.memory_space<hbm>> -> memref<16x128xf32, #tpu.memory_space<hbm>>
      tpu.wait_dma2 semaphore(%run_scoped3A : memref<!tpu.dma_semaphore, #tpu.memory_space<semaphore_mem>>) src(%arg7 : memref<16x128xf32, #tpu.memory_space<vmem>>) dst(%dma_wait3A_129 : memref<16x128xf32, #tpu.memory_space<hbm>>)
      tpu.yield
    }) : () -> ()
    %mul3A_60 = arith.constant 640 : i32
    %mul3A_61 = arith.muli %arg1, %mul3A_60 : i32
    %add3A_62 = arith.constant 128 : i32
    %add3A_63 = arith.addi %mul3A_61, %add3A_62 : i32
    "tpu.region"() ({
      %run_scoped3A = tpu.sem_alloc : memref<!tpu.dma_semaphore, #tpu.memory_space<semaphore_mem>>
      %dma_start3A = arith.constant 0 : i32
      %dma_start3A_120 = tpu.memref_slice %arg4[%add3A_63, %dma_start3A] : memref<10240x16xf32, #tpu.memory_space<vmem_shared>> -> memref<128x16xf32, #tpu.memory_space<vmem_shared>>
      %dma_start3A_121 = arith.constant 0 : i32
      %dma_start3A_122 = tpu.memref_slice %arg4[%add3A_63, %dma_start3A_121] : memref<10240x16xf32, #tpu.memory_space<vmem_shared>> -> memref<128x16xf32, #tpu.memory_space<vmem_shared>>
      tpu.enqueue_dma source(%dma_start3A_122 : memref<128x16xf32, #tpu.memory_space<vmem_shared>>) target(%arg6 : memref<128x16xf32, #tpu.memory_space<vmem>>) target_semaphore(%run_scoped3A : memref<!tpu.dma_semaphore, #tpu.memory_space<semaphore_mem>>)
      %dma_wait3A = arith.constant 0 : i32
      %dma_wait3A_123 = tpu.memref_slice %arg4[%add3A_63, %dma_wait3A] : memref<10240x16xf32, #tpu.memory_space<vmem_shared>> -> memref<128x16xf32, #tpu.memory_space<vmem_shared>>
      %dma_wait3A_124 = arith.constant 0 : i32
      %dma_wait3A_125 = tpu.memref_slice %arg4[%add3A_63, %dma_wait3A_124] : memref<10240x16xf32, #tpu.memory_space<vmem_shared>> -> memref<128x16xf32, #tpu.memory_space<vmem_shared>>
      tpu.wait_dma2 semaphore(%run_scoped3A : memref<!tpu.dma_semaphore, #tpu.memory_space<semaphore_mem>>) src(%dma_wait3A_125 : memref<128x16xf32, #tpu.memory_space<vmem_shared>>) dst(%arg6 : memref<128x16xf32, #tpu.memory_space<vmem>>)
      tpu.yield
    }) : () -> ()
    %scan3A_64 = arith.constant 0 : i32
    %scan3A_65 = arith.constant 0 : i32
    %scan3A_66 = arith.constant 16 : i32
    %scan3A_67 = arith.addi %scan3A_65, %scan3A_66 : i32
    %scan3A_68 = arith.constant 1 : i32
    scf.for %scan3A_120 = %scan3A_65 to %scan3A_67 step %scan3A_68  : i32 {
      %mul3A_121 = arith.constant 8 : i32
      %mul3A_122 = arith.muli %mul3A_121, %scan3A_120 : i32
      %add3A_123 = arith.constant 0 : i32
      %add3A_124 = arith.addi %mul3A_122, %add3A_123 : i32
      %get3A = arith.index_cast %add3A_124 : i32 to index
      %get3A_125 = arith.constant 0 : index
      %get3A_126 = tpu.vector_load %arg6[%get3A, %get3A_125] {strides = array<i32>} : memref<128x16xf32, #tpu.memory_space<vmem>>, vector<1x16xf32>,
      %get3A_127 = vector.shape_cast %get3A_126 : vector<1x16xf32> to vector<16xf32>
      %swap3A = arith.index_cast %scan3A_120 : i32 to index
      %swap3A_128 = arith.constant 0 : index
      %swap3A_129 = tpu.vector_load %arg7[%swap3A, %swap3A_128] {strides = array<i32>} : memref<16x128xf32, #tpu.memory_space<vmem>>, vector<1x16xf32>,
      %swap3A_130 = vector.shape_cast %swap3A_129 : vector<1x16xf32> to vector<16xf32>
      %swap3A_131 = vector.shape_cast %get3A_127 : vector<16xf32> to vector<1x16xf32>
      tpu.vector_store %arg7[%swap3A, %swap3A_128], %swap3A_131 {strides = array<i32>} : memref<16x128xf32, #tpu.memory_space<vmem>>, vector<1x16xf32>,
      %mul3A_132 = arith.constant 8 : i32
      %mul3A_133 = arith.muli %mul3A_132, %scan3A_120 : i32
      %add3A_134 = arith.constant 1 : i32
      %add3A_135 = arith.addi %mul3A_133, %add3A_134 : i32
      %get3A_136 = arith.index_cast %add3A_135 : i32 to index
      %get3A_137 = arith.constant 0 : index
      %get3A_138 = tpu.vector_load %arg6[%get3A_136, %get3A_137] {strides = array<i32>} : memref<128x16xf32, #tpu.memory_space<vmem>>, vector<1x16xf32>,
      %get3A_139 = vector.shape_cast %get3A_138 : vector<1x16xf32> to vector<16xf32>
      %swap3A_140 = arith.index_cast %scan3A_120 : i32 to index
      %swap3A_141 = arith.constant 16 : index
      %swap3A_142 = tpu.vector_load %arg7[%swap3A_140, %swap3A_141] {strides = array<i32>} : memref<16x128xf32, #tpu.memory_space<vmem>>, vector<1x16xf32>,
      %swap3A_143 = vector.shape_cast %swap3A_142 : vector<1x16xf32> to vector<16xf32>
      %swap3A_144 = vector.shape_cast %get3A_139 : vector<16xf32> to vector<1x16xf32>
      tpu.vector_store %arg7[%swap3A_140, %swap3A_141], %swap3A_144 {strides = array<i32>} : memref<16x128xf32, #tpu.memory_space<vmem>>, vector<1x16xf32>,
      %mul3A_145 = arith.constant 8 : i32
      %mul3A_146 = arith.muli %mul3A_145, %scan3A_120 : i32
      %add3A_147 = arith.constant 2 : i32
      %add3A_148 = arith.addi %mul3A_146, %add3A_147 : i32
      %get3A_149 = arith.index_cast %add3A_148 : i32 to index
      %get3A_150 = arith.constant 0 : index
      %get3A_151 = tpu.vector_load %arg6[%get3A_149, %get3A_150] {strides = array<i32>} : memref<128x16xf32, #tpu.memory_space<vmem>>, vector<1x16xf32>,
      %get3A_152 = vector.shape_cast %get3A_151 : vector<1x16xf32> to vector<16xf32>
      %swap3A_153 = arith.index_cast %scan3A_120 : i32 to index
      %swap3A_154 = arith.constant 32 : index
      %swap3A_155 = tpu.vector_load %arg7[%swap3A_153, %swap3A_154] {strides = array<i32>} : memref<16x128xf32, #tpu.memory_space<vmem>>, vector<1x16xf32>,
      %swap3A_156 = vector.shape_cast %swap3A_155 : vector<1x16xf32> to vector<16xf32>
      %swap3A_157 = vector.shape_cast %get3A_152 : vector<16xf32> to vector<1x16xf32>
      tpu.vector_store %arg7[%swap3A_153, %swap3A_154], %swap3A_157 {strides = array<i32>} : memref<16x128xf32, #tpu.memory_space<vmem>>, vector<1x16xf32>,
      %mul3A_158 = arith.constant 8 : i32
      %mul3A_159 = arith.muli %mul3A_158, %scan3A_120 : i32
      %add3A_160 = arith.constant 3 : i32
      %add3A_161 = arith.addi %mul3A_159, %add3A_160 : i32
      %get3A_162 = arith.index_cast %add3A_161 : i32 to index
      %get3A_163 = arith.constant 0 : index
      %get3A_164 = tpu.vector_load %arg6[%get3A_162, %get3A_163] {strides = array<i32>} : memref<128x16xf32, #tpu.memory_space<vmem>>, vector<1x16xf32>,
      %get3A_165 = vector.shape_cast %get3A_164 : vector<1x16xf32> to vector<16xf32>
      %swap3A_166 = arith.index_cast %scan3A_120 : i32 to index
      %swap3A_167 = arith.constant 48 : index
      %swap3A_168 = tpu.vector_load %arg7[%swap3A_166, %swap3A_167] {strides = array<i32>} : memref<16x128xf32, #tpu.memory_space<vmem>>, vector<1x16xf32>,
      %swap3A_169 = vector.shape_cast %swap3A_168 : vector<1x16xf32> to vector<16xf32>
      %swap3A_170 = vector.shape_cast %get3A_165 : vector<16xf32> to vector<1x16xf32>
      tpu.vector_store %arg7[%swap3A_166, %swap3A_167], %swap3A_170 {strides = array<i32>} : memref<16x128xf32, #tpu.memory_space<vmem>>, vector<1x16xf32>,
      %mul3A_171 = arith.constant 8 : i32
      %mul3A_172 = arith.muli %mul3A_171, %scan3A_120 : i32
      %add3A_173 = arith.constant 4 : i32
      %add3A_174 = arith.addi %mul3A_172, %add3A_173 : i32
      %get3A_175 = arith.index_cast %add3A_174 : i32 to index
      %get3A_176 = arith.constant 0 : index
      %get3A_177 = tpu.vector_load %arg6[%get3A_175, %get3A_176] {strides = array<i32>} : memref<128x16xf32, #tpu.memory_space<vmem>>, vector<1x16xf32>,
      %get3A_178 = vector.shape_cast %get3A_177 : vector<1x16xf32> to vector<16xf32>
      %swap3A_179 = arith.index_cast %scan3A_120 : i32 to index
      %swap3A_180 = arith.constant 64 : index
      %swap3A_181 = tpu.vector_load %arg7[%swap3A_179, %swap3A_180] {strides = array<i32>} : memref<16x128xf32, #tpu.memory_space<vmem>>, vector<1x16xf32>,
      %swap3A_182 = vector.shape_cast %swap3A_181 : vector<1x16xf32> to vector<16xf32>
      %swap3A_183 = vector.shape_cast %get3A_178 : vector<16xf32> to vector<1x16xf32>
      tpu.vector_store %arg7[%swap3A_179, %swap3A_180], %swap3A_183 {strides = array<i32>} : memref<16x128xf32, #tpu.memory_space<vmem>>, vector<1x16xf32>,
      %mul3A_184 = arith.constant 8 : i32
      %mul3A_185 = arith.muli %mul3A_184, %scan3A_120 : i32
      %add3A_186 = arith.constant 5 : i32
      %add3A_187 = arith.addi %mul3A_185, %add3A_186 : i32
      %get3A_188 = arith.index_cast %add3A_187 : i32 to index
      %get3A_189 = arith.constant 0 : index
      %get3A_190 = tpu.vector_load %arg6[%get3A_188, %get3A_189] {strides = array<i32>} : memref<128x16xf32, #tpu.memory_space<vmem>>, vector<1x16xf32>,
      %get3A_191 = vector.shape_cast %get3A_190 : vector<1x16xf32> to vector<16xf32>
      %swap3A_192 = arith.index_cast %scan3A_120 : i32 to index
      %swap3A_193 = arith.constant 80 : index
      %swap3A_194 = tpu.vector_load %arg7[%swap3A_192, %swap3A_193] {strides = array<i32>} : memref<16x128xf32, #tpu.memory_space<vmem>>, vector<1x16xf32>,
      %swap3A_195 = vector.shape_cast %swap3A_194 : vector<1x16xf32> to vector<16xf32>
      %swap3A_196 = vector.shape_cast %get3A_191 : vector<16xf32> to vector<1x16xf32>
      tpu.vector_store %arg7[%swap3A_192, %swap3A_193], %swap3A_196 {strides = array<i32>} : memref<16x128xf32, #tpu.memory_space<vmem>>, vector<1x16xf32>,
      %mul3A_197 = arith.constant 8 : i32
      %mul3A_198 = arith.muli %mul3A_197, %scan3A_120 : i32
      %add3A_199 = arith.constant 6 : i32
      %add3A_200 = arith.addi %mul3A_198, %add3A_199 : i32
      %get3A_201 = arith.index_cast %add3A_200 : i32 to index
      %get3A_202 = arith.constant 0 : index
      %get3A_203 = tpu.vector_load %arg6[%get3A_201, %get3A_202] {strides = array<i32>} : memref<128x16xf32, #tpu.memory_space<vmem>>, vector<1x16xf32>,
      %get3A_204 = vector.shape_cast %get3A_203 : vector<1x16xf32> to vector<16xf32>
      %swap3A_205 = arith.index_cast %scan3A_120 : i32 to index
      %swap3A_206 = arith.constant 96 : index
      %swap3A_207 = tpu.vector_load %arg7[%swap3A_205, %swap3A_206] {strides = array<i32>} : memref<16x128xf32, #tpu.memory_space<vmem>>, vector<1x16xf32>,
      %swap3A_208 = vector.shape_cast %swap3A_207 : vector<1x16xf32> to vector<16xf32>
      %swap3A_209 = vector.shape_cast %get3A_204 : vector<16xf32> to vector<1x16xf32>
      tpu.vector_store %arg7[%swap3A_205, %swap3A_206], %swap3A_209 {strides = array<i32>} : memref<16x128xf32, #tpu.memory_space<vmem>>, vector<1x16xf32>,
      %mul3A_210 = arith.constant 8 : i32
      %mul3A_211 = arith.muli %mul3A_210, %scan3A_120 : i32
      %add3A_212 = arith.constant 7 : i32
      %add3A_213 = arith.addi %mul3A_211, %add3A_212 : i32
      %get3A_214 = arith.index_cast %add3A_213 : i32 to index
      %get3A_215 = arith.constant 0 : index
      %get3A_216 = tpu.vector_load %arg6[%get3A_214, %get3A_215] {strides = array<i32>} : memref<128x16xf32, #tpu.memory_space<vmem>>, vector<1x16xf32>,
      %get3A_217 = vector.shape_cast %get3A_216 : vector<1x16xf32> to vector<16xf32>
      %swap3A_218 = arith.index_cast %scan3A_120 : i32 to index
      %swap3A_219 = arith.constant 112 : index
      %swap3A_220 = tpu.vector_load %arg7[%swap3A_218, %swap3A_219] {strides = array<i32>} : memref<16x128xf32, #tpu.memory_space<vmem>>, vector<1x16xf32>,
      %swap3A_221 = vector.shape_cast %swap3A_220 : vector<1x16xf32> to vector<16xf32>
      %swap3A_222 = vector.shape_cast %get3A_217 : vector<16xf32> to vector<1x16xf32>
      tpu.vector_store %arg7[%swap3A_218, %swap3A_219], %swap3A_222 {strides = array<i32>} : memref<16x128xf32, #tpu.memory_space<vmem>>, vector<1x16xf32>,
    }
    %scan3A_69 = arith.constant 16 : i32
    %mul3A_70 = arith.constant 80 : i32
    %mul3A_71 = arith.muli %arg1, %mul3A_70 : i32
    %add3A_72 = arith.constant 16 : i32
    %add3A_73 = arith.addi %mul3A_71, %add3A_72 : i32
    %multiple_of3A_74 = tpu.assume_multiple %add3A_73, 8 : i32
    "tpu.region"() ({
      %run_scoped3A = tpu.sem_alloc : memref<!tpu.dma_semaphore, #tpu.memory_space<semaphore_mem>>
      %dma_start3A = arith.constant 0 : i32
      %dma_start3A_120 = tpu.memref_slice %arg3[%arg0, %multiple_of3A_74, %dma_start3A] : memref<2x1280x128xf32, #tpu.memory_space<hbm>> -> memref<1x16x128xf32, #tpu.memory_space<hbm>>
      %dma_start3A_121 = tpu.memref_squeeze %dma_start3A_120 : memref<1x16x128xf32, #tpu.memory_space<hbm>> -> memref<16x128xf32, #tpu.memory_space<hbm>>
      %dma_start3A_122 = arith.constant 0 : i32
      %dma_start3A_123 = tpu.memref_slice %arg3[%arg0, %multiple_of3A_74, %dma_start3A_122] : memref<2x1280x128xf32, #tpu.memory_space<hbm>> -> memref<1x16x128xf32, #tpu.memory_space<hbm>>
      %dma_start3A_124 = tpu.memref_squeeze %dma_start3A_123 : memref<1x16x128xf32, #tpu.memory_space<hbm>> -> memref<16x128xf32, #tpu.memory_space<hbm>>
      tpu.enqueue_dma source(%arg7 : memref<16x128xf32, #tpu.memory_space<vmem>>) target(%dma_start3A_124 : memref<16x128xf32, #tpu.memory_space<hbm>>) target_semaphore(%run_scoped3A : memref<!tpu.dma_semaphore, #tpu.memory_space<semaphore_mem>>)
      %dma_wait3A = arith.constant 0 : i32
      %dma_wait3A_125 = tpu.memref_slice %arg3[%arg0, %multiple_of3A_74, %dma_wait3A] : memref<2x1280x128xf32, #tpu.memory_space<hbm>> -> memref<1x16x128xf32, #tpu.memory_space<hbm>>
      %dma_wait3A_126 = tpu.memref_squeeze %dma_wait3A_125 : memref<1x16x128xf32, #tpu.memory_space<hbm>> -> memref<16x128xf32, #tpu.memory_space<hbm>>
      %dma_wait3A_127 = arith.constant 0 : i32
      %dma_wait3A_128 = tpu.memref_slice %arg3[%arg0, %multiple_of3A_74, %dma_wait3A_127] : memref<2x1280x128xf32, #tpu.memory_space<hbm>> -> memref<1x16x128xf32, #tpu.memory_space<hbm>>
      %dma_wait3A_129 = tpu.memref_squeeze %dma_wait3A_128 : memref<1x16x128xf32, #tpu.memory_space<hbm>> -> memref<16x128xf32, #tpu.memory_space<hbm>>
      tpu.wait_dma2 semaphore(%run_scoped3A : memref<!tpu.dma_semaphore, #tpu.memory_space<semaphore_mem>>) src(%arg7 : memref<16x128xf32, #tpu.memory_space<vmem>>) dst(%dma_wait3A_129 : memref<16x128xf32, #tpu.memory_space<hbm>>)
      tpu.yield
    }) : () -> ()
    %mul3A_75 = arith.constant 640 : i32
    %mul3A_76 = arith.muli %arg1, %mul3A_75 : i32
    %add3A_77 = arith.constant 256 : i32
    %add3A_78 = arith.addi %mul3A_76, %add3A_77 : i32
    "tpu.region"() ({
      %run_scoped3A = tpu.sem_alloc : memref<!tpu.dma_semaphore, #tpu.memory_space<semaphore_mem>>
      %dma_start3A = arith.constant 0 : i32
      %dma_start3A_120 = tpu.memref_slice %arg4[%add3A_78, %dma_start3A] : memref<10240x16xf32, #tpu.memory_space<vmem_shared>> -> memref<128x16xf32, #tpu.memory_space<vmem_shared>>
      %dma_start3A_121 = arith.constant 0 : i32
      %dma_start3A_122 = tpu.memref_slice %arg4[%add3A_78, %dma_start3A_121] : memref<10240x16xf32, #tpu.memory_space<vmem_shared>> -> memref<128x16xf32, #tpu.memory_space<vmem_shared>>
      tpu.enqueue_dma source(%dma_start3A_122 : memref<128x16xf32, #tpu.memory_space<vmem_shared>>) target(%arg6 : memref<128x16xf32, #tpu.memory_space<vmem>>) target_semaphore(%run_scoped3A : memref<!tpu.dma_semaphore, #tpu.memory_space<semaphore_mem>>)
      %dma_wait3A = arith.constant 0 : i32
      %dma_wait3A_123 = tpu.memref_slice %arg4[%add3A_78, %dma_wait3A] : memref<10240x16xf32, #tpu.memory_space<vmem_shared>> -> memref<128x16xf32, #tpu.memory_space<vmem_shared>>
      %dma_wait3A_124 = arith.constant 0 : i32
      %dma_wait3A_125 = tpu.memref_slice %arg4[%add3A_78, %dma_wait3A_124] : memref<10240x16xf32, #tpu.memory_space<vmem_shared>> -> memref<128x16xf32, #tpu.memory_space<vmem_shared>>
      tpu.wait_dma2 semaphore(%run_scoped3A : memref<!tpu.dma_semaphore, #tpu.memory_space<semaphore_mem>>) src(%dma_wait3A_125 : memref<128x16xf32, #tpu.memory_space<vmem_shared>>) dst(%arg6 : memref<128x16xf32, #tpu.memory_space<vmem>>)
      tpu.yield
    }) : () -> ()
    %scan3A_79 = arith.constant 0 : i32
    %scan3A_80 = arith.constant 0 : i32
    %scan3A_81 = arith.constant 16 : i32
    %scan3A_82 = arith.addi %scan3A_80, %scan3A_81 : i32
    %scan3A_83 = arith.constant 1 : i32
    scf.for %scan3A_120 = %scan3A_80 to %scan3A_82 step %scan3A_83  : i32 {
      %mul3A_121 = arith.constant 8 : i32
      %mul3A_122 = arith.muli %mul3A_121, %scan3A_120 : i32
      %add3A_123 = arith.constant 0 : i32
      %add3A_124 = arith.addi %mul3A_122, %add3A_123 : i32
      %get3A = arith.index_cast %add3A_124 : i32 to index
      %get3A_125 = arith.constant 0 : index
      %get3A_126 = tpu.vector_load %arg6[%get3A, %get3A_125] {strides = array<i32>} : memref<128x16xf32, #tpu.memory_space<vmem>>, vector<1x16xf32>,
      %get3A_127 = vector.shape_cast %get3A_126 : vector<1x16xf32> to vector<16xf32>
      %swap3A = arith.index_cast %scan3A_120 : i32 to index
      %swap3A_128 = arith.constant 0 : index
      %swap3A_129 = tpu.vector_load %arg7[%swap3A, %swap3A_128] {strides = array<i32>} : memref<16x128xf32, #tpu.memory_space<vmem>>, vector<1x16xf32>,
      %swap3A_130 = vector.shape_cast %swap3A_129 : vector<1x16xf32> to vector<16xf32>
      %swap3A_131 = vector.shape_cast %get3A_127 : vector<16xf32> to vector<1x16xf32>
      tpu.vector_store %arg7[%swap3A, %swap3A_128], %swap3A_131 {strides = array<i32>} : memref<16x128xf32, #tpu.memory_space<vmem>>, vector<1x16xf32>,
      %mul3A_132 = arith.constant 8 : i32
      %mul3A_133 = arith.muli %mul3A_132, %scan3A_120 : i32
      %add3A_134 = arith.constant 1 : i32
      %add3A_135 = arith.addi %mul3A_133, %add3A_134 : i32
      %get3A_136 = arith.index_cast %add3A_135 : i32 to index
      %get3A_137 = arith.constant 0 : index
      %get3A_138 = tpu.vector_load %arg6[%get3A_136, %get3A_137] {strides = array<i32>} : memref<128x16xf32, #tpu.memory_space<vmem>>, vector<1x16xf32>,
      %get3A_139 = vector.shape_cast %get3A_138 : vector<1x16xf32> to vector<16xf32>
      %swap3A_140 = arith.index_cast %scan3A_120 : i32 to index
      %swap3A_141 = arith.constant 16 : index
      %swap3A_142 = tpu.vector_load %arg7[%swap3A_140, %swap3A_141] {strides = array<i32>} : memref<16x128xf32, #tpu.memory_space<vmem>>, vector<1x16xf32>,
      %swap3A_143 = vector.shape_cast %swap3A_142 : vector<1x16xf32> to vector<16xf32>
      %swap3A_144 = vector.shape_cast %get3A_139 : vector<16xf32> to vector<1x16xf32>
      tpu.vector_store %arg7[%swap3A_140, %swap3A_141], %swap3A_144 {strides = array<i32>} : memref<16x128xf32, #tpu.memory_space<vmem>>, vector<1x16xf32>,
      %mul3A_145 = arith.constant 8 : i32
      %mul3A_146 = arith.muli %mul3A_145, %scan3A_120 : i32
      %add3A_147 = arith.constant 2 : i32
      %add3A_148 = arith.addi %mul3A_146, %add3A_147 : i32
      %get3A_149 = arith.index_cast %add3A_148 : i32 to index
      %get3A_150 = arith.constant 0 : index
      %get3A_151 = tpu.vector_load %arg6[%get3A_149, %get3A_150] {strides = array<i32>} : memref<128x16xf32, #tpu.memory_space<vmem>>, vector<1x16xf32>,
      %get3A_152 = vector.shape_cast %get3A_151 : vector<1x16xf32> to vector<16xf32>
      %swap3A_153 = arith.index_cast %scan3A_120 : i32 to index
      %swap3A_154 = arith.constant 32 : index
      %swap3A_155 = tpu.vector_load %arg7[%swap3A_153, %swap3A_154] {strides = array<i32>} : memref<16x128xf32, #tpu.memory_space<vmem>>, vector<1x16xf32>,
      %swap3A_156 = vector.shape_cast %swap3A_155 : vector<1x16xf32> to vector<16xf32>
      %swap3A_157 = vector.shape_cast %get3A_152 : vector<16xf32> to vector<1x16xf32>
      tpu.vector_store %arg7[%swap3A_153, %swap3A_154], %swap3A_157 {strides = array<i32>} : memref<16x128xf32, #tpu.memory_space<vmem>>, vector<1x16xf32>,
      %mul3A_158 = arith.constant 8 : i32
      %mul3A_159 = arith.muli %mul3A_158, %scan3A_120 : i32
      %add3A_160 = arith.constant 3 : i32
      %add3A_161 = arith.addi %mul3A_159, %add3A_160 : i32
      %get3A_162 = arith.index_cast %add3A_161 : i32 to index
      %get3A_163 = arith.constant 0 : index
      %get3A_164 = tpu.vector_load %arg6[%get3A_162, %get3A_163] {strides = array<i32>} : memref<128x16xf32, #tpu.memory_space<vmem>>, vector<1x16xf32>,
      %get3A_165 = vector.shape_cast %get3A_164 : vector<1x16xf32> to vector<16xf32>
      %swap3A_166 = arith.index_cast %scan3A_120 : i32 to index
      %swap3A_167 = arith.constant 48 : index
      %swap3A_168 = tpu.vector_load %arg7[%swap3A_166, %swap3A_167] {strides = array<i32>} : memref<16x128xf32, #tpu.memory_space<vmem>>, vector<1x16xf32>,
      %swap3A_169 = vector.shape_cast %swap3A_168 : vector<1x16xf32> to vector<16xf32>
      %swap3A_170 = vector.shape_cast %get3A_165 : vector<16xf32> to vector<1x16xf32>
      tpu.vector_store %arg7[%swap3A_166, %swap3A_167], %swap3A_170 {strides = array<i32>} : memref<16x128xf32, #tpu.memory_space<vmem>>, vector<1x16xf32>,
      %mul3A_171 = arith.constant 8 : i32
      %mul3A_172 = arith.muli %mul3A_171, %scan3A_120 : i32
      %add3A_173 = arith.constant 4 : i32
      %add3A_174 = arith.addi %mul3A_172, %add3A_173 : i32
      %get3A_175 = arith.index_cast %add3A_174 : i32 to index
      %get3A_176 = arith.constant 0 : index
      %get3A_177 = tpu.vector_load %arg6[%get3A_175, %get3A_176] {strides = array<i32>} : memref<128x16xf32, #tpu.memory_space<vmem>>, vector<1x16xf32>,
      %get3A_178 = vector.shape_cast %get3A_177 : vector<1x16xf32> to vector<16xf32>
      %swap3A_179 = arith.index_cast %scan3A_120 : i32 to index
      %swap3A_180 = arith.constant 64 : index
      %swap3A_181 = tpu.vector_load %arg7[%swap3A_179, %swap3A_180] {strides = array<i32>} : memref<16x128xf32, #tpu.memory_space<vmem>>, vector<1x16xf32>,
      %swap3A_182 = vector.shape_cast %swap3A_181 : vector<1x16xf32> to vector<16xf32>
      %swap3A_183 = vector.shape_cast %get3A_178 : vector<16xf32> to vector<1x16xf32>
      tpu.vector_store %arg7[%swap3A_179, %swap3A_180], %swap3A_183 {strides = array<i32>} : memref<16x128xf32, #tpu.memory_space<vmem>>, vector<1x16xf32>,
      %mul3A_184 = arith.constant 8 : i32
      %mul3A_185 = arith.muli %mul3A_184, %scan3A_120 : i32
      %add3A_186 = arith.constant 5 : i32
      %add3A_187 = arith.addi %mul3A_185, %add3A_186 : i32
      %get3A_188 = arith.index_cast %add3A_187 : i32 to index
      %get3A_189 = arith.constant 0 : index
      %get3A_190 = tpu.vector_load %arg6[%get3A_188, %get3A_189] {strides = array<i32>} : memref<128x16xf32, #tpu.memory_space<vmem>>, vector<1x16xf32>,
      %get3A_191 = vector.shape_cast %get3A_190 : vector<1x16xf32> to vector<16xf32>
      %swap3A_192 = arith.index_cast %scan3A_120 : i32 to index
      %swap3A_193 = arith.constant 80 : index
      %swap3A_194 = tpu.vector_load %arg7[%swap3A_192, %swap3A_193] {strides = array<i32>} : memref<16x128xf32, #tpu.memory_space<vmem>>, vector<1x16xf32>,
      %swap3A_195 = vector.shape_cast %swap3A_194 : vector<1x16xf32> to vector<16xf32>
      %swap3A_196 = vector.shape_cast %get3A_191 : vector<16xf32> to vector<1x16xf32>
      tpu.vector_store %arg7[%swap3A_192, %swap3A_193], %swap3A_196 {strides = array<i32>} : memref<16x128xf32, #tpu.memory_space<vmem>>, vector<1x16xf32>,
      %mul3A_197 = arith.constant 8 : i32
      %mul3A_198 = arith.muli %mul3A_197, %scan3A_120 : i32
      %add3A_199 = arith.constant 6 : i32
      %add3A_200 = arith.addi %mul3A_198, %add3A_199 : i32
      %get3A_201 = arith.index_cast %add3A_200 : i32 to index
      %get3A_202 = arith.constant 0 : index
      %get3A_203 = tpu.vector_load %arg6[%get3A_201, %get3A_202] {strides = array<i32>} : memref<128x16xf32, #tpu.memory_space<vmem>>, vector<1x16xf32>,
      %get3A_204 = vector.shape_cast %get3A_203 : vector<1x16xf32> to vector<16xf32>
      %swap3A_205 = arith.index_cast %scan3A_120 : i32 to index
      %swap3A_206 = arith.constant 96 : index
      %swap3A_207 = tpu.vector_load %arg7[%swap3A_205, %swap3A_206] {strides = array<i32>} : memref<16x128xf32, #tpu.memory_space<vmem>>, vector<1x16xf32>,
      %swap3A_208 = vector.shape_cast %swap3A_207 : vector<1x16xf32> to vector<16xf32>
      %swap3A_209 = vector.shape_cast %get3A_204 : vector<16xf32> to vector<1x16xf32>
      tpu.vector_store %arg7[%swap3A_205, %swap3A_206], %swap3A_209 {strides = array<i32>} : memref<16x128xf32, #tpu.memory_space<vmem>>, vector<1x16xf32>,
      %mul3A_210 = arith.constant 8 : i32
      %mul3A_211 = arith.muli %mul3A_210, %scan3A_120 : i32
      %add3A_212 = arith.constant 7 : i32
      %add3A_213 = arith.addi %mul3A_211, %add3A_212 : i32
      %get3A_214 = arith.index_cast %add3A_213 : i32 to index
      %get3A_215 = arith.constant 0 : index
      %get3A_216 = tpu.vector_load %arg6[%get3A_214, %get3A_215] {strides = array<i32>} : memref<128x16xf32, #tpu.memory_space<vmem>>, vector<1x16xf32>,
      %get3A_217 = vector.shape_cast %get3A_216 : vector<1x16xf32> to vector<16xf32>
      %swap3A_218 = arith.index_cast %scan3A_120 : i32 to index
      %swap3A_219 = arith.constant 112 : index
      %swap3A_220 = tpu.vector_load %arg7[%swap3A_218, %swap3A_219] {strides = array<i32>} : memref<16x128xf32, #tpu.memory_space<vmem>>, vector<1x16xf32>,
      %swap3A_221 = vector.shape_cast %swap3A_220 : vector<1x16xf32> to vector<16xf32>
      %swap3A_222 = vector.shape_cast %get3A_217 : vector<16xf32> to vector<1x16xf32>
      tpu.vector_store %arg7[%swap3A_218, %swap3A_219], %swap3A_222 {strides = array<i32>} : memref<16x128xf32, #tpu.memory_space<vmem>>, vector<1x16xf32>,
    }
    %scan3A_84 = arith.constant 16 : i32
    %mul3A_85 = arith.constant 80 : i32
    %mul3A_86 = arith.muli %arg1, %mul3A_85 : i32
    %add3A_87 = arith.constant 32 : i32
    %add3A_88 = arith.addi %mul3A_86, %add3A_87 : i32
    %multiple_of3A_89 = tpu.assume_multiple %add3A_88, 8 : i32
    "tpu.region"() ({
      %run_scoped3A = tpu.sem_alloc : memref<!tpu.dma_semaphore, #tpu.memory_space<semaphore_mem>>
      %dma_start3A = arith.constant 0 : i32
      %dma_start3A_120 = tpu.memref_slice %arg3[%arg0, %multiple_of3A_89, %dma_start3A] : memref<2x1280x128xf32, #tpu.memory_space<hbm>> -> memref<1x16x128xf32, #tpu.memory_space<hbm>>
      %dma_start3A_121 = tpu.memref_squeeze %dma_start3A_120 : memref<1x16x128xf32, #tpu.memory_space<hbm>> -> memref<16x128xf32, #tpu.memory_space<hbm>>
      %dma_start3A_122 = arith.constant 0 : i32
      %dma_start3A_123 = tpu.memref_slice %arg3[%arg0, %multiple_of3A_89, %dma_start3A_122] : memref<2x1280x128xf32, #tpu.memory_space<hbm>> -> memref<1x16x128xf32, #tpu.memory_space<hbm>>
      %dma_start3A_124 = tpu.memref_squeeze %dma_start3A_123 : memref<1x16x128xf32, #tpu.memory_space<hbm>> -> memref<16x128xf32, #tpu.memory_space<hbm>>
      tpu.enqueue_dma source(%arg7 : memref<16x128xf32, #tpu.memory_space<vmem>>) target(%dma_start3A_124 : memref<16x128xf32, #tpu.memory_space<hbm>>) target_semaphore(%run_scoped3A : memref<!tpu.dma_semaphore, #tpu.memory_space<semaphore_mem>>)
      %dma_wait3A = arith.constant 0 : i32
      %dma_wait3A_125 = tpu.memref_slice %arg3[%arg0, %multiple_of3A_89, %dma_wait3A] : memref<2x1280x128xf32, #tpu.memory_space<hbm>> -> memref<1x16x128xf32, #tpu.memory_space<hbm>>
      %dma_wait3A_126 = tpu.memref_squeeze %dma_wait3A_125 : memref<1x16x128xf32, #tpu.memory_space<hbm>> -> memref<16x128xf32, #tpu.memory_space<hbm>>
      %dma_wait3A_127 = arith.constant 0 : i32
      %dma_wait3A_128 = tpu.memref_slice %arg3[%arg0, %multiple_of3A_89, %dma_wait3A_127] : memref<2x1280x128xf32, #tpu.memory_space<hbm>> -> memref<1x16x128xf32, #tpu.memory_space<hbm>>
      %dma_wait3A_129 = tpu.memref_squeeze %dma_wait3A_128 : memref<1x16x128xf32, #tpu.memory_space<hbm>> -> memref<16x128xf32, #tpu.memory_space<hbm>>
      tpu.wait_dma2 semaphore(%run_scoped3A : memref<!tpu.dma_semaphore, #tpu.memory_space<semaphore_mem>>) src(%arg7 : memref<16x128xf32, #tpu.memory_space<vmem>>) dst(%dma_wait3A_129 : memref<16x128xf32, #tpu.memory_space<hbm>>)
      tpu.yield
    }) : () -> ()
    %mul3A_90 = arith.constant 640 : i32
    %mul3A_91 = arith.muli %arg1, %mul3A_90 : i32
    %add3A_92 = arith.constant 384 : i32
    %add3A_93 = arith.addi %mul3A_91, %add3A_92 : i32
    "tpu.region"() ({
      %run_scoped3A = tpu.sem_alloc : memref<!tpu.dma_semaphore, #tpu.memory_space<semaphore_mem>>
      %dma_start3A = arith.constant 0 : i32
      %dma_start3A_120 = tpu.memref_slice %arg4[%add3A_93, %dma_start3A] : memref<10240x16xf32, #tpu.memory_space<vmem_shared>> -> memref<128x16xf32, #tpu.memory_space<vmem_shared>>
      %dma_start3A_121 = arith.constant 0 : i32
      %dma_start3A_122 = tpu.memref_slice %arg4[%add3A_93, %dma_start3A_121] : memref<10240x16xf32, #tpu.memory_space<vmem_shared>> -> memref<128x16xf32, #tpu.memory_space<vmem_shared>>
      tpu.enqueue_dma source(%dma_start3A_122 : memref<128x16xf32, #tpu.memory_space<vmem_shared>>) target(%arg6 : memref<128x16xf32, #tpu.memory_space<vmem>>) target_semaphore(%run_scoped3A : memref<!tpu.dma_semaphore, #tpu.memory_space<semaphore_mem>>)
      %dma_wait3A = arith.constant 0 : i32
      %dma_wait3A_123 = tpu.memref_slice %arg4[%add3A_93, %dma_wait3A] : memref<10240x16xf32, #tpu.memory_space<vmem_shared>> -> memref<128x16xf32, #tpu.memory_space<vmem_shared>>
      %dma_wait3A_124 = arith.constant 0 : i32
      %dma_wait3A_125 = tpu.memref_slice %arg4[%add3A_93, %dma_wait3A_124] : memref<10240x16xf32, #tpu.memory_space<vmem_shared>> -> memref<128x16xf32, #tpu.memory_space<vmem_shared>>
      tpu.wait_dma2 semaphore(%run_scoped3A : memref<!tpu.dma_semaphore, #tpu.memory_space<semaphore_mem>>) src(%dma_wait3A_125 : memref<128x16xf32, #tpu.memory_space<vmem_shared>>) dst(%arg6 : memref<128x16xf32, #tpu.memory_space<vmem>>)
      tpu.yield
    }) : () -> ()
    %scan3A_94 = arith.constant 0 : i32
    %scan3A_95 = arith.constant 0 : i32
    %scan3A_96 = arith.constant 16 : i32
    %scan3A_97 = arith.addi %scan3A_95, %scan3A_96 : i32
    %scan3A_98 = arith.constant 1 : i32
    scf.for %scan3A_120 = %scan3A_95 to %scan3A_97 step %scan3A_98  : i32 {
      %mul3A_121 = arith.constant 8 : i32
      %mul3A_122 = arith.muli %mul3A_121, %scan3A_120 : i32
      %add3A_123 = arith.constant 0 : i32
      %add3A_124 = arith.addi %mul3A_122, %add3A_123 : i32
      %get3A = arith.index_cast %add3A_124 : i32 to index
      %get3A_125 = arith.constant 0 : index
      %get3A_126 = tpu.vector_load %arg6[%get3A, %get3A_125] {strides = array<i32>} : memref<128x16xf32, #tpu.memory_space<vmem>>, vector<1x16xf32>,
      %get3A_127 = vector.shape_cast %get3A_126 : vector<1x16xf32> to vector<16xf32>
      %swap3A = arith.index_cast %scan3A_120 : i32 to index
      %swap3A_128 = arith.constant 0 : index
      %swap3A_129 = tpu.vector_load %arg7[%swap3A, %swap3A_128] {strides = array<i32>} : memref<16x128xf32, #tpu.memory_space<vmem>>, vector<1x16xf32>,
      %swap3A_130 = vector.shape_cast %swap3A_129 : vector<1x16xf32> to vector<16xf32>
      %swap3A_131 = vector.shape_cast %get3A_127 : vector<16xf32> to vector<1x16xf32>
      tpu.vector_store %arg7[%swap3A, %swap3A_128], %swap3A_131 {strides = array<i32>} : memref<16x128xf32, #tpu.memory_space<vmem>>, vector<1x16xf32>,
      %mul3A_132 = arith.constant 8 : i32
      %mul3A_133 = arith.muli %mul3A_132, %scan3A_120 : i32
      %add3A_134 = arith.constant 1 : i32
      %add3A_135 = arith.addi %mul3A_133, %add3A_134 : i32
      %get3A_136 = arith.index_cast %add3A_135 : i32 to index
      %get3A_137 = arith.constant 0 : index
      %get3A_138 = tpu.vector_load %arg6[%get3A_136, %get3A_137] {strides = array<i32>} : memref<128x16xf32, #tpu.memory_space<vmem>>, vector<1x16xf32>,
      %get3A_139 = vector.shape_cast %get3A_138 : vector<1x16xf32> to vector<16xf32>
      %swap3A_140 = arith.index_cast %scan3A_120 : i32 to index
      %swap3A_141 = arith.constant 16 : index
      %swap3A_142 = tpu.vector_load %arg7[%swap3A_140, %swap3A_141] {strides = array<i32>} : memref<16x128xf32, #tpu.memory_space<vmem>>, vector<1x16xf32>,
      %swap3A_143 = vector.shape_cast %swap3A_142 : vector<1x16xf32> to vector<16xf32>
      %swap3A_144 = vector.shape_cast %get3A_139 : vector<16xf32> to vector<1x16xf32>
      tpu.vector_store %arg7[%swap3A_140, %swap3A_141], %swap3A_144 {strides = array<i32>} : memref<16x128xf32, #tpu.memory_space<vmem>>, vector<1x16xf32>,
      %mul3A_145 = arith.constant 8 : i32
      %mul3A_146 = arith.muli %mul3A_145, %scan3A_120 : i32
      %add3A_147 = arith.constant 2 : i32
      %add3A_148 = arith.addi %mul3A_146, %add3A_147 : i32
      %get3A_149 = arith.index_cast %add3A_148 : i32 to index
      %get3A_150 = arith.constant 0 : index
      %get3A_151 = tpu.vector_load %arg6[%get3A_149, %get3A_150] {strides = array<i32>} : memref<128x16xf32, #tpu.memory_space<vmem>>, vector<1x16xf32>,
      %get3A_152 = vector.shape_cast %get3A_151 : vector<1x16xf32> to vector<16xf32>
      %swap3A_153 = arith.index_cast %scan3A_120 : i32 to index
      %swap3A_154 = arith.constant 32 : index
      %swap3A_155 = tpu.vector_load %arg7[%swap3A_153, %swap3A_154] {strides = array<i32>} : memref<16x128xf32, #tpu.memory_space<vmem>>, vector<1x16xf32>,
      %swap3A_156 = vector.shape_cast %swap3A_155 : vector<1x16xf32> to vector<16xf32>
      %swap3A_157 = vector.shape_cast %get3A_152 : vector<16xf32> to vector<1x16xf32>
      tpu.vector_store %arg7[%swap3A_153, %swap3A_154], %swap3A_157 {strides = array<i32>} : memref<16x128xf32, #tpu.memory_space<vmem>>, vector<1x16xf32>,
      %mul3A_158 = arith.constant 8 : i32
      %mul3A_159 = arith.muli %mul3A_158, %scan3A_120 : i32
      %add3A_160 = arith.constant 3 : i32
      %add3A_161 = arith.addi %mul3A_159, %add3A_160 : i32
      %get3A_162 = arith.index_cast %add3A_161 : i32 to index
      %get3A_163 = arith.constant 0 : index
      %get3A_164 = tpu.vector_load %arg6[%get3A_162, %get3A_163] {strides = array<i32>} : memref<128x16xf32, #tpu.memory_space<vmem>>, vector<1x16xf32>,
      %get3A_165 = vector.shape_cast %get3A_164 : vector<1x16xf32> to vector<16xf32>
      %swap3A_166 = arith.index_cast %scan3A_120 : i32 to index
      %swap3A_167 = arith.constant 48 : index
      %swap3A_168 = tpu.vector_load %arg7[%swap3A_166, %swap3A_167] {strides = array<i32>} : memref<16x128xf32, #tpu.memory_space<vmem>>, vector<1x16xf32>,
      %swap3A_169 = vector.shape_cast %swap3A_168 : vector<1x16xf32> to vector<16xf32>
      %swap3A_170 = vector.shape_cast %get3A_165 : vector<16xf32> to vector<1x16xf32>
      tpu.vector_store %arg7[%swap3A_166, %swap3A_167], %swap3A_170 {strides = array<i32>} : memref<16x128xf32, #tpu.memory_space<vmem>>, vector<1x16xf32>,
      %mul3A_171 = arith.constant 8 : i32
      %mul3A_172 = arith.muli %mul3A_171, %scan3A_120 : i32
      %add3A_173 = arith.constant 4 : i32
      %add3A_174 = arith.addi %mul3A_172, %add3A_173 : i32
      %get3A_175 = arith.index_cast %add3A_174 : i32 to index
      %get3A_176 = arith.constant 0 : index
      %get3A_177 = tpu.vector_load %arg6[%get3A_175, %get3A_176] {strides = array<i32>} : memref<128x16xf32, #tpu.memory_space<vmem>>, vector<1x16xf32>,
      %get3A_178 = vector.shape_cast %get3A_177 : vector<1x16xf32> to vector<16xf32>
      %swap3A_179 = arith.index_cast %scan3A_120 : i32 to index
      %swap3A_180 = arith.constant 64 : index
      %swap3A_181 = tpu.vector_load %arg7[%swap3A_179, %swap3A_180] {strides = array<i32>} : memref<16x128xf32, #tpu.memory_space<vmem>>, vector<1x16xf32>,
      %swap3A_182 = vector.shape_cast %swap3A_181 : vector<1x16xf32> to vector<16xf32>
      %swap3A_183 = vector.shape_cast %get3A_178 : vector<16xf32> to vector<1x16xf32>
      tpu.vector_store %arg7[%swap3A_179, %swap3A_180], %swap3A_183 {strides = array<i32>} : memref<16x128xf32, #tpu.memory_space<vmem>>, vector<1x16xf32>,
      %mul3A_184 = arith.constant 8 : i32
      %mul3A_185 = arith.muli %mul3A_184, %scan3A_120 : i32
      %add3A_186 = arith.constant 5 : i32
      %add3A_187 = arith.addi %mul3A_185, %add3A_186 : i32
      %get3A_188 = arith.index_cast %add3A_187 : i32 to index
      %get3A_189 = arith.constant 0 : index
      %get3A_190 = tpu.vector_load %arg6[%get3A_188, %get3A_189] {strides = array<i32>} : memref<128x16xf32, #tpu.memory_space<vmem>>, vector<1x16xf32>,
      %get3A_191 = vector.shape_cast %get3A_190 : vector<1x16xf32> to vector<16xf32>
      %swap3A_192 = arith.index_cast %scan3A_120 : i32 to index
      %swap3A_193 = arith.constant 80 : index
      %swap3A_194 = tpu.vector_load %arg7[%swap3A_192, %swap3A_193] {strides = array<i32>} : memref<16x128xf32, #tpu.memory_space<vmem>>, vector<1x16xf32>,
      %swap3A_195 = vector.shape_cast %swap3A_194 : vector<1x16xf32> to vector<16xf32>
      %swap3A_196 = vector.shape_cast %get3A_191 : vector<16xf32> to vector<1x16xf32>
      tpu.vector_store %arg7[%swap3A_192, %swap3A_193], %swap3A_196 {strides = array<i32>} : memref<16x128xf32, #tpu.memory_space<vmem>>, vector<1x16xf32>,
      %mul3A_197 = arith.constant 8 : i32
      %mul3A_198 = arith.muli %mul3A_197, %scan3A_120 : i32
      %add3A_199 = arith.constant 6 : i32
      %add3A_200 = arith.addi %mul3A_198, %add3A_199 : i32
      %get3A_201 = arith.index_cast %add3A_200 : i32 to index
      %get3A_202 = arith.constant 0 : index
      %get3A_203 = tpu.vector_load %arg6[%get3A_201, %get3A_202] {strides = array<i32>} : memref<128x16xf32, #tpu.memory_space<vmem>>, vector<1x16xf32>,
      %get3A_204 = vector.shape_cast %get3A_203 : vector<1x16xf32> to vector<16xf32>
      %swap3A_205 = arith.index_cast %scan3A_120 : i32 to index
      %swap3A_206 = arith.constant 96 : index
      %swap3A_207 = tpu.vector_load %arg7[%swap3A_205, %swap3A_206] {strides = array<i32>} : memref<16x128xf32, #tpu.memory_space<vmem>>, vector<1x16xf32>,
      %swap3A_208 = vector.shape_cast %swap3A_207 : vector<1x16xf32> to vector<16xf32>
      %swap3A_209 = vector.shape_cast %get3A_204 : vector<16xf32> to vector<1x16xf32>
      tpu.vector_store %arg7[%swap3A_205, %swap3A_206], %swap3A_209 {strides = array<i32>} : memref<16x128xf32, #tpu.memory_space<vmem>>, vector<1x16xf32>,
      %mul3A_210 = arith.constant 8 : i32
      %mul3A_211 = arith.muli %mul3A_210, %scan3A_120 : i32
      %add3A_212 = arith.constant 7 : i32
      %add3A_213 = arith.addi %mul3A_211, %add3A_212 : i32
      %get3A_214 = arith.index_cast %add3A_213 : i32 to index
      %get3A_215 = arith.constant 0 : index
      %get3A_216 = tpu.vector_load %arg6[%get3A_214, %get3A_215] {strides = array<i32>} : memref<128x16xf32, #tpu.memory_space<vmem>>, vector<1x16xf32>,
      %get3A_217 = vector.shape_cast %get3A_216 : vector<1x16xf32> to vector<16xf32>
      %swap3A_218 = arith.index_cast %scan3A_120 : i32 to index
      %swap3A_219 = arith.constant 112 : index
      %swap3A_220 = tpu.vector_load %arg7[%swap3A_218, %swap3A_219] {strides = array<i32>} : memref<16x128xf32, #tpu.memory_space<vmem>>, vector<1x16xf32>,
      %swap3A_221 = vector.shape_cast %swap3A_220 : vector<1x16xf32> to vector<16xf32>
      %swap3A_222 = vector.shape_cast %get3A_217 : vector<16xf32> to vector<1x16xf32>
      tpu.vector_store %arg7[%swap3A_218, %swap3A_219], %swap3A_222 {strides = array<i32>} : memref<16x128xf32, #tpu.memory_space<vmem>>, vector<1x16xf32>,
    }
    %scan3A_99 = arith.constant 16 : i32
    %mul3A_100 = arith.constant 80 : i32
    %mul3A_101 = arith.muli %arg1, %mul3A_100 : i32
    %add3A_102 = arith.constant 48 : i32
    %add3A_103 = arith.addi %mul3A_101, %add3A_102 : i32
    %multiple_of3A_104 = tpu.assume_multiple %add3A_103, 8 : i32
    "tpu.region"() ({
      %run_scoped3A = tpu.sem_alloc : memref<!tpu.dma_semaphore, #tpu.memory_space<semaphore_mem>>
      %dma_start3A = arith.constant 0 : i32
      %dma_start3A_120 = tpu.memref_slice %arg3[%arg0, %multiple_of3A_104, %dma_start3A] : memref<2x1280x128xf32, #tpu.memory_space<hbm>> -> memref<1x16x128xf32, #tpu.memory_space<hbm>>
      %dma_start3A_121 = tpu.memref_squeeze %dma_start3A_120 : memref<1x16x128xf32, #tpu.memory_space<hbm>> -> memref<16x128xf32, #tpu.memory_space<hbm>>
      %dma_start3A_122 = arith.constant 0 : i32
      %dma_start3A_123 = tpu.memref_slice %arg3[%arg0, %multiple_of3A_104, %dma_start3A_122] : memref<2x1280x128xf32, #tpu.memory_space<hbm>> -> memref<1x16x128xf32, #tpu.memory_space<hbm>>
      %dma_start3A_124 = tpu.memref_squeeze %dma_start3A_123 : memref<1x16x128xf32, #tpu.memory_space<hbm>> -> memref<16x128xf32, #tpu.memory_space<hbm>>
      tpu.enqueue_dma source(%arg7 : memref<16x128xf32, #tpu.memory_space<vmem>>) target(%dma_start3A_124 : memref<16x128xf32, #tpu.memory_space<hbm>>) target_semaphore(%run_scoped3A : memref<!tpu.dma_semaphore, #tpu.memory_space<semaphore_mem>>)
      %dma_wait3A = arith.constant 0 : i32
      %dma_wait3A_125 = tpu.memref_slice %arg3[%arg0, %multiple_of3A_104, %dma_wait3A] : memref<2x1280x128xf32, #tpu.memory_space<hbm>> -> memref<1x16x128xf32, #tpu.memory_space<hbm>>
      %dma_wait3A_126 = tpu.memref_squeeze %dma_wait3A_125 : memref<1x16x128xf32, #tpu.memory_space<hbm>> -> memref<16x128xf32, #tpu.memory_space<hbm>>
      %dma_wait3A_127 = arith.constant 0 : i32
      %dma_wait3A_128 = tpu.memref_slice %arg3[%arg0, %multiple_of3A_104, %dma_wait3A_127] : memref<2x1280x128xf32, #tpu.memory_space<hbm>> -> memref<1x16x128xf32, #tpu.memory_space<hbm>>
      %dma_wait3A_129 = tpu.memref_squeeze %dma_wait3A_128 : memref<1x16x128xf32, #tpu.memory_space<hbm>> -> memref<16x128xf32, #tpu.memory_space<hbm>>
      tpu.wait_dma2 semaphore(%run_scoped3A : memref<!tpu.dma_semaphore, #tpu.memory_space<semaphore_mem>>) src(%arg7 : memref<16x128xf32, #tpu.memory_space<vmem>>) dst(%dma_wait3A_129 : memref<16x128xf32, #tpu.memory_space<hbm>>)
      tpu.yield
    }) : () -> ()
    %mul3A_105 = arith.constant 640 : i32
    %mul3A_106 = arith.muli %arg1, %mul3A_105 : i32
    %add3A_107 = arith.constant 512 : i32
    %add3A_108 = arith.addi %mul3A_106, %add3A_107 : i32
    "tpu.region"() ({
      %run_scoped3A = tpu.sem_alloc : memref<!tpu.dma_semaphore, #tpu.memory_space<semaphore_mem>>
      %dma_start3A = arith.constant 0 : i32
      %dma_start3A_120 = tpu.memref_slice %arg4[%add3A_108, %dma_start3A] : memref<10240x16xf32, #tpu.memory_space<vmem_shared>> -> memref<128x16xf32, #tpu.memory_space<vmem_shared>>
      %dma_start3A_121 = arith.constant 0 : i32
      %dma_start3A_122 = tpu.memref_slice %arg4[%add3A_108, %dma_start3A_121] : memref<10240x16xf32, #tpu.memory_space<vmem_shared>> -> memref<128x16xf32, #tpu.memory_space<vmem_shared>>
      tpu.enqueue_dma source(%dma_start3A_122 : memref<128x16xf32, #tpu.memory_space<vmem_shared>>) target(%arg6 : memref<128x16xf32, #tpu.memory_space<vmem>>) target_semaphore(%run_scoped3A : memref<!tpu.dma_semaphore, #tpu.memory_space<semaphore_mem>>)
      %dma_wait3A = arith.constant 0 : i32
      %dma_wait3A_123 = tpu.memref_slice %arg4[%add3A_108, %dma_wait3A] : memref<10240x16xf32, #tpu.memory_space<vmem_shared>> -> memref<128x16xf32, #tpu.memory_space<vmem_shared>>
      %dma_wait3A_124 = arith.constant 0 : i32
      %dma_wait3A_125 = tpu.memref_slice %arg4[%add3A_108, %dma_wait3A_124] : memref<10240x16xf32, #tpu.memory_space<vmem_shared>> -> memref<128x16xf32, #tpu.memory_space<vmem_shared>>
      tpu.wait_dma2 semaphore(%run_scoped3A : memref<!tpu.dma_semaphore, #tpu.memory_space<semaphore_mem>>) src(%dma_wait3A_125 : memref<128x16xf32, #tpu.memory_space<vmem_shared>>) dst(%arg6 : memref<128x16xf32, #tpu.memory_space<vmem>>)
      tpu.yield
    }) : () -> ()
    %scan3A_109 = arith.constant 0 : i32
    %scan3A_110 = arith.constant 0 : i32
    %scan3A_111 = arith.constant 16 : i32
    %scan3A_112 = arith.addi %scan3A_110, %scan3A_111 : i32
    %scan3A_113 = arith.constant 1 : i32
    scf.for %scan3A_120 = %scan3A_110 to %scan3A_112 step %scan3A_113  : i32 {
      %mul3A_121 = arith.constant 8 : i32
      %mul3A_122 = arith.muli %mul3A_121, %scan3A_120 : i32
      %add3A_123 = arith.constant 0 : i32
      %add3A_124 = arith.addi %mul3A_122, %add3A_123 : i32
      %get3A = arith.index_cast %add3A_124 : i32 to index
      %get3A_125 = arith.constant 0 : index
      %get3A_126 = tpu.vector_load %arg6[%get3A, %get3A_125] {strides = array<i32>} : memref<128x16xf32, #tpu.memory_space<vmem>>, vector<1x16xf32>,
      %get3A_127 = vector.shape_cast %get3A_126 : vector<1x16xf32> to vector<16xf32>
      %swap3A = arith.index_cast %scan3A_120 : i32 to index
      %swap3A_128 = arith.constant 0 : index
      %swap3A_129 = tpu.vector_load %arg7[%swap3A, %swap3A_128] {strides = array<i32>} : memref<16x128xf32, #tpu.memory_space<vmem>>, vector<1x16xf32>,
      %swap3A_130 = vector.shape_cast %swap3A_129 : vector<1x16xf32> to vector<16xf32>
      %swap3A_131 = vector.shape_cast %get3A_127 : vector<16xf32> to vector<1x16xf32>
      tpu.vector_store %arg7[%swap3A, %swap3A_128], %swap3A_131 {strides = array<i32>} : memref<16x128xf32, #tpu.memory_space<vmem>>, vector<1x16xf32>,
      %mul3A_132 = arith.constant 8 : i32
      %mul3A_133 = arith.muli %mul3A_132, %scan3A_120 : i32
      %add3A_134 = arith.constant 1 : i32
      %add3A_135 = arith.addi %mul3A_133, %add3A_134 : i32
      %get3A_136 = arith.index_cast %add3A_135 : i32 to index
      %get3A_137 = arith.constant 0 : index
      %get3A_138 = tpu.vector_load %arg6[%get3A_136, %get3A_137] {strides = array<i32>} : memref<128x16xf32, #tpu.memory_space<vmem>>, vector<1x16xf32>,
      %get3A_139 = vector.shape_cast %get3A_138 : vector<1x16xf32> to vector<16xf32>
      %swap3A_140 = arith.index_cast %scan3A_120 : i32 to index
      %swap3A_141 = arith.constant 16 : index
      %swap3A_142 = tpu.vector_load %arg7[%swap3A_140, %swap3A_141] {strides = array<i32>} : memref<16x128xf32, #tpu.memory_space<vmem>>, vector<1x16xf32>,
      %swap3A_143 = vector.shape_cast %swap3A_142 : vector<1x16xf32> to vector<16xf32>
      %swap3A_144 = vector.shape_cast %get3A_139 : vector<16xf32> to vector<1x16xf32>
      tpu.vector_store %arg7[%swap3A_140, %swap3A_141], %swap3A_144 {strides = array<i32>} : memref<16x128xf32, #tpu.memory_space<vmem>>, vector<1x16xf32>,
      %mul3A_145 = arith.constant 8 : i32
      %mul3A_146 = arith.muli %mul3A_145, %scan3A_120 : i32
      %add3A_147 = arith.constant 2 : i32
      %add3A_148 = arith.addi %mul3A_146, %add3A_147 : i32
      %get3A_149 = arith.index_cast %add3A_148 : i32 to index
      %get3A_150 = arith.constant 0 : index
      %get3A_151 = tpu.vector_load %arg6[%get3A_149, %get3A_150] {strides = array<i32>} : memref<128x16xf32, #tpu.memory_space<vmem>>, vector<1x16xf32>,
      %get3A_152 = vector.shape_cast %get3A_151 : vector<1x16xf32> to vector<16xf32>
      %swap3A_153 = arith.index_cast %scan3A_120 : i32 to index
      %swap3A_154 = arith.constant 32 : index
      %swap3A_155 = tpu.vector_load %arg7[%swap3A_153, %swap3A_154] {strides = array<i32>} : memref<16x128xf32, #tpu.memory_space<vmem>>, vector<1x16xf32>,
      %swap3A_156 = vector.shape_cast %swap3A_155 : vector<1x16xf32> to vector<16xf32>
      %swap3A_157 = vector.shape_cast %get3A_152 : vector<16xf32> to vector<1x16xf32>
      tpu.vector_store %arg7[%swap3A_153, %swap3A_154], %swap3A_157 {strides = array<i32>} : memref<16x128xf32, #tpu.memory_space<vmem>>, vector<1x16xf32>,
      %mul3A_158 = arith.constant 8 : i32
      %mul3A_159 = arith.muli %mul3A_158, %scan3A_120 : i32
      %add3A_160 = arith.constant 3 : i32
      %add3A_161 = arith.addi %mul3A_159, %add3A_160 : i32
      %get3A_162 = arith.index_cast %add3A_161 : i32 to index
      %get3A_163 = arith.constant 0 : index
      %get3A_164 = tpu.vector_load %arg6[%get3A_162, %get3A_163] {strides = array<i32>} : memref<128x16xf32, #tpu.memory_space<vmem>>, vector<1x16xf32>,
      %get3A_165 = vector.shape_cast %get3A_164 : vector<1x16xf32> to vector<16xf32>
      %swap3A_166 = arith.index_cast %scan3A_120 : i32 to index
      %swap3A_167 = arith.constant 48 : index
      %swap3A_168 = tpu.vector_load %arg7[%swap3A_166, %swap3A_167] {strides = array<i32>} : memref<16x128xf32, #tpu.memory_space<vmem>>, vector<1x16xf32>,
      %swap3A_169 = vector.shape_cast %swap3A_168 : vector<1x16xf32> to vector<16xf32>
      %swap3A_170 = vector.shape_cast %get3A_165 : vector<16xf32> to vector<1x16xf32>
      tpu.vector_store %arg7[%swap3A_166, %swap3A_167], %swap3A_170 {strides = array<i32>} : memref<16x128xf32, #tpu.memory_space<vmem>>, vector<1x16xf32>,
      %mul3A_171 = arith.constant 8 : i32
      %mul3A_172 = arith.muli %mul3A_171, %scan3A_120 : i32
      %add3A_173 = arith.constant 4 : i32
      %add3A_174 = arith.addi %mul3A_172, %add3A_173 : i32
      %get3A_175 = arith.index_cast %add3A_174 : i32 to index
      %get3A_176 = arith.constant 0 : index
      %get3A_177 = tpu.vector_load %arg6[%get3A_175, %get3A_176] {strides = array<i32>} : memref<128x16xf32, #tpu.memory_space<vmem>>, vector<1x16xf32>,
      %get3A_178 = vector.shape_cast %get3A_177 : vector<1x16xf32> to vector<16xf32>
      %swap3A_179 = arith.index_cast %scan3A_120 : i32 to index
      %swap3A_180 = arith.constant 64 : index
      %swap3A_181 = tpu.vector_load %arg7[%swap3A_179, %swap3A_180] {strides = array<i32>} : memref<16x128xf32, #tpu.memory_space<vmem>>, vector<1x16xf32>,
      %swap3A_182 = vector.shape_cast %swap3A_181 : vector<1x16xf32> to vector<16xf32>
      %swap3A_183 = vector.shape_cast %get3A_178 : vector<16xf32> to vector<1x16xf32>
      tpu.vector_store %arg7[%swap3A_179, %swap3A_180], %swap3A_183 {strides = array<i32>} : memref<16x128xf32, #tpu.memory_space<vmem>>, vector<1x16xf32>,
      %mul3A_184 = arith.constant 8 : i32
      %mul3A_185 = arith.muli %mul3A_184, %scan3A_120 : i32
      %add3A_186 = arith.constant 5 : i32
      %add3A_187 = arith.addi %mul3A_185, %add3A_186 : i32
      %get3A_188 = arith.index_cast %add3A_187 : i32 to index
      %get3A_189 = arith.constant 0 : index
      %get3A_190 = tpu.vector_load %arg6[%get3A_188, %get3A_189] {strides = array<i32>} : memref<128x16xf32, #tpu.memory_space<vmem>>, vector<1x16xf32>,
      %get3A_191 = vector.shape_cast %get3A_190 : vector<1x16xf32> to vector<16xf32>
      %swap3A_192 = arith.index_cast %scan3A_120 : i32 to index
      %swap3A_193 = arith.constant 80 : index
      %swap3A_194 = tpu.vector_load %arg7[%swap3A_192, %swap3A_193] {strides = array<i32>} : memref<16x128xf32, #tpu.memory_space<vmem>>, vector<1x16xf32>,
      %swap3A_195 = vector.shape_cast %swap3A_194 : vector<1x16xf32> to vector<16xf32>
      %swap3A_196 = vector.shape_cast %get3A_191 : vector<16xf32> to vector<1x16xf32>
      tpu.vector_store %arg7[%swap3A_192, %swap3A_193], %swap3A_196 {strides = array<i32>} : memref<16x128xf32, #tpu.memory_space<vmem>>, vector<1x16xf32>,
      %mul3A_197 = arith.constant 8 : i32
      %mul3A_198 = arith.muli %mul3A_197, %scan3A_120 : i32
      %add3A_199 = arith.constant 6 : i32
      %add3A_200 = arith.addi %mul3A_198, %add3A_199 : i32
      %get3A_201 = arith.index_cast %add3A_200 : i32 to index
      %get3A_202 = arith.constant 0 : index
      %get3A_203 = tpu.vector_load %arg6[%get3A_201, %get3A_202] {strides = array<i32>} : memref<128x16xf32, #tpu.memory_space<vmem>>, vector<1x16xf32>,
      %get3A_204 = vector.shape_cast %get3A_203 : vector<1x16xf32> to vector<16xf32>
      %swap3A_205 = arith.index_cast %scan3A_120 : i32 to index
      %swap3A_206 = arith.constant 96 : index
      %swap3A_207 = tpu.vector_load %arg7[%swap3A_205, %swap3A_206] {strides = array<i32>} : memref<16x128xf32, #tpu.memory_space<vmem>>, vector<1x16xf32>,
      %swap3A_208 = vector.shape_cast %swap3A_207 : vector<1x16xf32> to vector<16xf32>
      %swap3A_209 = vector.shape_cast %get3A_204 : vector<16xf32> to vector<1x16xf32>
      tpu.vector_store %arg7[%swap3A_205, %swap3A_206], %swap3A_209 {strides = array<i32>} : memref<16x128xf32, #tpu.memory_space<vmem>>, vector<1x16xf32>,
      %mul3A_210 = arith.constant 8 : i32
      %mul3A_211 = arith.muli %mul3A_210, %scan3A_120 : i32
      %add3A_212 = arith.constant 7 : i32
      %add3A_213 = arith.addi %mul3A_211, %add3A_212 : i32
      %get3A_214 = arith.index_cast %add3A_213 : i32 to index
      %get3A_215 = arith.constant 0 : index
      %get3A_216 = tpu.vector_load %arg6[%get3A_214, %get3A_215] {strides = array<i32>} : memref<128x16xf32, #tpu.memory_space<vmem>>, vector<1x16xf32>,
      %get3A_217 = vector.shape_cast %get3A_216 : vector<1x16xf32> to vector<16xf32>
      %swap3A_218 = arith.index_cast %scan3A_120 : i32 to index
      %swap3A_219 = arith.constant 112 : index
      %swap3A_220 = tpu.vector_load %arg7[%swap3A_218, %swap3A_219] {strides = array<i32>} : memref<16x128xf32, #tpu.memory_space<vmem>>, vector<1x16xf32>,
      %swap3A_221 = vector.shape_cast %swap3A_220 : vector<1x16xf32> to vector<16xf32>
      %swap3A_222 = vector.shape_cast %get3A_217 : vector<16xf32> to vector<1x16xf32>
      tpu.vector_store %arg7[%swap3A_218, %swap3A_219], %swap3A_222 {strides = array<i32>} : memref<16x128xf32, #tpu.memory_space<vmem>>, vector<1x16xf32>,
    }
    %scan3A_114 = arith.constant 16 : i32
    %mul3A_115 = arith.constant 80 : i32
    %mul3A_116 = arith.muli %arg1, %mul3A_115 : i32
    %add3A_117 = arith.constant 64 : i32
    %add3A_118 = arith.addi %mul3A_116, %add3A_117 : i32
    %multiple_of3A_119 = tpu.assume_multiple %add3A_118, 8 : i32
    "tpu.region"() ({
      %run_scoped3A = tpu.sem_alloc : memref<!tpu.dma_semaphore, #tpu.memory_space<semaphore_mem>>
      %dma_start3A = arith.constant 0 : i32
      %dma_start3A_120 = tpu.memref_slice %arg3[%arg0, %multiple_of3A_119, %dma_start3A] : memref<2x1280x128xf32, #tpu.memory_space<hbm>> -> memref<1x16x128xf32, #tpu.memory_space<hbm>>
      %dma_start3A_121 = tpu.memref_squeeze %dma_start3A_120 : memref<1x16x128xf32, #tpu.memory_space<hbm>> -> memref<16x128xf32, #tpu.memory_space<hbm>>
      %dma_start3A_122 = arith.constant 0 : i32
      %dma_start3A_123 = tpu.memref_slice %arg3[%arg0, %multiple_of3A_119, %dma_start3A_122] : memref<2x1280x128xf32, #tpu.memory_space<hbm>> -> memref<1x16x128xf32, #tpu.memory_space<hbm>>
      %dma_start3A_124 = tpu.memref_squeeze %dma_start3A_123 : memref<1x16x128xf32, #tpu.memory_space<hbm>> -> memref<16x128xf32, #tpu.memory_space<hbm>>
      tpu.enqueue_dma source(%arg7 : memref<16x128xf32, #tpu.memory_space<vmem>>) target(%dma_start3A_124 : memref<16x128xf32, #tpu.memory_space<hbm>>) target_semaphore(%run_scoped3A : memref<!tpu.dma_semaphore, #tpu.memory_space<semaphore_mem>>)
      %dma_wait3A = arith.constant 0 : i32
      %dma_wait3A_125 = tpu.memref_slice %arg3[%arg0, %multiple_of3A_119, %dma_wait3A] : memref<2x1280x128xf32, #tpu.memory_space<hbm>> -> memref<1x16x128xf32, #tpu.memory_space<hbm>>
      %dma_wait3A_126 = tpu.memref_squeeze %dma_wait3A_125 : memref<1x16x128xf32, #tpu.memory_space<hbm>> -> memref<16x128xf32, #tpu.memory_space<hbm>>
      %dma_wait3A_127 = arith.constant 0 : i32
      %dma_wait3A_128 = tpu.memref_slice %arg3[%arg0, %multiple_of3A_119, %dma_wait3A_127] : memref<2x1280x128xf32, #tpu.memory_space<hbm>> -> memref<1x16x128xf32, #tpu.memory_space<hbm>>
      %dma_wait3A_129 = tpu.memref_squeeze %dma_wait3A_128 : memref<1x16x128xf32, #tpu.memory_space<hbm>> -> memref<16x128xf32, #tpu.memory_space<hbm>>
      tpu.wait_dma2 semaphore(%run_scoped3A : memref<!tpu.dma_semaphore, #tpu.memory_space<semaphore_mem>>) src(%arg7 : memref<16x128xf32, #tpu.memory_space<vmem>>) dst(%dma_wait3A_129 : memref<16x128xf32, #tpu.memory_space<hbm>>)
      tpu.yield
    }) : () -> ()
    return
  }
}

#map = affine_map<(d0, d1) -> (0, 0)>
#map1 = affine_map<(d0, d1) -> (0)>
#map2 = affine_map<(d0, d1) -> (0, 0, 0)>
module attributes {stable_mosaic.version = 14 : i64} {
  func.func @_sc_segsum_body(%arg0: i32, %arg1: i32, %arg2: memref<10240x128xf32, #tpu.memory_space<hbm>>, %arg3: memref<323584xi32, #tpu.memory_space<hbm>>, %arg4: memref<323584xi32, #tpu.memory_space<hbm>>, %arg5: memref<128x128xf32, #tpu.memory_space<hbm>>, %arg6: memref<2x10240x128xf32, #tpu.memory_space<hbm>>, %arg7: memref<10240x128xf32, #tpu.memory_space<vmem_shared>>, %arg8: memref<128x128xf32, #tpu.memory_space<vmem>>, %arg9: memref<128xi32, #tpu.memory_space<vmem>>, %arg10: memref<128xi32, #tpu.memory_space<vmem>>, %arg11: memref<!tpu.dma_semaphore, #tpu.memory_space<semaphore_mem>>) attributes {dimension_semantics = [#tpu.dimension_semantics<core_parallel>, #tpu.dimension_semantics<subcore_parallel>], iteration_bounds = array<i64: 2, 16>, scalar_prefetch = 0 : i64, scratch_operands = 5 : i64, tpu.core_type = #tpu.core_type<sc_vector_subcore>, window_params = [{transform_indices = #map}, {transform_indices = #map1}, {transform_indices = #map1}, {transform_indices = #map}, {transform_indices = #map2}]} {
    %mul3A = arith.constant 16 : i32
    %mul3A_0 = arith.muli %arg0, %mul3A : i32
    %mul3A_1 = arith.constant 11776 : i32
    %mul3A_2 = arith.muli %mul3A_0, %mul3A_1 : i32
    %eq3A = arith.constant 0 : i32
    %eq3A_3 = arith.cmpi eq, %arg0, %eq3A : i32
    %jit3A = arith.constant 11776 : i32
    %jit3A_4 = arith.constant 8448 : i32
    %select_n3A = arith.select %eq3A_3, %jit3A, %jit3A_4 : i32
    %mul3A_5 = arith.muli %arg1, %select_n3A : i32
    %add3A = arith.addi %mul3A_2, %mul3A_5 : i32
    %eq3A_6 = arith.constant 0 : i32
    %eq3A_7 = arith.cmpi eq, %arg0, %eq3A_6 : i32
    %jit3A_8 = arith.constant 92 : i32
    %jit3A_9 = arith.constant 66 : i32
    %select_n3A_10 = arith.select %eq3A_7, %jit3A_8, %jit3A_9 : i32
    "tpu.region"() ({
      %run_scoped3A = tpu.sem_alloc : memref<!tpu.dma_semaphore, #tpu.memory_space<semaphore_mem>>
      tpu.enqueue_dma source(%arg5 : memref<128x128xf32, #tpu.memory_space<hbm>>) target(%arg8 : memref<128x128xf32, #tpu.memory_space<vmem>>) target_semaphore(%run_scoped3A : memref<!tpu.dma_semaphore, #tpu.memory_space<semaphore_mem>>)
      tpu.wait_dma2 semaphore(%run_scoped3A : memref<!tpu.dma_semaphore, #tpu.memory_space<semaphore_mem>>) src(%arg5 : memref<128x128xf32, #tpu.memory_space<hbm>>) dst(%arg8 : memref<128x128xf32, #tpu.memory_space<vmem>>)
      tpu.yield
    }) : () -> ()
    %mul3A_11 = arith.constant 640 : i32
    %mul3A_12 = arith.muli %arg1, %mul3A_11 : i32
    %add3A_13 = arith.constant 0 : i32
    %add3A_14 = arith.addi %mul3A_12, %add3A_13 : i32
    "tpu.region"() ({
      %run_scoped3A = tpu.sem_alloc : memref<!tpu.dma_semaphore, #tpu.memory_space<semaphore_mem>>
      %dma_start3A = arith.constant 0 : i32
      %dma_start3A_61 = tpu.memref_slice %arg7[%add3A_14, %dma_start3A] : memref<10240x128xf32, #tpu.memory_space<vmem_shared>> -> memref<128x128xf32, #tpu.memory_space<vmem_shared>>
      %dma_start3A_62 = arith.constant 0 : i32
      %dma_start3A_63 = tpu.memref_slice %arg7[%add3A_14, %dma_start3A_62] : memref<10240x128xf32, #tpu.memory_space<vmem_shared>> -> memref<128x128xf32, #tpu.memory_space<vmem_shared>>
      tpu.enqueue_dma source(%arg8 : memref<128x128xf32, #tpu.memory_space<vmem>>) target(%dma_start3A_63 : memref<128x128xf32, #tpu.memory_space<vmem_shared>>) target_semaphore(%run_scoped3A : memref<!tpu.dma_semaphore, #tpu.memory_space<semaphore_mem>>)
      %dma_wait3A = arith.constant 0 : i32
      %dma_wait3A_64 = tpu.memref_slice %arg7[%add3A_14, %dma_wait3A] : memref<10240x128xf32, #tpu.memory_space<vmem_shared>> -> memref<128x128xf32, #tpu.memory_space<vmem_shared>>
      %dma_wait3A_65 = arith.constant 0 : i32
      %dma_wait3A_66 = tpu.memref_slice %arg7[%add3A_14, %dma_wait3A_65] : memref<10240x128xf32, #tpu.memory_space<vmem_shared>> -> memref<128x128xf32, #tpu.memory_space<vmem_shared>>
      tpu.wait_dma2 semaphore(%run_scoped3A : memref<!tpu.dma_semaphore, #tpu.memory_space<semaphore_mem>>) src(%arg8 : memref<128x128xf32, #tpu.memory_space<vmem>>) dst(%dma_wait3A_66 : memref<128x128xf32, #tpu.memory_space<vmem_shared>>)
      tpu.yield
    }) : () -> ()
    %mul3A_15 = arith.constant 640 : i32
    %mul3A_16 = arith.muli %arg1, %mul3A_15 : i32
    %add3A_17 = arith.constant 128 : i32
    %add3A_18 = arith.addi %mul3A_16, %add3A_17 : i32
    "tpu.region"() ({
      %run_scoped3A = tpu.sem_alloc : memref<!tpu.dma_semaphore, #tpu.memory_space<semaphore_mem>>
      %dma_start3A = arith.constant 0 : i32
      %dma_start3A_61 = tpu.memref_slice %arg7[%add3A_18, %dma_start3A] : memref<10240x128xf32, #tpu.memory_space<vmem_shared>> -> memref<128x128xf32, #tpu.memory_space<vmem_shared>>
      %dma_start3A_62 = arith.constant 0 : i32
      %dma_start3A_63 = tpu.memref_slice %arg7[%add3A_18, %dma_start3A_62] : memref<10240x128xf32, #tpu.memory_space<vmem_shared>> -> memref<128x128xf32, #tpu.memory_space<vmem_shared>>
      tpu.enqueue_dma source(%arg8 : memref<128x128xf32, #tpu.memory_space<vmem>>) target(%dma_start3A_63 : memref<128x128xf32, #tpu.memory_space<vmem_shared>>) target_semaphore(%run_scoped3A : memref<!tpu.dma_semaphore, #tpu.memory_space<semaphore_mem>>)
      %dma_wait3A = arith.constant 0 : i32
      %dma_wait3A_64 = tpu.memref_slice %arg7[%add3A_18, %dma_wait3A] : memref<10240x128xf32, #tpu.memory_space<vmem_shared>> -> memref<128x128xf32, #tpu.memory_space<vmem_shared>>
      %dma_wait3A_65 = arith.constant 0 : i32
      %dma_wait3A_66 = tpu.memref_slice %arg7[%add3A_18, %dma_wait3A_65] : memref<10240x128xf32, #tpu.memory_space<vmem_shared>> -> memref<128x128xf32, #tpu.memory_space<vmem_shared>>
      tpu.wait_dma2 semaphore(%run_scoped3A : memref<!tpu.dma_semaphore, #tpu.memory_space<semaphore_mem>>) src(%arg8 : memref<128x128xf32, #tpu.memory_space<vmem>>) dst(%dma_wait3A_66 : memref<128x128xf32, #tpu.memory_space<vmem_shared>>)
      tpu.yield
    }) : () -> ()
    %mul3A_19 = arith.constant 640 : i32
    %mul3A_20 = arith.muli %arg1, %mul3A_19 : i32
    %add3A_21 = arith.constant 256 : i32
    %add3A_22 = arith.addi %mul3A_20, %add3A_21 : i32
    "tpu.region"() ({
      %run_scoped3A = tpu.sem_alloc : memref<!tpu.dma_semaphore, #tpu.memory_space<semaphore_mem>>
      %dma_start3A = arith.constant 0 : i32
      %dma_start3A_61 = tpu.memref_slice %arg7[%add3A_22, %dma_start3A] : memref<10240x128xf32, #tpu.memory_space<vmem_shared>> -> memref<128x128xf32, #tpu.memory_space<vmem_shared>>
      %dma_start3A_62 = arith.constant 0 : i32
      %dma_start3A_63 = tpu.memref_slice %arg7[%add3A_22, %dma_start3A_62] : memref<10240x128xf32, #tpu.memory_space<vmem_shared>> -> memref<128x128xf32, #tpu.memory_space<vmem_shared>>
      tpu.enqueue_dma source(%arg8 : memref<128x128xf32, #tpu.memory_space<vmem>>) target(%dma_start3A_63 : memref<128x128xf32, #tpu.memory_space<vmem_shared>>) target_semaphore(%run_scoped3A : memref<!tpu.dma_semaphore, #tpu.memory_space<semaphore_mem>>)
      %dma_wait3A = arith.constant 0 : i32
      %dma_wait3A_64 = tpu.memref_slice %arg7[%add3A_22, %dma_wait3A] : memref<10240x128xf32, #tpu.memory_space<vmem_shared>> -> memref<128x128xf32, #tpu.memory_space<vmem_shared>>
      %dma_wait3A_65 = arith.constant 0 : i32
      %dma_wait3A_66 = tpu.memref_slice %arg7[%add3A_22, %dma_wait3A_65] : memref<10240x128xf32, #tpu.memory_space<vmem_shared>> -> memref<128x128xf32, #tpu.memory_space<vmem_shared>>
      tpu.wait_dma2 semaphore(%run_scoped3A : memref<!tpu.dma_semaphore, #tpu.memory_space<semaphore_mem>>) src(%arg8 : memref<128x128xf32, #tpu.memory_space<vmem>>) dst(%dma_wait3A_66 : memref<128x128xf32, #tpu.memory_space<vmem_shared>>)
      tpu.yield
    }) : () -> ()
    %mul3A_23 = arith.constant 640 : i32
    %mul3A_24 = arith.muli %arg1, %mul3A_23 : i32
    %add3A_25 = arith.constant 384 : i32
    %add3A_26 = arith.addi %mul3A_24, %add3A_25 : i32
    "tpu.region"() ({
      %run_scoped3A = tpu.sem_alloc : memref<!tpu.dma_semaphore, #tpu.memory_space<semaphore_mem>>
      %dma_start3A = arith.constant 0 : i32
      %dma_start3A_61 = tpu.memref_slice %arg7[%add3A_26, %dma_start3A] : memref<10240x128xf32, #tpu.memory_space<vmem_shared>> -> memref<128x128xf32, #tpu.memory_space<vmem_shared>>
      %dma_start3A_62 = arith.constant 0 : i32
      %dma_start3A_63 = tpu.memref_slice %arg7[%add3A_26, %dma_start3A_62] : memref<10240x128xf32, #tpu.memory_space<vmem_shared>> -> memref<128x128xf32, #tpu.memory_space<vmem_shared>>
      tpu.enqueue_dma source(%arg8 : memref<128x128xf32, #tpu.memory_space<vmem>>) target(%dma_start3A_63 : memref<128x128xf32, #tpu.memory_space<vmem_shared>>) target_semaphore(%run_scoped3A : memref<!tpu.dma_semaphore, #tpu.memory_space<semaphore_mem>>)
      %dma_wait3A = arith.constant 0 : i32
      %dma_wait3A_64 = tpu.memref_slice %arg7[%add3A_26, %dma_wait3A] : memref<10240x128xf32, #tpu.memory_space<vmem_shared>> -> memref<128x128xf32, #tpu.memory_space<vmem_shared>>
      %dma_wait3A_65 = arith.constant 0 : i32
      %dma_wait3A_66 = tpu.memref_slice %arg7[%add3A_26, %dma_wait3A_65] : memref<10240x128xf32, #tpu.memory_space<vmem_shared>> -> memref<128x128xf32, #tpu.memory_space<vmem_shared>>
      tpu.wait_dma2 semaphore(%run_scoped3A : memref<!tpu.dma_semaphore, #tpu.memory_space<semaphore_mem>>) src(%arg8 : memref<128x128xf32, #tpu.memory_space<vmem>>) dst(%dma_wait3A_66 : memref<128x128xf32, #tpu.memory_space<vmem_shared>>)
      tpu.yield
    }) : () -> ()
    %mul3A_27 = arith.constant 640 : i32
    %mul3A_28 = arith.muli %arg1, %mul3A_27 : i32
    %add3A_29 = arith.constant 512 : i32
    %add3A_30 = arith.addi %mul3A_28, %add3A_29 : i32
    "tpu.region"() ({
      %run_scoped3A = tpu.sem_alloc : memref<!tpu.dma_semaphore, #tpu.memory_space<semaphore_mem>>
      %dma_start3A = arith.constant 0 : i32
      %dma_start3A_61 = tpu.memref_slice %arg7[%add3A_30, %dma_start3A] : memref<10240x128xf32, #tpu.memory_space<vmem_shared>> -> memref<128x128xf32, #tpu.memory_space<vmem_shared>>
      %dma_start3A_62 = arith.constant 0 : i32
      %dma_start3A_63 = tpu.memref_slice %arg7[%add3A_30, %dma_start3A_62] : memref<10240x128xf32, #tpu.memory_space<vmem_shared>> -> memref<128x128xf32, #tpu.memory_space<vmem_shared>>
      tpu.enqueue_dma source(%arg8 : memref<128x128xf32, #tpu.memory_space<vmem>>) target(%dma_start3A_63 : memref<128x128xf32, #tpu.memory_space<vmem_shared>>) target_semaphore(%run_scoped3A : memref<!tpu.dma_semaphore, #tpu.memory_space<semaphore_mem>>)
      %dma_wait3A = arith.constant 0 : i32
      %dma_wait3A_64 = tpu.memref_slice %arg7[%add3A_30, %dma_wait3A] : memref<10240x128xf32, #tpu.memory_space<vmem_shared>> -> memref<128x128xf32, #tpu.memory_space<vmem_shared>>
      %dma_wait3A_65 = arith.constant 0 : i32
      %dma_wait3A_66 = tpu.memref_slice %arg7[%add3A_30, %dma_wait3A_65] : memref<10240x128xf32, #tpu.memory_space<vmem_shared>> -> memref<128x128xf32, #tpu.memory_space<vmem_shared>>
      tpu.wait_dma2 semaphore(%run_scoped3A : memref<!tpu.dma_semaphore, #tpu.memory_space<semaphore_mem>>) src(%arg8 : memref<128x128xf32, #tpu.memory_space<vmem>>) dst(%dma_wait3A_66 : memref<128x128xf32, #tpu.memory_space<vmem_shared>>)
      tpu.yield
    }) : () -> ()
    %barrier3A = arith.constant 0 : index
    tpu.barrier barrier_id(%barrier3A)
    %while3A = arith.constant 0 : i32
    %while3A_31 = arith.constant 0 : i32
    %while3A_32 = arith.subi %select_n3A_10, %while3A_31 : i32
    %while3A_33 = arith.addi %while3A_31, %while3A_32 : i32
    %while3A_34 = arith.constant 1 : i32
    %while3A_35 = arith.divsi %while3A_32, %while3A_34 : i32
    %while3A_36 = arith.muli %while3A_35, %while3A_34 : i32
    %while3A_37 = arith.addi %while3A_31, %while3A_36 : i32
    %while3A_38 = arith.constant 1 : i32
    scf.for %while3A_61 = %while3A_31 to %while3A_37 step %while3A_38  : i32 {
      %mul3A_62 = arith.constant 128 : i32
      %mul3A_63 = arith.muli %while3A_61, %mul3A_62 : i32
      %add3A_64 = arith.addi %add3A, %mul3A_63 : i32
      "tpu.region"() ({
        %run_scoped3A = tpu.sem_alloc : memref<!tpu.dma_semaphore, #tpu.memory_space<semaphore_mem>>
        %dma_start3A_69 = tpu.memref_slice %arg3[%add3A_64] : memref<323584xi32, #tpu.memory_space<hbm>> -> memref<128xi32, #tpu.memory_space<hbm>>
        %dma_start3A_70 = tpu.memref_slice %arg3[%add3A_64] : memref<323584xi32, #tpu.memory_space<hbm>> -> memref<128xi32, #tpu.memory_space<hbm>>
        tpu.enqueue_dma source(%dma_start3A_70 : memref<128xi32, #tpu.memory_space<hbm>>) target(%arg9 : memref<128xi32, #tpu.memory_space<vmem>>) target_semaphore(%run_scoped3A : memref<!tpu.dma_semaphore, #tpu.memory_space<semaphore_mem>>)
        %dma_wait3A_71 = tpu.memref_slice %arg3[%add3A_64] : memref<323584xi32, #tpu.memory_space<hbm>> -> memref<128xi32, #tpu.memory_space<hbm>>
        %dma_wait3A_72 = tpu.memref_slice %arg3[%add3A_64] : memref<323584xi32, #tpu.memory_space<hbm>> -> memref<128xi32, #tpu.memory_space<hbm>>
        tpu.wait_dma2 semaphore(%run_scoped3A : memref<!tpu.dma_semaphore, #tpu.memory_space<semaphore_mem>>) src(%dma_wait3A_72 : memref<128xi32, #tpu.memory_space<hbm>>) dst(%arg9 : memref<128xi32, #tpu.memory_space<vmem>>)
        tpu.yield
      }) : () -> ()
      "tpu.region"() ({
        %run_scoped3A = tpu.sem_alloc : memref<!tpu.dma_semaphore, #tpu.memory_space<semaphore_mem>>
        %dma_start3A_69 = tpu.memref_slice %arg4[%add3A_64] : memref<323584xi32, #tpu.memory_space<hbm>> -> memref<128xi32, #tpu.memory_space<hbm>>
        %dma_start3A_70 = tpu.memref_slice %arg4[%add3A_64] : memref<323584xi32, #tpu.memory_space<hbm>> -> memref<128xi32, #tpu.memory_space<hbm>>
        tpu.enqueue_dma source(%dma_start3A_70 : memref<128xi32, #tpu.memory_space<hbm>>) target(%arg10 : memref<128xi32, #tpu.memory_space<vmem>>) target_semaphore(%run_scoped3A : memref<!tpu.dma_semaphore, #tpu.memory_space<semaphore_mem>>)
        %dma_wait3A_71 = tpu.memref_slice %arg4[%add3A_64] : memref<323584xi32, #tpu.memory_space<hbm>> -> memref<128xi32, #tpu.memory_space<hbm>>
        %dma_wait3A_72 = tpu.memref_slice %arg4[%add3A_64] : memref<323584xi32, #tpu.memory_space<hbm>> -> memref<128xi32, #tpu.memory_space<hbm>>
        tpu.wait_dma2 semaphore(%run_scoped3A : memref<!tpu.dma_semaphore, #tpu.memory_space<semaphore_mem>>) src(%dma_wait3A_72 : memref<128xi32, #tpu.memory_space<hbm>>) dst(%arg10 : memref<128xi32, #tpu.memory_space<vmem>>)
        tpu.yield
      }) : () -> ()
      %dma_start3A = arith.constant 0 : i32
      %dma_start3A_65 = arith.constant 0 : i32
      %dma_start3A_66 = tpu.memref_slice %arg2[%dma_start3A, %dma_start3A_65] : memref<10240x128xf32, #tpu.memory_space<hbm>> -> memref<10240x128xf32, #tpu.memory_space<hbm>>
      tpu.enqueue_indirect_dma source(%dma_start3A_66 : memref<10240x128xf32, #tpu.memory_space<hbm>>) target(%arg8 : memref<128x128xf32, #tpu.memory_space<vmem>>) offsets(%arg9 : memref<128xi32, #tpu.memory_space<vmem>>) semaphore(%arg11 : memref<!tpu.dma_semaphore, #tpu.memory_space<semaphore_mem>>)
      %dma_wait3A = arith.constant 0 : i32
      %dma_wait3A_67 = arith.constant 0 : i32
      %dma_wait3A_68 = tpu.memref_slice %arg2[%dma_wait3A, %dma_wait3A_67] : memref<10240x128xf32, #tpu.memory_space<hbm>> -> memref<10240x128xf32, #tpu.memory_space<hbm>>
      tpu.wait_indirect_dma semaphore(%arg11 : memref<!tpu.dma_semaphore, #tpu.memory_space<semaphore_mem>>) src(%dma_wait3A_68 : memref<10240x128xf32, #tpu.memory_space<hbm>>) dst(%arg8 : memref<128x128xf32, #tpu.memory_space<vmem>>)
      "tpu.region"() ({
        %run_scoped3A = tpu.sem_alloc : memref<!tpu.dma_semaphore, #tpu.memory_space<semaphore_mem>>
        %dma_start3A_69 = arith.constant 0 : i32
        %dma_start3A_70 = arith.constant 0 : i32
        %dma_start3A_71 = tpu.memref_slice %arg7[%dma_start3A_69, %dma_start3A_70] : memref<10240x128xf32, #tpu.memory_space<vmem_shared>> -> memref<10240x128xf32, #tpu.memory_space<vmem_shared>>
        tpu.enqueue_indirect_dma source(%arg8 : memref<128x128xf32, #tpu.memory_space<vmem>>) target(%dma_start3A_71 : memref<10240x128xf32, #tpu.memory_space<vmem_shared>>) offsets(%arg10 : memref<128xi32, #tpu.memory_space<vmem>>) semaphore(%run_scoped3A : memref<!tpu.dma_semaphore, #tpu.memory_space<semaphore_mem>>) {add = true}
        %dma_wait3A_72 = arith.constant 0 : i32
        %dma_wait3A_73 = arith.constant 0 : i32
        %dma_wait3A_74 = tpu.memref_slice %arg7[%dma_wait3A_72, %dma_wait3A_73] : memref<10240x128xf32, #tpu.memory_space<vmem_shared>> -> memref<10240x128xf32, #tpu.memory_space<vmem_shared>>
        tpu.wait_indirect_dma semaphore(%run_scoped3A : memref<!tpu.dma_semaphore, #tpu.memory_space<semaphore_mem>>) src(%arg8 : memref<128x128xf32, #tpu.memory_space<vmem>>) dst(%dma_wait3A_74 : memref<10240x128xf32, #tpu.memory_space<vmem_shared>>)
        tpu.yield
      }) : () -> ()
    }
    %while3A_39 = arith.constant 1 : i32
    scf.for %while3A_61 = %while3A_37 to %while3A_33 step %while3A_39  : i32 {
      %mul3A_62 = arith.constant 128 : i32
      %mul3A_63 = arith.muli %while3A_61, %mul3A_62 : i32
      %add3A_64 = arith.addi %add3A, %mul3A_63 : i32
      "tpu.region"() ({
        %run_scoped3A = tpu.sem_alloc : memref<!tpu.dma_semaphore, #tpu.memory_space<semaphore_mem>>
        %dma_start3A_69 = tpu.memref_slice %arg3[%add3A_64] : memref<323584xi32, #tpu.memory_space<hbm>> -> memref<128xi32, #tpu.memory_space<hbm>>
        %dma_start3A_70 = tpu.memref_slice %arg3[%add3A_64] : memref<323584xi32, #tpu.memory_space<hbm>> -> memref<128xi32, #tpu.memory_space<hbm>>
        tpu.enqueue_dma source(%dma_start3A_70 : memref<128xi32, #tpu.memory_space<hbm>>) target(%arg9 : memref<128xi32, #tpu.memory_space<vmem>>) target_semaphore(%run_scoped3A : memref<!tpu.dma_semaphore, #tpu.memory_space<semaphore_mem>>)
        %dma_wait3A_71 = tpu.memref_slice %arg3[%add3A_64] : memref<323584xi32, #tpu.memory_space<hbm>> -> memref<128xi32, #tpu.memory_space<hbm>>
        %dma_wait3A_72 = tpu.memref_slice %arg3[%add3A_64] : memref<323584xi32, #tpu.memory_space<hbm>> -> memref<128xi32, #tpu.memory_space<hbm>>
        tpu.wait_dma2 semaphore(%run_scoped3A : memref<!tpu.dma_semaphore, #tpu.memory_space<semaphore_mem>>) src(%dma_wait3A_72 : memref<128xi32, #tpu.memory_space<hbm>>) dst(%arg9 : memref<128xi32, #tpu.memory_space<vmem>>)
        tpu.yield
      }) : () -> ()
      "tpu.region"() ({
        %run_scoped3A = tpu.sem_alloc : memref<!tpu.dma_semaphore, #tpu.memory_space<semaphore_mem>>
        %dma_start3A_69 = tpu.memref_slice %arg4[%add3A_64] : memref<323584xi32, #tpu.memory_space<hbm>> -> memref<128xi32, #tpu.memory_space<hbm>>
        %dma_start3A_70 = tpu.memref_slice %arg4[%add3A_64] : memref<323584xi32, #tpu.memory_space<hbm>> -> memref<128xi32, #tpu.memory_space<hbm>>
        tpu.enqueue_dma source(%dma_start3A_70 : memref<128xi32, #tpu.memory_space<hbm>>) target(%arg10 : memref<128xi32, #tpu.memory_space<vmem>>) target_semaphore(%run_scoped3A : memref<!tpu.dma_semaphore, #tpu.memory_space<semaphore_mem>>)
        %dma_wait3A_71 = tpu.memref_slice %arg4[%add3A_64] : memref<323584xi32, #tpu.memory_space<hbm>> -> memref<128xi32, #tpu.memory_space<hbm>>
        %dma_wait3A_72 = tpu.memref_slice %arg4[%add3A_64] : memref<323584xi32, #tpu.memory_space<hbm>> -> memref<128xi32, #tpu.memory_space<hbm>>
        tpu.wait_dma2 semaphore(%run_scoped3A : memref<!tpu.dma_semaphore, #tpu.memory_space<semaphore_mem>>) src(%dma_wait3A_72 : memref<128xi32, #tpu.memory_space<hbm>>) dst(%arg10 : memref<128xi32, #tpu.memory_space<vmem>>)
        tpu.yield
      }) : () -> ()
      %dma_start3A = arith.constant 0 : i32
      %dma_start3A_65 = arith.constant 0 : i32
      %dma_start3A_66 = tpu.memref_slice %arg2[%dma_start3A, %dma_start3A_65] : memref<10240x128xf32, #tpu.memory_space<hbm>> -> memref<10240x128xf32, #tpu.memory_space<hbm>>
      tpu.enqueue_indirect_dma source(%dma_start3A_66 : memref<10240x128xf32, #tpu.memory_space<hbm>>) target(%arg8 : memref<128x128xf32, #tpu.memory_space<vmem>>) offsets(%arg9 : memref<128xi32, #tpu.memory_space<vmem>>) semaphore(%arg11 : memref<!tpu.dma_semaphore, #tpu.memory_space<semaphore_mem>>)
      %dma_wait3A = arith.constant 0 : i32
      %dma_wait3A_67 = arith.constant 0 : i32
      %dma_wait3A_68 = tpu.memref_slice %arg2[%dma_wait3A, %dma_wait3A_67] : memref<10240x128xf32, #tpu.memory_space<hbm>> -> memref<10240x128xf32, #tpu.memory_space<hbm>>
      tpu.wait_indirect_dma semaphore(%arg11 : memref<!tpu.dma_semaphore, #tpu.memory_space<semaphore_mem>>) src(%dma_wait3A_68 : memref<10240x128xf32, #tpu.memory_space<hbm>>) dst(%arg8 : memref<128x128xf32, #tpu.memory_space<vmem>>)
      "tpu.region"() ({
        %run_scoped3A = tpu.sem_alloc : memref<!tpu.dma_semaphore, #tpu.memory_space<semaphore_mem>>
        %dma_start3A_69 = arith.constant 0 : i32
        %dma_start3A_70 = arith.constant 0 : i32
        %dma_start3A_71 = tpu.memref_slice %arg7[%dma_start3A_69, %dma_start3A_70] : memref<10240x128xf32, #tpu.memory_space<vmem_shared>> -> memref<10240x128xf32, #tpu.memory_space<vmem_shared>>
        tpu.enqueue_indirect_dma source(%arg8 : memref<128x128xf32, #tpu.memory_space<vmem>>) target(%dma_start3A_71 : memref<10240x128xf32, #tpu.memory_space<vmem_shared>>) offsets(%arg10 : memref<128xi32, #tpu.memory_space<vmem>>) semaphore(%run_scoped3A : memref<!tpu.dma_semaphore, #tpu.memory_space<semaphore_mem>>) {add = true}
        %dma_wait3A_72 = arith.constant 0 : i32
        %dma_wait3A_73 = arith.constant 0 : i32
        %dma_wait3A_74 = tpu.memref_slice %arg7[%dma_wait3A_72, %dma_wait3A_73] : memref<10240x128xf32, #tpu.memory_space<vmem_shared>> -> memref<10240x128xf32, #tpu.memory_space<vmem_shared>>
        tpu.wait_indirect_dma semaphore(%run_scoped3A : memref<!tpu.dma_semaphore, #tpu.memory_space<semaphore_mem>>) src(%arg8 : memref<128x128xf32, #tpu.memory_space<vmem>>) dst(%dma_wait3A_74 : memref<10240x128xf32, #tpu.memory_space<vmem_shared>>)
        tpu.yield
      }) : () -> ()
    }
    %barrier3A_40 = arith.constant 0 : index
    tpu.barrier barrier_id(%barrier3A_40)
    %mul3A_41 = arith.constant 640 : i32
    %mul3A_42 = arith.muli %arg1, %mul3A_41 : i32
    %add3A_43 = arith.constant 0 : i32
    %add3A_44 = arith.addi %mul3A_42, %add3A_43 : i32
    "tpu.region"() ({
      %run_scoped3A = tpu.sem_alloc : memref<!tpu.dma_semaphore, #tpu.memory_space<semaphore_mem>>
      %dma_start3A = arith.constant 0 : i32
      %dma_start3A_61 = tpu.memref_slice %arg7[%add3A_44, %dma_start3A] : memref<10240x128xf32, #tpu.memory_space<vmem_shared>> -> memref<128x128xf32, #tpu.memory_space<vmem_shared>>
      %dma_start3A_62 = arith.constant 0 : i32
      %dma_start3A_63 = tpu.memref_slice %arg7[%add3A_44, %dma_start3A_62] : memref<10240x128xf32, #tpu.memory_space<vmem_shared>> -> memref<128x128xf32, #tpu.memory_space<vmem_shared>>
      tpu.enqueue_dma source(%dma_start3A_63 : memref<128x128xf32, #tpu.memory_space<vmem_shared>>) target(%arg8 : memref<128x128xf32, #tpu.memory_space<vmem>>) target_semaphore(%run_scoped3A : memref<!tpu.dma_semaphore, #tpu.memory_space<semaphore_mem>>)
      %dma_wait3A = arith.constant 0 : i32
      %dma_wait3A_64 = tpu.memref_slice %arg7[%add3A_44, %dma_wait3A] : memref<10240x128xf32, #tpu.memory_space<vmem_shared>> -> memref<128x128xf32, #tpu.memory_space<vmem_shared>>
      %dma_wait3A_65 = arith.constant 0 : i32
      %dma_wait3A_66 = tpu.memref_slice %arg7[%add3A_44, %dma_wait3A_65] : memref<10240x128xf32, #tpu.memory_space<vmem_shared>> -> memref<128x128xf32, #tpu.memory_space<vmem_shared>>
      tpu.wait_dma2 semaphore(%run_scoped3A : memref<!tpu.dma_semaphore, #tpu.memory_space<semaphore_mem>>) src(%dma_wait3A_66 : memref<128x128xf32, #tpu.memory_space<vmem_shared>>) dst(%arg8 : memref<128x128xf32, #tpu.memory_space<vmem>>)
      tpu.yield
    }) : () -> ()
    "tpu.region"() ({
      %run_scoped3A = tpu.sem_alloc : memref<!tpu.dma_semaphore, #tpu.memory_space<semaphore_mem>>
      %dma_start3A = arith.constant 0 : i32
      %dma_start3A_61 = tpu.memref_slice %arg6[%arg0, %add3A_44, %dma_start3A] : memref<2x10240x128xf32, #tpu.memory_space<hbm>> -> memref<1x128x128xf32, #tpu.memory_space<hbm>>
      %dma_start3A_62 = tpu.memref_squeeze %dma_start3A_61 : memref<1x128x128xf32, #tpu.memory_space<hbm>> -> memref<128x128xf32, #tpu.memory_space<hbm>>
      %dma_start3A_63 = arith.constant 0 : i32
      %dma_start3A_64 = tpu.memref_slice %arg6[%arg0, %add3A_44, %dma_start3A_63] : memref<2x10240x128xf32, #tpu.memory_space<hbm>> -> memref<1x128x128xf32, #tpu.memory_space<hbm>>
      %dma_start3A_65 = tpu.memref_squeeze %dma_start3A_64 : memref<1x128x128xf32, #tpu.memory_space<hbm>> -> memref<128x128xf32, #tpu.memory_space<hbm>>
      tpu.enqueue_dma source(%arg8 : memref<128x128xf32, #tpu.memory_space<vmem>>) target(%dma_start3A_65 : memref<128x128xf32, #tpu.memory_space<hbm>>) target_semaphore(%run_scoped3A : memref<!tpu.dma_semaphore, #tpu.memory_space<semaphore_mem>>)
      %dma_wait3A = arith.constant 0 : i32
      %dma_wait3A_66 = tpu.memref_slice %arg6[%arg0, %add3A_44, %dma_wait3A] : memref<2x10240x128xf32, #tpu.memory_space<hbm>> -> memref<1x128x128xf32, #tpu.memory_space<hbm>>
      %dma_wait3A_67 = tpu.memref_squeeze %dma_wait3A_66 : memref<1x128x128xf32, #tpu.memory_space<hbm>> -> memref<128x128xf32, #tpu.memory_space<hbm>>
      %dma_wait3A_68 = arith.constant 0 : i32
      %dma_wait3A_69 = tpu.memref_slice %arg6[%arg0, %add3A_44, %dma_wait3A_68] : memref<2x10240x128xf32, #tpu.memory_space<hbm>> -> memref<1x128x128xf32, #tpu.memory_space<hbm>>
      %dma_wait3A_70 = tpu.memref_squeeze %dma_wait3A_69 : memref<1x128x128xf32, #tpu.memory_space<hbm>> -> memref<128x128xf32, #tpu.memory_space<hbm>>
      tpu.wait_dma2 semaphore(%run_scoped3A : memref<!tpu.dma_semaphore, #tpu.memory_space<semaphore_mem>>) src(%arg8 : memref<128x128xf32, #tpu.memory_space<vmem>>) dst(%dma_wait3A_70 : memref<128x128xf32, #tpu.memory_space<hbm>>)
      tpu.yield
    }) : () -> ()
    %mul3A_45 = arith.constant 640 : i32
    %mul3A_46 = arith.muli %arg1, %mul3A_45 : i32
    %add3A_47 = arith.constant 128 : i32
    %add3A_48 = arith.addi %mul3A_46, %add3A_47 : i32
    "tpu.region"() ({
      %run_scoped3A = tpu.sem_alloc : memref<!tpu.dma_semaphore, #tpu.memory_space<semaphore_mem>>
      %dma_start3A = arith.constant 0 : i32
      %dma_start3A_61 = tpu.memref_slice %arg7[%add3A_48, %dma_start3A] : memref<10240x128xf32, #tpu.memory_space<vmem_shared>> -> memref<128x128xf32, #tpu.memory_space<vmem_shared>>
      %dma_start3A_62 = arith.constant 0 : i32
      %dma_start3A_63 = tpu.memref_slice %arg7[%add3A_48, %dma_start3A_62] : memref<10240x128xf32, #tpu.memory_space<vmem_shared>> -> memref<128x128xf32, #tpu.memory_space<vmem_shared>>
      tpu.enqueue_dma source(%dma_start3A_63 : memref<128x128xf32, #tpu.memory_space<vmem_shared>>) target(%arg8 : memref<128x128xf32, #tpu.memory_space<vmem>>) target_semaphore(%run_scoped3A : memref<!tpu.dma_semaphore, #tpu.memory_space<semaphore_mem>>)
      %dma_wait3A = arith.constant 0 : i32
      %dma_wait3A_64 = tpu.memref_slice %arg7[%add3A_48, %dma_wait3A] : memref<10240x128xf32, #tpu.memory_space<vmem_shared>> -> memref<128x128xf32, #tpu.memory_space<vmem_shared>>
      %dma_wait3A_65 = arith.constant 0 : i32
      %dma_wait3A_66 = tpu.memref_slice %arg7[%add3A_48, %dma_wait3A_65] : memref<10240x128xf32, #tpu.memory_space<vmem_shared>> -> memref<128x128xf32, #tpu.memory_space<vmem_shared>>
      tpu.wait_dma2 semaphore(%run_scoped3A : memref<!tpu.dma_semaphore, #tpu.memory_space<semaphore_mem>>) src(%dma_wait3A_66 : memref<128x128xf32, #tpu.memory_space<vmem_shared>>) dst(%arg8 : memref<128x128xf32, #tpu.memory_space<vmem>>)
      tpu.yield
    }) : () -> ()
    "tpu.region"() ({
      %run_scoped3A = tpu.sem_alloc : memref<!tpu.dma_semaphore, #tpu.memory_space<semaphore_mem>>
      %dma_start3A = arith.constant 0 : i32
      %dma_start3A_61 = tpu.memref_slice %arg6[%arg0, %add3A_48, %dma_start3A] : memref<2x10240x128xf32, #tpu.memory_space<hbm>> -> memref<1x128x128xf32, #tpu.memory_space<hbm>>
      %dma_start3A_62 = tpu.memref_squeeze %dma_start3A_61 : memref<1x128x128xf32, #tpu.memory_space<hbm>> -> memref<128x128xf32, #tpu.memory_space<hbm>>
      %dma_start3A_63 = arith.constant 0 : i32
      %dma_start3A_64 = tpu.memref_slice %arg6[%arg0, %add3A_48, %dma_start3A_63] : memref<2x10240x128xf32, #tpu.memory_space<hbm>> -> memref<1x128x128xf32, #tpu.memory_space<hbm>>
      %dma_start3A_65 = tpu.memref_squeeze %dma_start3A_64 : memref<1x128x128xf32, #tpu.memory_space<hbm>> -> memref<128x128xf32, #tpu.memory_space<hbm>>
      tpu.enqueue_dma source(%arg8 : memref<128x128xf32, #tpu.memory_space<vmem>>) target(%dma_start3A_65 : memref<128x128xf32, #tpu.memory_space<hbm>>) target_semaphore(%run_scoped3A : memref<!tpu.dma_semaphore, #tpu.memory_space<semaphore_mem>>)
      %dma_wait3A = arith.constant 0 : i32
      %dma_wait3A_66 = tpu.memref_slice %arg6[%arg0, %add3A_48, %dma_wait3A] : memref<2x10240x128xf32, #tpu.memory_space<hbm>> -> memref<1x128x128xf32, #tpu.memory_space<hbm>>
      %dma_wait3A_67 = tpu.memref_squeeze %dma_wait3A_66 : memref<1x128x128xf32, #tpu.memory_space<hbm>> -> memref<128x128xf32, #tpu.memory_space<hbm>>
      %dma_wait3A_68 = arith.constant 0 : i32
      %dma_wait3A_69 = tpu.memref_slice %arg6[%arg0, %add3A_48, %dma_wait3A_68] : memref<2x10240x128xf32, #tpu.memory_space<hbm>> -> memref<1x128x128xf32, #tpu.memory_space<hbm>>
      %dma_wait3A_70 = tpu.memref_squeeze %dma_wait3A_69 : memref<1x128x128xf32, #tpu.memory_space<hbm>> -> memref<128x128xf32, #tpu.memory_space<hbm>>
      tpu.wait_dma2 semaphore(%run_scoped3A : memref<!tpu.dma_semaphore, #tpu.memory_space<semaphore_mem>>) src(%arg8 : memref<128x128xf32, #tpu.memory_space<vmem>>) dst(%dma_wait3A_70 : memref<128x128xf32, #tpu.memory_space<hbm>>)
      tpu.yield
    }) : () -> ()
    %mul3A_49 = arith.constant 640 : i32
    %mul3A_50 = arith.muli %arg1, %mul3A_49 : i32
    %add3A_51 = arith.constant 256 : i32
    %add3A_52 = arith.addi %mul3A_50, %add3A_51 : i32
    "tpu.region"() ({
      %run_scoped3A = tpu.sem_alloc : memref<!tpu.dma_semaphore, #tpu.memory_space<semaphore_mem>>
      %dma_start3A = arith.constant 0 : i32
      %dma_start3A_61 = tpu.memref_slice %arg7[%add3A_52, %dma_start3A] : memref<10240x128xf32, #tpu.memory_space<vmem_shared>> -> memref<128x128xf32, #tpu.memory_space<vmem_shared>>
      %dma_start3A_62 = arith.constant 0 : i32
      %dma_start3A_63 = tpu.memref_slice %arg7[%add3A_52, %dma_start3A_62] : memref<10240x128xf32, #tpu.memory_space<vmem_shared>> -> memref<128x128xf32, #tpu.memory_space<vmem_shared>>
      tpu.enqueue_dma source(%dma_start3A_63 : memref<128x128xf32, #tpu.memory_space<vmem_shared>>) target(%arg8 : memref<128x128xf32, #tpu.memory_space<vmem>>) target_semaphore(%run_scoped3A : memref<!tpu.dma_semaphore, #tpu.memory_space<semaphore_mem>>)
      %dma_wait3A = arith.constant 0 : i32
      %dma_wait3A_64 = tpu.memref_slice %arg7[%add3A_52, %dma_wait3A] : memref<10240x128xf32, #tpu.memory_space<vmem_shared>> -> memref<128x128xf32, #tpu.memory_space<vmem_shared>>
      %dma_wait3A_65 = arith.constant 0 : i32
      %dma_wait3A_66 = tpu.memref_slice %arg7[%add3A_52, %dma_wait3A_65] : memref<10240x128xf32, #tpu.memory_space<vmem_shared>> -> memref<128x128xf32, #tpu.memory_space<vmem_shared>>
      tpu.wait_dma2 semaphore(%run_scoped3A : memref<!tpu.dma_semaphore, #tpu.memory_space<semaphore_mem>>) src(%dma_wait3A_66 : memref<128x128xf32, #tpu.memory_space<vmem_shared>>) dst(%arg8 : memref<128x128xf32, #tpu.memory_space<vmem>>)
      tpu.yield
    }) : () -> ()
    "tpu.region"() ({
      %run_scoped3A = tpu.sem_alloc : memref<!tpu.dma_semaphore, #tpu.memory_space<semaphore_mem>>
      %dma_start3A = arith.constant 0 : i32
      %dma_start3A_61 = tpu.memref_slice %arg6[%arg0, %add3A_52, %dma_start3A] : memref<2x10240x128xf32, #tpu.memory_space<hbm>> -> memref<1x128x128xf32, #tpu.memory_space<hbm>>
      %dma_start3A_62 = tpu.memref_squeeze %dma_start3A_61 : memref<1x128x128xf32, #tpu.memory_space<hbm>> -> memref<128x128xf32, #tpu.memory_space<hbm>>
      %dma_start3A_63 = arith.constant 0 : i32
      %dma_start3A_64 = tpu.memref_slice %arg6[%arg0, %add3A_52, %dma_start3A_63] : memref<2x10240x128xf32, #tpu.memory_space<hbm>> -> memref<1x128x128xf32, #tpu.memory_space<hbm>>
      %dma_start3A_65 = tpu.memref_squeeze %dma_start3A_64 : memref<1x128x128xf32, #tpu.memory_space<hbm>> -> memref<128x128xf32, #tpu.memory_space<hbm>>
      tpu.enqueue_dma source(%arg8 : memref<128x128xf32, #tpu.memory_space<vmem>>) target(%dma_start3A_65 : memref<128x128xf32, #tpu.memory_space<hbm>>) target_semaphore(%run_scoped3A : memref<!tpu.dma_semaphore, #tpu.memory_space<semaphore_mem>>)
      %dma_wait3A = arith.constant 0 : i32
      %dma_wait3A_66 = tpu.memref_slice %arg6[%arg0, %add3A_52, %dma_wait3A] : memref<2x10240x128xf32, #tpu.memory_space<hbm>> -> memref<1x128x128xf32, #tpu.memory_space<hbm>>
      %dma_wait3A_67 = tpu.memref_squeeze %dma_wait3A_66 : memref<1x128x128xf32, #tpu.memory_space<hbm>> -> memref<128x128xf32, #tpu.memory_space<hbm>>
      %dma_wait3A_68 = arith.constant 0 : i32
      %dma_wait3A_69 = tpu.memref_slice %arg6[%arg0, %add3A_52, %dma_wait3A_68] : memref<2x10240x128xf32, #tpu.memory_space<hbm>> -> memref<1x128x128xf32, #tpu.memory_space<hbm>>
      %dma_wait3A_70 = tpu.memref_squeeze %dma_wait3A_69 : memref<1x128x128xf32, #tpu.memory_space<hbm>> -> memref<128x128xf32, #tpu.memory_space<hbm>>
      tpu.wait_dma2 semaphore(%run_scoped3A : memref<!tpu.dma_semaphore, #tpu.memory_space<semaphore_mem>>) src(%arg8 : memref<128x128xf32, #tpu.memory_space<vmem>>) dst(%dma_wait3A_70 : memref<128x128xf32, #tpu.memory_space<hbm>>)
      tpu.yield
    }) : () -> ()
    %mul3A_53 = arith.constant 640 : i32
    %mul3A_54 = arith.muli %arg1, %mul3A_53 : i32
    %add3A_55 = arith.constant 384 : i32
    %add3A_56 = arith.addi %mul3A_54, %add3A_55 : i32
    "tpu.region"() ({
      %run_scoped3A = tpu.sem_alloc : memref<!tpu.dma_semaphore, #tpu.memory_space<semaphore_mem>>
      %dma_start3A = arith.constant 0 : i32
      %dma_start3A_61 = tpu.memref_slice %arg7[%add3A_56, %dma_start3A] : memref<10240x128xf32, #tpu.memory_space<vmem_shared>> -> memref<128x128xf32, #tpu.memory_space<vmem_shared>>
      %dma_start3A_62 = arith.constant 0 : i32
      %dma_start3A_63 = tpu.memref_slice %arg7[%add3A_56, %dma_start3A_62] : memref<10240x128xf32, #tpu.memory_space<vmem_shared>> -> memref<128x128xf32, #tpu.memory_space<vmem_shared>>
      tpu.enqueue_dma source(%dma_start3A_63 : memref<128x128xf32, #tpu.memory_space<vmem_shared>>) target(%arg8 : memref<128x128xf32, #tpu.memory_space<vmem>>) target_semaphore(%run_scoped3A : memref<!tpu.dma_semaphore, #tpu.memory_space<semaphore_mem>>)
      %dma_wait3A = arith.constant 0 : i32
      %dma_wait3A_64 = tpu.memref_slice %arg7[%add3A_56, %dma_wait3A] : memref<10240x128xf32, #tpu.memory_space<vmem_shared>> -> memref<128x128xf32, #tpu.memory_space<vmem_shared>>
      %dma_wait3A_65 = arith.constant 0 : i32
      %dma_wait3A_66 = tpu.memref_slice %arg7[%add3A_56, %dma_wait3A_65] : memref<10240x128xf32, #tpu.memory_space<vmem_shared>> -> memref<128x128xf32, #tpu.memory_space<vmem_shared>>
      tpu.wait_dma2 semaphore(%run_scoped3A : memref<!tpu.dma_semaphore, #tpu.memory_space<semaphore_mem>>) src(%dma_wait3A_66 : memref<128x128xf32, #tpu.memory_space<vmem_shared>>) dst(%arg8 : memref<128x128xf32, #tpu.memory_space<vmem>>)
      tpu.yield
    }) : () -> ()
    "tpu.region"() ({
      %run_scoped3A = tpu.sem_alloc : memref<!tpu.dma_semaphore, #tpu.memory_space<semaphore_mem>>
      %dma_start3A = arith.constant 0 : i32
      %dma_start3A_61 = tpu.memref_slice %arg6[%arg0, %add3A_56, %dma_start3A] : memref<2x10240x128xf32, #tpu.memory_space<hbm>> -> memref<1x128x128xf32, #tpu.memory_space<hbm>>
      %dma_start3A_62 = tpu.memref_squeeze %dma_start3A_61 : memref<1x128x128xf32, #tpu.memory_space<hbm>> -> memref<128x128xf32, #tpu.memory_space<hbm>>
      %dma_start3A_63 = arith.constant 0 : i32
      %dma_start3A_64 = tpu.memref_slice %arg6[%arg0, %add3A_56, %dma_start3A_63] : memref<2x10240x128xf32, #tpu.memory_space<hbm>> -> memref<1x128x128xf32, #tpu.memory_space<hbm>>
      %dma_start3A_65 = tpu.memref_squeeze %dma_start3A_64 : memref<1x128x128xf32, #tpu.memory_space<hbm>> -> memref<128x128xf32, #tpu.memory_space<hbm>>
      tpu.enqueue_dma source(%arg8 : memref<128x128xf32, #tpu.memory_space<vmem>>) target(%dma_start3A_65 : memref<128x128xf32, #tpu.memory_space<hbm>>) target_semaphore(%run_scoped3A : memref<!tpu.dma_semaphore, #tpu.memory_space<semaphore_mem>>)
      %dma_wait3A = arith.constant 0 : i32
      %dma_wait3A_66 = tpu.memref_slice %arg6[%arg0, %add3A_56, %dma_wait3A] : memref<2x10240x128xf32, #tpu.memory_space<hbm>> -> memref<1x128x128xf32, #tpu.memory_space<hbm>>
      %dma_wait3A_67 = tpu.memref_squeeze %dma_wait3A_66 : memref<1x128x128xf32, #tpu.memory_space<hbm>> -> memref<128x128xf32, #tpu.memory_space<hbm>>
      %dma_wait3A_68 = arith.constant 0 : i32
      %dma_wait3A_69 = tpu.memref_slice %arg6[%arg0, %add3A_56, %dma_wait3A_68] : memref<2x10240x128xf32, #tpu.memory_space<hbm>> -> memref<1x128x128xf32, #tpu.memory_space<hbm>>
      %dma_wait3A_70 = tpu.memref_squeeze %dma_wait3A_69 : memref<1x128x128xf32, #tpu.memory_space<hbm>> -> memref<128x128xf32, #tpu.memory_space<hbm>>
      tpu.wait_dma2 semaphore(%run_scoped3A : memref<!tpu.dma_semaphore, #tpu.memory_space<semaphore_mem>>) src(%arg8 : memref<128x128xf32, #tpu.memory_space<vmem>>) dst(%dma_wait3A_70 : memref<128x128xf32, #tpu.memory_space<hbm>>)
      tpu.yield
    }) : () -> ()
    %mul3A_57 = arith.constant 640 : i32
    %mul3A_58 = arith.muli %arg1, %mul3A_57 : i32
    %add3A_59 = arith.constant 512 : i32
    %add3A_60 = arith.addi %mul3A_58, %add3A_59 : i32
    "tpu.region"() ({
      %run_scoped3A = tpu.sem_alloc : memref<!tpu.dma_semaphore, #tpu.memory_space<semaphore_mem>>
      %dma_start3A = arith.constant 0 : i32
      %dma_start3A_61 = tpu.memref_slice %arg7[%add3A_60, %dma_start3A] : memref<10240x128xf32, #tpu.memory_space<vmem_shared>> -> memref<128x128xf32, #tpu.memory_space<vmem_shared>>
      %dma_start3A_62 = arith.constant 0 : i32
      %dma_start3A_63 = tpu.memref_slice %arg7[%add3A_60, %dma_start3A_62] : memref<10240x128xf32, #tpu.memory_space<vmem_shared>> -> memref<128x128xf32, #tpu.memory_space<vmem_shared>>
      tpu.enqueue_dma source(%dma_start3A_63 : memref<128x128xf32, #tpu.memory_space<vmem_shared>>) target(%arg8 : memref<128x128xf32, #tpu.memory_space<vmem>>) target_semaphore(%run_scoped3A : memref<!tpu.dma_semaphore, #tpu.memory_space<semaphore_mem>>)
      %dma_wait3A = arith.constant 0 : i32
      %dma_wait3A_64 = tpu.memref_slice %arg7[%add3A_60, %dma_wait3A] : memref<10240x128xf32, #tpu.memory_space<vmem_shared>> -> memref<128x128xf32, #tpu.memory_space<vmem_shared>>
      %dma_wait3A_65 = arith.constant 0 : i32
      %dma_wait3A_66 = tpu.memref_slice %arg7[%add3A_60, %dma_wait3A_65] : memref<10240x128xf32, #tpu.memory_space<vmem_shared>> -> memref<128x128xf32, #tpu.memory_space<vmem_shared>>
      tpu.wait_dma2 semaphore(%run_scoped3A : memref<!tpu.dma_semaphore, #tpu.memory_space<semaphore_mem>>) src(%dma_wait3A_66 : memref<128x128xf32, #tpu.memory_space<vmem_shared>>) dst(%arg8 : memref<128x128xf32, #tpu.memory_space<vmem>>)
      tpu.yield
    }) : () -> ()
    "tpu.region"() ({
      %run_scoped3A = tpu.sem_alloc : memref<!tpu.dma_semaphore, #tpu.memory_space<semaphore_mem>>
      %dma_start3A = arith.constant 0 : i32
      %dma_start3A_61 = tpu.memref_slice %arg6[%arg0, %add3A_60, %dma_start3A] : memref<2x10240x128xf32, #tpu.memory_space<hbm>> -> memref<1x128x128xf32, #tpu.memory_space<hbm>>
      %dma_start3A_62 = tpu.memref_squeeze %dma_start3A_61 : memref<1x128x128xf32, #tpu.memory_space<hbm>> -> memref<128x128xf32, #tpu.memory_space<hbm>>
      %dma_start3A_63 = arith.constant 0 : i32
      %dma_start3A_64 = tpu.memref_slice %arg6[%arg0, %add3A_60, %dma_start3A_63] : memref<2x10240x128xf32, #tpu.memory_space<hbm>> -> memref<1x128x128xf32, #tpu.memory_space<hbm>>
      %dma_start3A_65 = tpu.memref_squeeze %dma_start3A_64 : memref<1x128x128xf32, #tpu.memory_space<hbm>> -> memref<128x128xf32, #tpu.memory_space<hbm>>
      tpu.enqueue_dma source(%arg8 : memref<128x128xf32, #tpu.memory_space<vmem>>) target(%dma_start3A_65 : memref<128x128xf32, #tpu.memory_space<hbm>>) target_semaphore(%run_scoped3A : memref<!tpu.dma_semaphore, #tpu.memory_space<semaphore_mem>>)
      %dma_wait3A = arith.constant 0 : i32
      %dma_wait3A_66 = tpu.memref_slice %arg6[%arg0, %add3A_60, %dma_wait3A] : memref<2x10240x128xf32, #tpu.memory_space<hbm>> -> memref<1x128x128xf32, #tpu.memory_space<hbm>>
      %dma_wait3A_67 = tpu.memref_squeeze %dma_wait3A_66 : memref<1x128x128xf32, #tpu.memory_space<hbm>> -> memref<128x128xf32, #tpu.memory_space<hbm>>
      %dma_wait3A_68 = arith.constant 0 : i32
      %dma_wait3A_69 = tpu.memref_slice %arg6[%arg0, %add3A_60, %dma_wait3A_68] : memref<2x10240x128xf32, #tpu.memory_space<hbm>> -> memref<1x128x128xf32, #tpu.memory_space<hbm>>
      %dma_wait3A_70 = tpu.memref_squeeze %dma_wait3A_69 : memref<1x128x128xf32, #tpu.memory_space<hbm>> -> memref<128x128xf32, #tpu.memory_space<hbm>>
      tpu.wait_dma2 semaphore(%run_scoped3A : memref<!tpu.dma_semaphore, #tpu.memory_space<semaphore_mem>>) src(%arg8 : memref<128x128xf32, #tpu.memory_space<vmem>>) dst(%dma_wait3A_70 : memref<128x128xf32, #tpu.memory_space<hbm>>)
      tpu.yield
    }) : () -> ()
    return
  }
}

#map = affine_map<(d0, d1) -> (0, 0)>
#map1 = affine_map<(d0, d1) -> (0)>
#map2 = affine_map<(d0, d1) -> (0, 0, 0)>
module attributes {stable_mosaic.version = 14 : i64} {
  func.func @_sc_segsum_body(%arg0: i32, %arg1: i32, %arg2: memref<10240x128xf32, #tpu.memory_space<hbm>>, %arg3: memref<323584xi32, #tpu.memory_space<hbm>>, %arg4: memref<323584xi32, #tpu.memory_space<hbm>>, %arg5: memref<128x128xf32, #tpu.memory_space<hbm>>, %arg6: memref<2x10240x128xf32, #tpu.memory_space<hbm>>, %arg7: memref<10240x128xf32, #tpu.memory_space<vmem_shared>>, %arg8: memref<128x128xf32, #tpu.memory_space<vmem>>, %arg9: memref<128xi32, #tpu.memory_space<vmem>>, %arg10: memref<128xi32, #tpu.memory_space<vmem>>, %arg11: memref<!tpu.dma_semaphore, #tpu.memory_space<semaphore_mem>>) attributes {dimension_semantics = [#tpu.dimension_semantics<core_parallel>, #tpu.dimension_semantics<subcore_parallel>], iteration_bounds = array<i64: 2, 16>, scalar_prefetch = 0 : i64, scratch_operands = 5 : i64, tpu.core_type = #tpu.core_type<sc_vector_subcore>, window_params = [{transform_indices = #map}, {transform_indices = #map1}, {transform_indices = #map1}, {transform_indices = #map}, {transform_indices = #map2}]} {
    %mul3A = arith.constant 16 : i32
    %mul3A_0 = arith.muli %arg0, %mul3A : i32
    %mul3A_1 = arith.constant 11776 : i32
    %mul3A_2 = arith.muli %mul3A_0, %mul3A_1 : i32
    %eq3A = arith.constant 0 : i32
    %eq3A_3 = arith.cmpi eq, %arg0, %eq3A : i32
    %jit3A = arith.constant 11776 : i32
    %jit3A_4 = arith.constant 8448 : i32
    %select_n3A = arith.select %eq3A_3, %jit3A, %jit3A_4 : i32
    %mul3A_5 = arith.muli %arg1, %select_n3A : i32
    %add3A = arith.addi %mul3A_2, %mul3A_5 : i32
    %eq3A_6 = arith.constant 0 : i32
    %eq3A_7 = arith.cmpi eq, %arg0, %eq3A_6 : i32
    %jit3A_8 = arith.constant 92 : i32
    %jit3A_9 = arith.constant 66 : i32
    %select_n3A_10 = arith.select %eq3A_7, %jit3A_8, %jit3A_9 : i32
    "tpu.region"() ({
      %run_scoped3A = tpu.sem_alloc : memref<!tpu.dma_semaphore, #tpu.memory_space<semaphore_mem>>
      tpu.enqueue_dma source(%arg5 : memref<128x128xf32, #tpu.memory_space<hbm>>) target(%arg8 : memref<128x128xf32, #tpu.memory_space<vmem>>) target_semaphore(%run_scoped3A : memref<!tpu.dma_semaphore, #tpu.memory_space<semaphore_mem>>)
      tpu.wait_dma2 semaphore(%run_scoped3A : memref<!tpu.dma_semaphore, #tpu.memory_space<semaphore_mem>>) src(%arg5 : memref<128x128xf32, #tpu.memory_space<hbm>>) dst(%arg8 : memref<128x128xf32, #tpu.memory_space<vmem>>)
      tpu.yield
    }) : () -> ()
    %mul3A_11 = arith.constant 640 : i32
    %mul3A_12 = arith.muli %arg1, %mul3A_11 : i32
    %add3A_13 = arith.constant 0 : i32
    %add3A_14 = arith.addi %mul3A_12, %add3A_13 : i32
    "tpu.region"() ({
      %run_scoped3A = tpu.sem_alloc : memref<!tpu.dma_semaphore, #tpu.memory_space<semaphore_mem>>
      %dma_start3A = arith.constant 0 : i32
      %dma_start3A_61 = tpu.memref_slice %arg7[%add3A_14, %dma_start3A] : memref<10240x128xf32, #tpu.memory_space<vmem_shared>> -> memref<128x128xf32, #tpu.memory_space<vmem_shared>>
      %dma_start3A_62 = arith.constant 0 : i32
      %dma_start3A_63 = tpu.memref_slice %arg7[%add3A_14, %dma_start3A_62] : memref<10240x128xf32, #tpu.memory_space<vmem_shared>> -> memref<128x128xf32, #tpu.memory_space<vmem_shared>>
      tpu.enqueue_dma source(%arg8 : memref<128x128xf32, #tpu.memory_space<vmem>>) target(%dma_start3A_63 : memref<128x128xf32, #tpu.memory_space<vmem_shared>>) target_semaphore(%run_scoped3A : memref<!tpu.dma_semaphore, #tpu.memory_space<semaphore_mem>>)
      %dma_wait3A = arith.constant 0 : i32
      %dma_wait3A_64 = tpu.memref_slice %arg7[%add3A_14, %dma_wait3A] : memref<10240x128xf32, #tpu.memory_space<vmem_shared>> -> memref<128x128xf32, #tpu.memory_space<vmem_shared>>
      %dma_wait3A_65 = arith.constant 0 : i32
      %dma_wait3A_66 = tpu.memref_slice %arg7[%add3A_14, %dma_wait3A_65] : memref<10240x128xf32, #tpu.memory_space<vmem_shared>> -> memref<128x128xf32, #tpu.memory_space<vmem_shared>>
      tpu.wait_dma2 semaphore(%run_scoped3A : memref<!tpu.dma_semaphore, #tpu.memory_space<semaphore_mem>>) src(%arg8 : memref<128x128xf32, #tpu.memory_space<vmem>>) dst(%dma_wait3A_66 : memref<128x128xf32, #tpu.memory_space<vmem_shared>>)
      tpu.yield
    }) : () -> ()
    %mul3A_15 = arith.constant 640 : i32
    %mul3A_16 = arith.muli %arg1, %mul3A_15 : i32
    %add3A_17 = arith.constant 128 : i32
    %add3A_18 = arith.addi %mul3A_16, %add3A_17 : i32
    "tpu.region"() ({
      %run_scoped3A = tpu.sem_alloc : memref<!tpu.dma_semaphore, #tpu.memory_space<semaphore_mem>>
      %dma_start3A = arith.constant 0 : i32
      %dma_start3A_61 = tpu.memref_slice %arg7[%add3A_18, %dma_start3A] : memref<10240x128xf32, #tpu.memory_space<vmem_shared>> -> memref<128x128xf32, #tpu.memory_space<vmem_shared>>
      %dma_start3A_62 = arith.constant 0 : i32
      %dma_start3A_63 = tpu.memref_slice %arg7[%add3A_18, %dma_start3A_62] : memref<10240x128xf32, #tpu.memory_space<vmem_shared>> -> memref<128x128xf32, #tpu.memory_space<vmem_shared>>
      tpu.enqueue_dma source(%arg8 : memref<128x128xf32, #tpu.memory_space<vmem>>) target(%dma_start3A_63 : memref<128x128xf32, #tpu.memory_space<vmem_shared>>) target_semaphore(%run_scoped3A : memref<!tpu.dma_semaphore, #tpu.memory_space<semaphore_mem>>)
      %dma_wait3A = arith.constant 0 : i32
      %dma_wait3A_64 = tpu.memref_slice %arg7[%add3A_18, %dma_wait3A] : memref<10240x128xf32, #tpu.memory_space<vmem_shared>> -> memref<128x128xf32, #tpu.memory_space<vmem_shared>>
      %dma_wait3A_65 = arith.constant 0 : i32
      %dma_wait3A_66 = tpu.memref_slice %arg7[%add3A_18, %dma_wait3A_65] : memref<10240x128xf32, #tpu.memory_space<vmem_shared>> -> memref<128x128xf32, #tpu.memory_space<vmem_shared>>
      tpu.wait_dma2 semaphore(%run_scoped3A : memref<!tpu.dma_semaphore, #tpu.memory_space<semaphore_mem>>) src(%arg8 : memref<128x128xf32, #tpu.memory_space<vmem>>) dst(%dma_wait3A_66 : memref<128x128xf32, #tpu.memory_space<vmem_shared>>)
      tpu.yield
    }) : () -> ()
    %mul3A_19 = arith.constant 640 : i32
    %mul3A_20 = arith.muli %arg1, %mul3A_19 : i32
    %add3A_21 = arith.constant 256 : i32
    %add3A_22 = arith.addi %mul3A_20, %add3A_21 : i32
    "tpu.region"() ({
      %run_scoped3A = tpu.sem_alloc : memref<!tpu.dma_semaphore, #tpu.memory_space<semaphore_mem>>
      %dma_start3A = arith.constant 0 : i32
      %dma_start3A_61 = tpu.memref_slice %arg7[%add3A_22, %dma_start3A] : memref<10240x128xf32, #tpu.memory_space<vmem_shared>> -> memref<128x128xf32, #tpu.memory_space<vmem_shared>>
      %dma_start3A_62 = arith.constant 0 : i32
      %dma_start3A_63 = tpu.memref_slice %arg7[%add3A_22, %dma_start3A_62] : memref<10240x128xf32, #tpu.memory_space<vmem_shared>> -> memref<128x128xf32, #tpu.memory_space<vmem_shared>>
      tpu.enqueue_dma source(%arg8 : memref<128x128xf32, #tpu.memory_space<vmem>>) target(%dma_start3A_63 : memref<128x128xf32, #tpu.memory_space<vmem_shared>>) target_semaphore(%run_scoped3A : memref<!tpu.dma_semaphore, #tpu.memory_space<semaphore_mem>>)
      %dma_wait3A = arith.constant 0 : i32
      %dma_wait3A_64 = tpu.memref_slice %arg7[%add3A_22, %dma_wait3A] : memref<10240x128xf32, #tpu.memory_space<vmem_shared>> -> memref<128x128xf32, #tpu.memory_space<vmem_shared>>
      %dma_wait3A_65 = arith.constant 0 : i32
      %dma_wait3A_66 = tpu.memref_slice %arg7[%add3A_22, %dma_wait3A_65] : memref<10240x128xf32, #tpu.memory_space<vmem_shared>> -> memref<128x128xf32, #tpu.memory_space<vmem_shared>>
      tpu.wait_dma2 semaphore(%run_scoped3A : memref<!tpu.dma_semaphore, #tpu.memory_space<semaphore_mem>>) src(%arg8 : memref<128x128xf32, #tpu.memory_space<vmem>>) dst(%dma_wait3A_66 : memref<128x128xf32, #tpu.memory_space<vmem_shared>>)
      tpu.yield
    }) : () -> ()
    %mul3A_23 = arith.constant 640 : i32
    %mul3A_24 = arith.muli %arg1, %mul3A_23 : i32
    %add3A_25 = arith.constant 384 : i32
    %add3A_26 = arith.addi %mul3A_24, %add3A_25 : i32
    "tpu.region"() ({
      %run_scoped3A = tpu.sem_alloc : memref<!tpu.dma_semaphore, #tpu.memory_space<semaphore_mem>>
      %dma_start3A = arith.constant 0 : i32
      %dma_start3A_61 = tpu.memref_slice %arg7[%add3A_26, %dma_start3A] : memref<10240x128xf32, #tpu.memory_space<vmem_shared>> -> memref<128x128xf32, #tpu.memory_space<vmem_shared>>
      %dma_start3A_62 = arith.constant 0 : i32
      %dma_start3A_63 = tpu.memref_slice %arg7[%add3A_26, %dma_start3A_62] : memref<10240x128xf32, #tpu.memory_space<vmem_shared>> -> memref<128x128xf32, #tpu.memory_space<vmem_shared>>
      tpu.enqueue_dma source(%arg8 : memref<128x128xf32, #tpu.memory_space<vmem>>) target(%dma_start3A_63 : memref<128x128xf32, #tpu.memory_space<vmem_shared>>) target_semaphore(%run_scoped3A : memref<!tpu.dma_semaphore, #tpu.memory_space<semaphore_mem>>)
      %dma_wait3A = arith.constant 0 : i32
      %dma_wait3A_64 = tpu.memref_slice %arg7[%add3A_26, %dma_wait3A] : memref<10240x128xf32, #tpu.memory_space<vmem_shared>> -> memref<128x128xf32, #tpu.memory_space<vmem_shared>>
      %dma_wait3A_65 = arith.constant 0 : i32
      %dma_wait3A_66 = tpu.memref_slice %arg7[%add3A_26, %dma_wait3A_65] : memref<10240x128xf32, #tpu.memory_space<vmem_shared>> -> memref<128x128xf32, #tpu.memory_space<vmem_shared>>
      tpu.wait_dma2 semaphore(%run_scoped3A : memref<!tpu.dma_semaphore, #tpu.memory_space<semaphore_mem>>) src(%arg8 : memref<128x128xf32, #tpu.memory_space<vmem>>) dst(%dma_wait3A_66 : memref<128x128xf32, #tpu.memory_space<vmem_shared>>)
      tpu.yield
    }) : () -> ()
    %mul3A_27 = arith.constant 640 : i32
    %mul3A_28 = arith.muli %arg1, %mul3A_27 : i32
    %add3A_29 = arith.constant 512 : i32
    %add3A_30 = arith.addi %mul3A_28, %add3A_29 : i32
    "tpu.region"() ({
      %run_scoped3A = tpu.sem_alloc : memref<!tpu.dma_semaphore, #tpu.memory_space<semaphore_mem>>
      %dma_start3A = arith.constant 0 : i32
      %dma_start3A_61 = tpu.memref_slice %arg7[%add3A_30, %dma_start3A] : memref<10240x128xf32, #tpu.memory_space<vmem_shared>> -> memref<128x128xf32, #tpu.memory_space<vmem_shared>>
      %dma_start3A_62 = arith.constant 0 : i32
      %dma_start3A_63 = tpu.memref_slice %arg7[%add3A_30, %dma_start3A_62] : memref<10240x128xf32, #tpu.memory_space<vmem_shared>> -> memref<128x128xf32, #tpu.memory_space<vmem_shared>>
      tpu.enqueue_dma source(%arg8 : memref<128x128xf32, #tpu.memory_space<vmem>>) target(%dma_start3A_63 : memref<128x128xf32, #tpu.memory_space<vmem_shared>>) target_semaphore(%run_scoped3A : memref<!tpu.dma_semaphore, #tpu.memory_space<semaphore_mem>>)
      %dma_wait3A = arith.constant 0 : i32
      %dma_wait3A_64 = tpu.memref_slice %arg7[%add3A_30, %dma_wait3A] : memref<10240x128xf32, #tpu.memory_space<vmem_shared>> -> memref<128x128xf32, #tpu.memory_space<vmem_shared>>
      %dma_wait3A_65 = arith.constant 0 : i32
      %dma_wait3A_66 = tpu.memref_slice %arg7[%add3A_30, %dma_wait3A_65] : memref<10240x128xf32, #tpu.memory_space<vmem_shared>> -> memref<128x128xf32, #tpu.memory_space<vmem_shared>>
      tpu.wait_dma2 semaphore(%run_scoped3A : memref<!tpu.dma_semaphore, #tpu.memory_space<semaphore_mem>>) src(%arg8 : memref<128x128xf32, #tpu.memory_space<vmem>>) dst(%dma_wait3A_66 : memref<128x128xf32, #tpu.memory_space<vmem_shared>>)
      tpu.yield
    }) : () -> ()
    %barrier3A = arith.constant 0 : index
    tpu.barrier barrier_id(%barrier3A)
    %while3A = arith.constant 0 : i32
    %while3A_31 = arith.constant 0 : i32
    %while3A_32 = arith.subi %select_n3A_10, %while3A_31 : i32
    %while3A_33 = arith.addi %while3A_31, %while3A_32 : i32
    %while3A_34 = arith.constant 1 : i32
    %while3A_35 = arith.divsi %while3A_32, %while3A_34 : i32
    %while3A_36 = arith.muli %while3A_35, %while3A_34 : i32
    %while3A_37 = arith.addi %while3A_31, %while3A_36 : i32
    %while3A_38 = arith.constant 1 : i32
    scf.for %while3A_61 = %while3A_31 to %while3A_37 step %while3A_38  : i32 {
      %mul3A_62 = arith.constant 128 : i32
      %mul3A_63 = arith.muli %while3A_61, %mul3A_62 : i32
      %add3A_64 = arith.addi %add3A, %mul3A_63 : i32
      "tpu.region"() ({
        %run_scoped3A = tpu.sem_alloc : memref<!tpu.dma_semaphore, #tpu.memory_space<semaphore_mem>>
        %dma_start3A_69 = tpu.memref_slice %arg3[%add3A_64] : memref<323584xi32, #tpu.memory_space<hbm>> -> memref<128xi32, #tpu.memory_space<hbm>>
        %dma_start3A_70 = tpu.memref_slice %arg3[%add3A_64] : memref<323584xi32, #tpu.memory_space<hbm>> -> memref<128xi32, #tpu.memory_space<hbm>>
        tpu.enqueue_dma source(%dma_start3A_70 : memref<128xi32, #tpu.memory_space<hbm>>) target(%arg9 : memref<128xi32, #tpu.memory_space<vmem>>) target_semaphore(%run_scoped3A : memref<!tpu.dma_semaphore, #tpu.memory_space<semaphore_mem>>)
        %dma_wait3A_71 = tpu.memref_slice %arg3[%add3A_64] : memref<323584xi32, #tpu.memory_space<hbm>> -> memref<128xi32, #tpu.memory_space<hbm>>
        %dma_wait3A_72 = tpu.memref_slice %arg3[%add3A_64] : memref<323584xi32, #tpu.memory_space<hbm>> -> memref<128xi32, #tpu.memory_space<hbm>>
        tpu.wait_dma2 semaphore(%run_scoped3A : memref<!tpu.dma_semaphore, #tpu.memory_space<semaphore_mem>>) src(%dma_wait3A_72 : memref<128xi32, #tpu.memory_space<hbm>>) dst(%arg9 : memref<128xi32, #tpu.memory_space<vmem>>)
        tpu.yield
      }) : () -> ()
      "tpu.region"() ({
        %run_scoped3A = tpu.sem_alloc : memref<!tpu.dma_semaphore, #tpu.memory_space<semaphore_mem>>
        %dma_start3A_69 = tpu.memref_slice %arg4[%add3A_64] : memref<323584xi32, #tpu.memory_space<hbm>> -> memref<128xi32, #tpu.memory_space<hbm>>
        %dma_start3A_70 = tpu.memref_slice %arg4[%add3A_64] : memref<323584xi32, #tpu.memory_space<hbm>> -> memref<128xi32, #tpu.memory_space<hbm>>
        tpu.enqueue_dma source(%dma_start3A_70 : memref<128xi32, #tpu.memory_space<hbm>>) target(%arg10 : memref<128xi32, #tpu.memory_space<vmem>>) target_semaphore(%run_scoped3A : memref<!tpu.dma_semaphore, #tpu.memory_space<semaphore_mem>>)
        %dma_wait3A_71 = tpu.memref_slice %arg4[%add3A_64] : memref<323584xi32, #tpu.memory_space<hbm>> -> memref<128xi32, #tpu.memory_space<hbm>>
        %dma_wait3A_72 = tpu.memref_slice %arg4[%add3A_64] : memref<323584xi32, #tpu.memory_space<hbm>> -> memref<128xi32, #tpu.memory_space<hbm>>
        tpu.wait_dma2 semaphore(%run_scoped3A : memref<!tpu.dma_semaphore, #tpu.memory_space<semaphore_mem>>) src(%dma_wait3A_72 : memref<128xi32, #tpu.memory_space<hbm>>) dst(%arg10 : memref<128xi32, #tpu.memory_space<vmem>>)
        tpu.yield
      }) : () -> ()
      %dma_start3A = arith.constant 0 : i32
      %dma_start3A_65 = arith.constant 0 : i32
      %dma_start3A_66 = tpu.memref_slice %arg2[%dma_start3A, %dma_start3A_65] : memref<10240x128xf32, #tpu.memory_space<hbm>> -> memref<10240x128xf32, #tpu.memory_space<hbm>>
      tpu.enqueue_indirect_dma source(%dma_start3A_66 : memref<10240x128xf32, #tpu.memory_space<hbm>>) target(%arg8 : memref<128x128xf32, #tpu.memory_space<vmem>>) offsets(%arg9 : memref<128xi32, #tpu.memory_space<vmem>>) semaphore(%arg11 : memref<!tpu.dma_semaphore, #tpu.memory_space<semaphore_mem>>)
      %dma_wait3A = arith.constant 0 : i32
      %dma_wait3A_67 = arith.constant 0 : i32
      %dma_wait3A_68 = tpu.memref_slice %arg2[%dma_wait3A, %dma_wait3A_67] : memref<10240x128xf32, #tpu.memory_space<hbm>> -> memref<10240x128xf32, #tpu.memory_space<hbm>>
      tpu.wait_indirect_dma semaphore(%arg11 : memref<!tpu.dma_semaphore, #tpu.memory_space<semaphore_mem>>) src(%dma_wait3A_68 : memref<10240x128xf32, #tpu.memory_space<hbm>>) dst(%arg8 : memref<128x128xf32, #tpu.memory_space<vmem>>)
      "tpu.region"() ({
        %run_scoped3A = tpu.sem_alloc : memref<!tpu.dma_semaphore, #tpu.memory_space<semaphore_mem>>
        %dma_start3A_69 = arith.constant 0 : i32
        %dma_start3A_70 = arith.constant 0 : i32
        %dma_start3A_71 = tpu.memref_slice %arg7[%dma_start3A_69, %dma_start3A_70] : memref<10240x128xf32, #tpu.memory_space<vmem_shared>> -> memref<10240x128xf32, #tpu.memory_space<vmem_shared>>
        tpu.enqueue_indirect_dma source(%arg8 : memref<128x128xf32, #tpu.memory_space<vmem>>) target(%dma_start3A_71 : memref<10240x128xf32, #tpu.memory_space<vmem_shared>>) offsets(%arg10 : memref<128xi32, #tpu.memory_space<vmem>>) semaphore(%run_scoped3A : memref<!tpu.dma_semaphore, #tpu.memory_space<semaphore_mem>>) {add = true}
        %dma_wait3A_72 = arith.constant 0 : i32
        %dma_wait3A_73 = arith.constant 0 : i32
        %dma_wait3A_74 = tpu.memref_slice %arg7[%dma_wait3A_72, %dma_wait3A_73] : memref<10240x128xf32, #tpu.memory_space<vmem_shared>> -> memref<10240x128xf32, #tpu.memory_space<vmem_shared>>
        tpu.wait_indirect_dma semaphore(%run_scoped3A : memref<!tpu.dma_semaphore, #tpu.memory_space<semaphore_mem>>) src(%arg8 : memref<128x128xf32, #tpu.memory_space<vmem>>) dst(%dma_wait3A_74 : memref<10240x128xf32, #tpu.memory_space<vmem_shared>>)
        tpu.yield
      }) : () -> ()
    }
    %while3A_39 = arith.constant 1 : i32
    scf.for %while3A_61 = %while3A_37 to %while3A_33 step %while3A_39  : i32 {
      %mul3A_62 = arith.constant 128 : i32
      %mul3A_63 = arith.muli %while3A_61, %mul3A_62 : i32
      %add3A_64 = arith.addi %add3A, %mul3A_63 : i32
      "tpu.region"() ({
        %run_scoped3A = tpu.sem_alloc : memref<!tpu.dma_semaphore, #tpu.memory_space<semaphore_mem>>
        %dma_start3A_69 = tpu.memref_slice %arg3[%add3A_64] : memref<323584xi32, #tpu.memory_space<hbm>> -> memref<128xi32, #tpu.memory_space<hbm>>
        %dma_start3A_70 = tpu.memref_slice %arg3[%add3A_64] : memref<323584xi32, #tpu.memory_space<hbm>> -> memref<128xi32, #tpu.memory_space<hbm>>
        tpu.enqueue_dma source(%dma_start3A_70 : memref<128xi32, #tpu.memory_space<hbm>>) target(%arg9 : memref<128xi32, #tpu.memory_space<vmem>>) target_semaphore(%run_scoped3A : memref<!tpu.dma_semaphore, #tpu.memory_space<semaphore_mem>>)
        %dma_wait3A_71 = tpu.memref_slice %arg3[%add3A_64] : memref<323584xi32, #tpu.memory_space<hbm>> -> memref<128xi32, #tpu.memory_space<hbm>>
        %dma_wait3A_72 = tpu.memref_slice %arg3[%add3A_64] : memref<323584xi32, #tpu.memory_space<hbm>> -> memref<128xi32, #tpu.memory_space<hbm>>
        tpu.wait_dma2 semaphore(%run_scoped3A : memref<!tpu.dma_semaphore, #tpu.memory_space<semaphore_mem>>) src(%dma_wait3A_72 : memref<128xi32, #tpu.memory_space<hbm>>) dst(%arg9 : memref<128xi32, #tpu.memory_space<vmem>>)
        tpu.yield
      }) : () -> ()
      "tpu.region"() ({
        %run_scoped3A = tpu.sem_alloc : memref<!tpu.dma_semaphore, #tpu.memory_space<semaphore_mem>>
        %dma_start3A_69 = tpu.memref_slice %arg4[%add3A_64] : memref<323584xi32, #tpu.memory_space<hbm>> -> memref<128xi32, #tpu.memory_space<hbm>>
        %dma_start3A_70 = tpu.memref_slice %arg4[%add3A_64] : memref<323584xi32, #tpu.memory_space<hbm>> -> memref<128xi32, #tpu.memory_space<hbm>>
        tpu.enqueue_dma source(%dma_start3A_70 : memref<128xi32, #tpu.memory_space<hbm>>) target(%arg10 : memref<128xi32, #tpu.memory_space<vmem>>) target_semaphore(%run_scoped3A : memref<!tpu.dma_semaphore, #tpu.memory_space<semaphore_mem>>)
        %dma_wait3A_71 = tpu.memref_slice %arg4[%add3A_64] : memref<323584xi32, #tpu.memory_space<hbm>> -> memref<128xi32, #tpu.memory_space<hbm>>
        %dma_wait3A_72 = tpu.memref_slice %arg4[%add3A_64] : memref<323584xi32, #tpu.memory_space<hbm>> -> memref<128xi32, #tpu.memory_space<hbm>>
        tpu.wait_dma2 semaphore(%run_scoped3A : memref<!tpu.dma_semaphore, #tpu.memory_space<semaphore_mem>>) src(%dma_wait3A_72 : memref<128xi32, #tpu.memory_space<hbm>>) dst(%arg10 : memref<128xi32, #tpu.memory_space<vmem>>)
        tpu.yield
      }) : () -> ()
      %dma_start3A = arith.constant 0 : i32
      %dma_start3A_65 = arith.constant 0 : i32
      %dma_start3A_66 = tpu.memref_slice %arg2[%dma_start3A, %dma_start3A_65] : memref<10240x128xf32, #tpu.memory_space<hbm>> -> memref<10240x128xf32, #tpu.memory_space<hbm>>
      tpu.enqueue_indirect_dma source(%dma_start3A_66 : memref<10240x128xf32, #tpu.memory_space<hbm>>) target(%arg8 : memref<128x128xf32, #tpu.memory_space<vmem>>) offsets(%arg9 : memref<128xi32, #tpu.memory_space<vmem>>) semaphore(%arg11 : memref<!tpu.dma_semaphore, #tpu.memory_space<semaphore_mem>>)
      %dma_wait3A = arith.constant 0 : i32
      %dma_wait3A_67 = arith.constant 0 : i32
      %dma_wait3A_68 = tpu.memref_slice %arg2[%dma_wait3A, %dma_wait3A_67] : memref<10240x128xf32, #tpu.memory_space<hbm>> -> memref<10240x128xf32, #tpu.memory_space<hbm>>
      tpu.wait_indirect_dma semaphore(%arg11 : memref<!tpu.dma_semaphore, #tpu.memory_space<semaphore_mem>>) src(%dma_wait3A_68 : memref<10240x128xf32, #tpu.memory_space<hbm>>) dst(%arg8 : memref<128x128xf32, #tpu.memory_space<vmem>>)
      "tpu.region"() ({
        %run_scoped3A = tpu.sem_alloc : memref<!tpu.dma_semaphore, #tpu.memory_space<semaphore_mem>>
        %dma_start3A_69 = arith.constant 0 : i32
        %dma_start3A_70 = arith.constant 0 : i32
        %dma_start3A_71 = tpu.memref_slice %arg7[%dma_start3A_69, %dma_start3A_70] : memref<10240x128xf32, #tpu.memory_space<vmem_shared>> -> memref<10240x128xf32, #tpu.memory_space<vmem_shared>>
        tpu.enqueue_indirect_dma source(%arg8 : memref<128x128xf32, #tpu.memory_space<vmem>>) target(%dma_start3A_71 : memref<10240x128xf32, #tpu.memory_space<vmem_shared>>) offsets(%arg10 : memref<128xi32, #tpu.memory_space<vmem>>) semaphore(%run_scoped3A : memref<!tpu.dma_semaphore, #tpu.memory_space<semaphore_mem>>) {add = true}
        %dma_wait3A_72 = arith.constant 0 : i32
        %dma_wait3A_73 = arith.constant 0 : i32
        %dma_wait3A_74 = tpu.memref_slice %arg7[%dma_wait3A_72, %dma_wait3A_73] : memref<10240x128xf32, #tpu.memory_space<vmem_shared>> -> memref<10240x128xf32, #tpu.memory_space<vmem_shared>>
        tpu.wait_indirect_dma semaphore(%run_scoped3A : memref<!tpu.dma_semaphore, #tpu.memory_space<semaphore_mem>>) src(%arg8 : memref<128x128xf32, #tpu.memory_space<vmem>>) dst(%dma_wait3A_74 : memref<10240x128xf32, #tpu.memory_space<vmem_shared>>)
        tpu.yield
      }) : () -> ()
    }
    %barrier3A_40 = arith.constant 0 : index
    tpu.barrier barrier_id(%barrier3A_40)
    %mul3A_41 = arith.constant 640 : i32
    %mul3A_42 = arith.muli %arg1, %mul3A_41 : i32
    %add3A_43 = arith.constant 0 : i32
    %add3A_44 = arith.addi %mul3A_42, %add3A_43 : i32
    "tpu.region"() ({
      %run_scoped3A = tpu.sem_alloc : memref<!tpu.dma_semaphore, #tpu.memory_space<semaphore_mem>>
      %dma_start3A = arith.constant 0 : i32
      %dma_start3A_61 = tpu.memref_slice %arg7[%add3A_44, %dma_start3A] : memref<10240x128xf32, #tpu.memory_space<vmem_shared>> -> memref<128x128xf32, #tpu.memory_space<vmem_shared>>
      %dma_start3A_62 = arith.constant 0 : i32
      %dma_start3A_63 = tpu.memref_slice %arg7[%add3A_44, %dma_start3A_62] : memref<10240x128xf32, #tpu.memory_space<vmem_shared>> -> memref<128x128xf32, #tpu.memory_space<vmem_shared>>
      tpu.enqueue_dma source(%dma_start3A_63 : memref<128x128xf32, #tpu.memory_space<vmem_shared>>) target(%arg8 : memref<128x128xf32, #tpu.memory_space<vmem>>) target_semaphore(%run_scoped3A : memref<!tpu.dma_semaphore, #tpu.memory_space<semaphore_mem>>)
      %dma_wait3A = arith.constant 0 : i32
      %dma_wait3A_64 = tpu.memref_slice %arg7[%add3A_44, %dma_wait3A] : memref<10240x128xf32, #tpu.memory_space<vmem_shared>> -> memref<128x128xf32, #tpu.memory_space<vmem_shared>>
      %dma_wait3A_65 = arith.constant 0 : i32
      %dma_wait3A_66 = tpu.memref_slice %arg7[%add3A_44, %dma_wait3A_65] : memref<10240x128xf32, #tpu.memory_space<vmem_shared>> -> memref<128x128xf32, #tpu.memory_space<vmem_shared>>
      tpu.wait_dma2 semaphore(%run_scoped3A : memref<!tpu.dma_semaphore, #tpu.memory_space<semaphore_mem>>) src(%dma_wait3A_66 : memref<128x128xf32, #tpu.memory_space<vmem_shared>>) dst(%arg8 : memref<128x128xf32, #tpu.memory_space<vmem>>)
      tpu.yield
    }) : () -> ()
    "tpu.region"() ({
      %run_scoped3A = tpu.sem_alloc : memref<!tpu.dma_semaphore, #tpu.memory_space<semaphore_mem>>
      %dma_start3A = arith.constant 0 : i32
      %dma_start3A_61 = tpu.memref_slice %arg6[%arg0, %add3A_44, %dma_start3A] : memref<2x10240x128xf32, #tpu.memory_space<hbm>> -> memref<1x128x128xf32, #tpu.memory_space<hbm>>
      %dma_start3A_62 = tpu.memref_squeeze %dma_start3A_61 : memref<1x128x128xf32, #tpu.memory_space<hbm>> -> memref<128x128xf32, #tpu.memory_space<hbm>>
      %dma_start3A_63 = arith.constant 0 : i32
      %dma_start3A_64 = tpu.memref_slice %arg6[%arg0, %add3A_44, %dma_start3A_63] : memref<2x10240x128xf32, #tpu.memory_space<hbm>> -> memref<1x128x128xf32, #tpu.memory_space<hbm>>
      %dma_start3A_65 = tpu.memref_squeeze %dma_start3A_64 : memref<1x128x128xf32, #tpu.memory_space<hbm>> -> memref<128x128xf32, #tpu.memory_space<hbm>>
      tpu.enqueue_dma source(%arg8 : memref<128x128xf32, #tpu.memory_space<vmem>>) target(%dma_start3A_65 : memref<128x128xf32, #tpu.memory_space<hbm>>) target_semaphore(%run_scoped3A : memref<!tpu.dma_semaphore, #tpu.memory_space<semaphore_mem>>)
      %dma_wait3A = arith.constant 0 : i32
      %dma_wait3A_66 = tpu.memref_slice %arg6[%arg0, %add3A_44, %dma_wait3A] : memref<2x10240x128xf32, #tpu.memory_space<hbm>> -> memref<1x128x128xf32, #tpu.memory_space<hbm>>
      %dma_wait3A_67 = tpu.memref_squeeze %dma_wait3A_66 : memref<1x128x128xf32, #tpu.memory_space<hbm>> -> memref<128x128xf32, #tpu.memory_space<hbm>>
      %dma_wait3A_68 = arith.constant 0 : i32
      %dma_wait3A_69 = tpu.memref_slice %arg6[%arg0, %add3A_44, %dma_wait3A_68] : memref<2x10240x128xf32, #tpu.memory_space<hbm>> -> memref<1x128x128xf32, #tpu.memory_space<hbm>>
      %dma_wait3A_70 = tpu.memref_squeeze %dma_wait3A_69 : memref<1x128x128xf32, #tpu.memory_space<hbm>> -> memref<128x128xf32, #tpu.memory_space<hbm>>
      tpu.wait_dma2 semaphore(%run_scoped3A : memref<!tpu.dma_semaphore, #tpu.memory_space<semaphore_mem>>) src(%arg8 : memref<128x128xf32, #tpu.memory_space<vmem>>) dst(%dma_wait3A_70 : memref<128x128xf32, #tpu.memory_space<hbm>>)
      tpu.yield
    }) : () -> ()
    %mul3A_45 = arith.constant 640 : i32
    %mul3A_46 = arith.muli %arg1, %mul3A_45 : i32
    %add3A_47 = arith.constant 128 : i32
    %add3A_48 = arith.addi %mul3A_46, %add3A_47 : i32
    "tpu.region"() ({
      %run_scoped3A = tpu.sem_alloc : memref<!tpu.dma_semaphore, #tpu.memory_space<semaphore_mem>>
      %dma_start3A = arith.constant 0 : i32
      %dma_start3A_61 = tpu.memref_slice %arg7[%add3A_48, %dma_start3A] : memref<10240x128xf32, #tpu.memory_space<vmem_shared>> -> memref<128x128xf32, #tpu.memory_space<vmem_shared>>
      %dma_start3A_62 = arith.constant 0 : i32
      %dma_start3A_63 = tpu.memref_slice %arg7[%add3A_48, %dma_start3A_62] : memref<10240x128xf32, #tpu.memory_space<vmem_shared>> -> memref<128x128xf32, #tpu.memory_space<vmem_shared>>
      tpu.enqueue_dma source(%dma_start3A_63 : memref<128x128xf32, #tpu.memory_space<vmem_shared>>) target(%arg8 : memref<128x128xf32, #tpu.memory_space<vmem>>) target_semaphore(%run_scoped3A : memref<!tpu.dma_semaphore, #tpu.memory_space<semaphore_mem>>)
      %dma_wait3A = arith.constant 0 : i32
      %dma_wait3A_64 = tpu.memref_slice %arg7[%add3A_48, %dma_wait3A] : memref<10240x128xf32, #tpu.memory_space<vmem_shared>> -> memref<128x128xf32, #tpu.memory_space<vmem_shared>>
      %dma_wait3A_65 = arith.constant 0 : i32
      %dma_wait3A_66 = tpu.memref_slice %arg7[%add3A_48, %dma_wait3A_65] : memref<10240x128xf32, #tpu.memory_space<vmem_shared>> -> memref<128x128xf32, #tpu.memory_space<vmem_shared>>
      tpu.wait_dma2 semaphore(%run_scoped3A : memref<!tpu.dma_semaphore, #tpu.memory_space<semaphore_mem>>) src(%dma_wait3A_66 : memref<128x128xf32, #tpu.memory_space<vmem_shared>>) dst(%arg8 : memref<128x128xf32, #tpu.memory_space<vmem>>)
      tpu.yield
    }) : () -> ()
    "tpu.region"() ({
      %run_scoped3A = tpu.sem_alloc : memref<!tpu.dma_semaphore, #tpu.memory_space<semaphore_mem>>
      %dma_start3A = arith.constant 0 : i32
      %dma_start3A_61 = tpu.memref_slice %arg6[%arg0, %add3A_48, %dma_start3A] : memref<2x10240x128xf32, #tpu.memory_space<hbm>> -> memref<1x128x128xf32, #tpu.memory_space<hbm>>
      %dma_start3A_62 = tpu.memref_squeeze %dma_start3A_61 : memref<1x128x128xf32, #tpu.memory_space<hbm>> -> memref<128x128xf32, #tpu.memory_space<hbm>>
      %dma_start3A_63 = arith.constant 0 : i32
      %dma_start3A_64 = tpu.memref_slice %arg6[%arg0, %add3A_48, %dma_start3A_63] : memref<2x10240x128xf32, #tpu.memory_space<hbm>> -> memref<1x128x128xf32, #tpu.memory_space<hbm>>
      %dma_start3A_65 = tpu.memref_squeeze %dma_start3A_64 : memref<1x128x128xf32, #tpu.memory_space<hbm>> -> memref<128x128xf32, #tpu.memory_space<hbm>>
      tpu.enqueue_dma source(%arg8 : memref<128x128xf32, #tpu.memory_space<vmem>>) target(%dma_start3A_65 : memref<128x128xf32, #tpu.memory_space<hbm>>) target_semaphore(%run_scoped3A : memref<!tpu.dma_semaphore, #tpu.memory_space<semaphore_mem>>)
      %dma_wait3A = arith.constant 0 : i32
      %dma_wait3A_66 = tpu.memref_slice %arg6[%arg0, %add3A_48, %dma_wait3A] : memref<2x10240x128xf32, #tpu.memory_space<hbm>> -> memref<1x128x128xf32, #tpu.memory_space<hbm>>
      %dma_wait3A_67 = tpu.memref_squeeze %dma_wait3A_66 : memref<1x128x128xf32, #tpu.memory_space<hbm>> -> memref<128x128xf32, #tpu.memory_space<hbm>>
      %dma_wait3A_68 = arith.constant 0 : i32
      %dma_wait3A_69 = tpu.memref_slice %arg6[%arg0, %add3A_48, %dma_wait3A_68] : memref<2x10240x128xf32, #tpu.memory_space<hbm>> -> memref<1x128x128xf32, #tpu.memory_space<hbm>>
      %dma_wait3A_70 = tpu.memref_squeeze %dma_wait3A_69 : memref<1x128x128xf32, #tpu.memory_space<hbm>> -> memref<128x128xf32, #tpu.memory_space<hbm>>
      tpu.wait_dma2 semaphore(%run_scoped3A : memref<!tpu.dma_semaphore, #tpu.memory_space<semaphore_mem>>) src(%arg8 : memref<128x128xf32, #tpu.memory_space<vmem>>) dst(%dma_wait3A_70 : memref<128x128xf32, #tpu.memory_space<hbm>>)
      tpu.yield
    }) : () -> ()
    %mul3A_49 = arith.constant 640 : i32
    %mul3A_50 = arith.muli %arg1, %mul3A_49 : i32
    %add3A_51 = arith.constant 256 : i32
    %add3A_52 = arith.addi %mul3A_50, %add3A_51 : i32
    "tpu.region"() ({
      %run_scoped3A = tpu.sem_alloc : memref<!tpu.dma_semaphore, #tpu.memory_space<semaphore_mem>>
      %dma_start3A = arith.constant 0 : i32
      %dma_start3A_61 = tpu.memref_slice %arg7[%add3A_52, %dma_start3A] : memref<10240x128xf32, #tpu.memory_space<vmem_shared>> -> memref<128x128xf32, #tpu.memory_space<vmem_shared>>
      %dma_start3A_62 = arith.constant 0 : i32
      %dma_start3A_63 = tpu.memref_slice %arg7[%add3A_52, %dma_start3A_62] : memref<10240x128xf32, #tpu.memory_space<vmem_shared>> -> memref<128x128xf32, #tpu.memory_space<vmem_shared>>
      tpu.enqueue_dma source(%dma_start3A_63 : memref<128x128xf32, #tpu.memory_space<vmem_shared>>) target(%arg8 : memref<128x128xf32, #tpu.memory_space<vmem>>) target_semaphore(%run_scoped3A : memref<!tpu.dma_semaphore, #tpu.memory_space<semaphore_mem>>)
      %dma_wait3A = arith.constant 0 : i32
      %dma_wait3A_64 = tpu.memref_slice %arg7[%add3A_52, %dma_wait3A] : memref<10240x128xf32, #tpu.memory_space<vmem_shared>> -> memref<128x128xf32, #tpu.memory_space<vmem_shared>>
      %dma_wait3A_65 = arith.constant 0 : i32
      %dma_wait3A_66 = tpu.memref_slice %arg7[%add3A_52, %dma_wait3A_65] : memref<10240x128xf32, #tpu.memory_space<vmem_shared>> -> memref<128x128xf32, #tpu.memory_space<vmem_shared>>
      tpu.wait_dma2 semaphore(%run_scoped3A : memref<!tpu.dma_semaphore, #tpu.memory_space<semaphore_mem>>) src(%dma_wait3A_66 : memref<128x128xf32, #tpu.memory_space<vmem_shared>>) dst(%arg8 : memref<128x128xf32, #tpu.memory_space<vmem>>)
      tpu.yield
    }) : () -> ()
    "tpu.region"() ({
      %run_scoped3A = tpu.sem_alloc : memref<!tpu.dma_semaphore, #tpu.memory_space<semaphore_mem>>
      %dma_start3A = arith.constant 0 : i32
      %dma_start3A_61 = tpu.memref_slice %arg6[%arg0, %add3A_52, %dma_start3A] : memref<2x10240x128xf32, #tpu.memory_space<hbm>> -> memref<1x128x128xf32, #tpu.memory_space<hbm>>
      %dma_start3A_62 = tpu.memref_squeeze %dma_start3A_61 : memref<1x128x128xf32, #tpu.memory_space<hbm>> -> memref<128x128xf32, #tpu.memory_space<hbm>>
      %dma_start3A_63 = arith.constant 0 : i32
      %dma_start3A_64 = tpu.memref_slice %arg6[%arg0, %add3A_52, %dma_start3A_63] : memref<2x10240x128xf32, #tpu.memory_space<hbm>> -> memref<1x128x128xf32, #tpu.memory_space<hbm>>
      %dma_start3A_65 = tpu.memref_squeeze %dma_start3A_64 : memref<1x128x128xf32, #tpu.memory_space<hbm>> -> memref<128x128xf32, #tpu.memory_space<hbm>>
      tpu.enqueue_dma source(%arg8 : memref<128x128xf32, #tpu.memory_space<vmem>>) target(%dma_start3A_65 : memref<128x128xf32, #tpu.memory_space<hbm>>) target_semaphore(%run_scoped3A : memref<!tpu.dma_semaphore, #tpu.memory_space<semaphore_mem>>)
      %dma_wait3A = arith.constant 0 : i32
      %dma_wait3A_66 = tpu.memref_slice %arg6[%arg0, %add3A_52, %dma_wait3A] : memref<2x10240x128xf32, #tpu.memory_space<hbm>> -> memref<1x128x128xf32, #tpu.memory_space<hbm>>
      %dma_wait3A_67 = tpu.memref_squeeze %dma_wait3A_66 : memref<1x128x128xf32, #tpu.memory_space<hbm>> -> memref<128x128xf32, #tpu.memory_space<hbm>>
      %dma_wait3A_68 = arith.constant 0 : i32
      %dma_wait3A_69 = tpu.memref_slice %arg6[%arg0, %add3A_52, %dma_wait3A_68] : memref<2x10240x128xf32, #tpu.memory_space<hbm>> -> memref<1x128x128xf32, #tpu.memory_space<hbm>>
      %dma_wait3A_70 = tpu.memref_squeeze %dma_wait3A_69 : memref<1x128x128xf32, #tpu.memory_space<hbm>> -> memref<128x128xf32, #tpu.memory_space<hbm>>
      tpu.wait_dma2 semaphore(%run_scoped3A : memref<!tpu.dma_semaphore, #tpu.memory_space<semaphore_mem>>) src(%arg8 : memref<128x128xf32, #tpu.memory_space<vmem>>) dst(%dma_wait3A_70 : memref<128x128xf32, #tpu.memory_space<hbm>>)
      tpu.yield
    }) : () -> ()
    %mul3A_53 = arith.constant 640 : i32
    %mul3A_54 = arith.muli %arg1, %mul3A_53 : i32
    %add3A_55 = arith.constant 384 : i32
    %add3A_56 = arith.addi %mul3A_54, %add3A_55 : i32
    "tpu.region"() ({
      %run_scoped3A = tpu.sem_alloc : memref<!tpu.dma_semaphore, #tpu.memory_space<semaphore_mem>>
      %dma_start3A = arith.constant 0 : i32
      %dma_start3A_61 = tpu.memref_slice %arg7[%add3A_56, %dma_start3A] : memref<10240x128xf32, #tpu.memory_space<vmem_shared>> -> memref<128x128xf32, #tpu.memory_space<vmem_shared>>
      %dma_start3A_62 = arith.constant 0 : i32
      %dma_start3A_63 = tpu.memref_slice %arg7[%add3A_56, %dma_start3A_62] : memref<10240x128xf32, #tpu.memory_space<vmem_shared>> -> memref<128x128xf32, #tpu.memory_space<vmem_shared>>
      tpu.enqueue_dma source(%dma_start3A_63 : memref<128x128xf32, #tpu.memory_space<vmem_shared>>) target(%arg8 : memref<128x128xf32, #tpu.memory_space<vmem>>) target_semaphore(%run_scoped3A : memref<!tpu.dma_semaphore, #tpu.memory_space<semaphore_mem>>)
      %dma_wait3A = arith.constant 0 : i32
      %dma_wait3A_64 = tpu.memref_slice %arg7[%add3A_56, %dma_wait3A] : memref<10240x128xf32, #tpu.memory_space<vmem_shared>> -> memref<128x128xf32, #tpu.memory_space<vmem_shared>>
      %dma_wait3A_65 = arith.constant 0 : i32
      %dma_wait3A_66 = tpu.memref_slice %arg7[%add3A_56, %dma_wait3A_65] : memref<10240x128xf32, #tpu.memory_space<vmem_shared>> -> memref<128x128xf32, #tpu.memory_space<vmem_shared>>
      tpu.wait_dma2 semaphore(%run_scoped3A : memref<!tpu.dma_semaphore, #tpu.memory_space<semaphore_mem>>) src(%dma_wait3A_66 : memref<128x128xf32, #tpu.memory_space<vmem_shared>>) dst(%arg8 : memref<128x128xf32, #tpu.memory_space<vmem>>)
      tpu.yield
    }) : () -> ()
    "tpu.region"() ({
      %run_scoped3A = tpu.sem_alloc : memref<!tpu.dma_semaphore, #tpu.memory_space<semaphore_mem>>
      %dma_start3A = arith.constant 0 : i32
      %dma_start3A_61 = tpu.memref_slice %arg6[%arg0, %add3A_56, %dma_start3A] : memref<2x10240x128xf32, #tpu.memory_space<hbm>> -> memref<1x128x128xf32, #tpu.memory_space<hbm>>
      %dma_start3A_62 = tpu.memref_squeeze %dma_start3A_61 : memref<1x128x128xf32, #tpu.memory_space<hbm>> -> memref<128x128xf32, #tpu.memory_space<hbm>>
      %dma_start3A_63 = arith.constant 0 : i32
      %dma_start3A_64 = tpu.memref_slice %arg6[%arg0, %add3A_56, %dma_start3A_63] : memref<2x10240x128xf32, #tpu.memory_space<hbm>> -> memref<1x128x128xf32, #tpu.memory_space<hbm>>
      %dma_start3A_65 = tpu.memref_squeeze %dma_start3A_64 : memref<1x128x128xf32, #tpu.memory_space<hbm>> -> memref<128x128xf32, #tpu.memory_space<hbm>>
      tpu.enqueue_dma source(%arg8 : memref<128x128xf32, #tpu.memory_space<vmem>>) target(%dma_start3A_65 : memref<128x128xf32, #tpu.memory_space<hbm>>) target_semaphore(%run_scoped3A : memref<!tpu.dma_semaphore, #tpu.memory_space<semaphore_mem>>)
      %dma_wait3A = arith.constant 0 : i32
      %dma_wait3A_66 = tpu.memref_slice %arg6[%arg0, %add3A_56, %dma_wait3A] : memref<2x10240x128xf32, #tpu.memory_space<hbm>> -> memref<1x128x128xf32, #tpu.memory_space<hbm>>
      %dma_wait3A_67 = tpu.memref_squeeze %dma_wait3A_66 : memref<1x128x128xf32, #tpu.memory_space<hbm>> -> memref<128x128xf32, #tpu.memory_space<hbm>>
      %dma_wait3A_68 = arith.constant 0 : i32
      %dma_wait3A_69 = tpu.memref_slice %arg6[%arg0, %add3A_56, %dma_wait3A_68] : memref<2x10240x128xf32, #tpu.memory_space<hbm>> -> memref<1x128x128xf32, #tpu.memory_space<hbm>>
      %dma_wait3A_70 = tpu.memref_squeeze %dma_wait3A_69 : memref<1x128x128xf32, #tpu.memory_space<hbm>> -> memref<128x128xf32, #tpu.memory_space<hbm>>
      tpu.wait_dma2 semaphore(%run_scoped3A : memref<!tpu.dma_semaphore, #tpu.memory_space<semaphore_mem>>) src(%arg8 : memref<128x128xf32, #tpu.memory_space<vmem>>) dst(%dma_wait3A_70 : memref<128x128xf32, #tpu.memory_space<hbm>>)
      tpu.yield
    }) : () -> ()
    %mul3A_57 = arith.constant 640 : i32
    %mul3A_58 = arith.muli %arg1, %mul3A_57 : i32
    %add3A_59 = arith.constant 512 : i32
    %add3A_60 = arith.addi %mul3A_58, %add3A_59 : i32
    "tpu.region"() ({
      %run_scoped3A = tpu.sem_alloc : memref<!tpu.dma_semaphore, #tpu.memory_space<semaphore_mem>>
      %dma_start3A = arith.constant 0 : i32
      %dma_start3A_61 = tpu.memref_slice %arg7[%add3A_60, %dma_start3A] : memref<10240x128xf32, #tpu.memory_space<vmem_shared>> -> memref<128x128xf32, #tpu.memory_space<vmem_shared>>
      %dma_start3A_62 = arith.constant 0 : i32
      %dma_start3A_63 = tpu.memref_slice %arg7[%add3A_60, %dma_start3A_62] : memref<10240x128xf32, #tpu.memory_space<vmem_shared>> -> memref<128x128xf32, #tpu.memory_space<vmem_shared>>
      tpu.enqueue_dma source(%dma_start3A_63 : memref<128x128xf32, #tpu.memory_space<vmem_shared>>) target(%arg8 : memref<128x128xf32, #tpu.memory_space<vmem>>) target_semaphore(%run_scoped3A : memref<!tpu.dma_semaphore, #tpu.memory_space<semaphore_mem>>)
      %dma_wait3A = arith.constant 0 : i32
      %dma_wait3A_64 = tpu.memref_slice %arg7[%add3A_60, %dma_wait3A] : memref<10240x128xf32, #tpu.memory_space<vmem_shared>> -> memref<128x128xf32, #tpu.memory_space<vmem_shared>>
      %dma_wait3A_65 = arith.constant 0 : i32
      %dma_wait3A_66 = tpu.memref_slice %arg7[%add3A_60, %dma_wait3A_65] : memref<10240x128xf32, #tpu.memory_space<vmem_shared>> -> memref<128x128xf32, #tpu.memory_space<vmem_shared>>
      tpu.wait_dma2 semaphore(%run_scoped3A : memref<!tpu.dma_semaphore, #tpu.memory_space<semaphore_mem>>) src(%dma_wait3A_66 : memref<128x128xf32, #tpu.memory_space<vmem_shared>>) dst(%arg8 : memref<128x128xf32, #tpu.memory_space<vmem>>)
      tpu.yield
    }) : () -> ()
    "tpu.region"() ({
      %run_scoped3A = tpu.sem_alloc : memref<!tpu.dma_semaphore, #tpu.memory_space<semaphore_mem>>
      %dma_start3A = arith.constant 0 : i32
      %dma_start3A_61 = tpu.memref_slice %arg6[%arg0, %add3A_60, %dma_start3A] : memref<2x10240x128xf32, #tpu.memory_space<hbm>> -> memref<1x128x128xf32, #tpu.memory_space<hbm>>
      %dma_start3A_62 = tpu.memref_squeeze %dma_start3A_61 : memref<1x128x128xf32, #tpu.memory_space<hbm>> -> memref<128x128xf32, #tpu.memory_space<hbm>>
      %dma_start3A_63 = arith.constant 0 : i32
      %dma_start3A_64 = tpu.memref_slice %arg6[%arg0, %add3A_60, %dma_start3A_63] : memref<2x10240x128xf32, #tpu.memory_space<hbm>> -> memref<1x128x128xf32, #tpu.memory_space<hbm>>
      %dma_start3A_65 = tpu.memref_squeeze %dma_start3A_64 : memref<1x128x128xf32, #tpu.memory_space<hbm>> -> memref<128x128xf32, #tpu.memory_space<hbm>>
      tpu.enqueue_dma source(%arg8 : memref<128x128xf32, #tpu.memory_space<vmem>>) target(%dma_start3A_65 : memref<128x128xf32, #tpu.memory_space<hbm>>) target_semaphore(%run_scoped3A : memref<!tpu.dma_semaphore, #tpu.memory_space<semaphore_mem>>)
      %dma_wait3A = arith.constant 0 : i32
      %dma_wait3A_66 = tpu.memref_slice %arg6[%arg0, %add3A_60, %dma_wait3A] : memref<2x10240x128xf32, #tpu.memory_space<hbm>> -> memref<1x128x128xf32, #tpu.memory_space<hbm>>
      %dma_wait3A_67 = tpu.memref_squeeze %dma_wait3A_66 : memref<1x128x128xf32, #tpu.memory_space<hbm>> -> memref<128x128xf32, #tpu.memory_space<hbm>>
      %dma_wait3A_68 = arith.constant 0 : i32
      %dma_wait3A_69 = tpu.memref_slice %arg6[%arg0, %add3A_60, %dma_wait3A_68] : memref<2x10240x128xf32, #tpu.memory_space<hbm>> -> memref<1x128x128xf32, #tpu.memory_space<hbm>>
      %dma_wait3A_70 = tpu.memref_squeeze %dma_wait3A_69 : memref<1x128x128xf32, #tpu.memory_space<hbm>> -> memref<128x128xf32, #tpu.memory_space<hbm>>
      tpu.wait_dma2 semaphore(%run_scoped3A : memref<!tpu.dma_semaphore, #tpu.memory_space<semaphore_mem>>) src(%arg8 : memref<128x128xf32, #tpu.memory_space<vmem>>) dst(%dma_wait3A_70 : memref<128x128xf32, #tpu.memory_space<hbm>>)
      tpu.yield
    }) : () -> ()
    return
  }
}

module attributes {stable_mosaic.version = 14 : i64} {
  func.func @_tc_prep_body(%arg0: i32, %arg1: memref<1024x128xf32, #tpu.memory_space<vmem>>, %arg2: memref<128x128xf32, #tpu.memory_space<vmem>>, %arg3: memref<2x1024x16xf32, #tpu.memory_space<vmem>>, %arg4: memref<1024x128xf32, #tpu.memory_space<vmem>>) attributes {dimension_semantics = [#tpu.dimension_semantics<arbitrary>], iteration_bounds = array<i64: 10>, scalar_prefetch = 0 : i64, scratch_operands = 0 : i64, tpu.core_type = #tpu.core_type<tc>, window_params = [{transform_indices = @transform_0, window_bounds = array<i64: 1024, 128>}, {pipeline_mode = #tpu.pipeline_mode<synchronous>, transform_indices = @transform_1, window_bounds = array<i64: 128, 128>}, {transform_indices = @transform_2, window_bounds = array<i64: 2, 1024, 16>}, {transform_indices = @transform_3, window_bounds = array<i64: 1024, 128>}]} {
    %get3A = arith.constant 0 : index
    %get3A_0 = arith.constant 0 : index
    %get3A_1 = arith.constant 0 : index
    %get3A_2 = vector.load %arg3[%get3A, %get3A_0, %get3A_1] : memref<2x1024x16xf32, #tpu.memory_space<vmem>>, vector<1x1024x1xf32>
    %get3A_3 = vector.shape_cast %get3A_2 : vector<1x1024x1xf32> to vector<1024xf32>
    %get3A_4 = arith.constant 1 : index
    %get3A_5 = arith.constant 0 : index
    %get3A_6 = arith.constant 0 : index
    %get3A_7 = vector.load %arg3[%get3A_4, %get3A_5, %get3A_6] : memref<2x1024x16xf32, #tpu.memory_space<vmem>>, vector<1x1024x1xf32>
    %get3A_8 = vector.shape_cast %get3A_7 : vector<1x1024x1xf32> to vector<1024xf32>
    %add3A = arith.addf %get3A_3, %get3A_8 : vector<1024xf32>
    %add3A_9 = arith.constant 1.000000e+00 : f32
    %add3A_10 = vector.broadcast %add3A_9 : f32 to vector<1024xf32>
    %add3A_11 = arith.addf %add3A, %add3A_10 : vector<1024xf32>
    %rsqrt3A = math.rsqrt %add3A_11 : vector<1024xf32>
    %get3A_12 = arith.constant 0 : index
    %get3A_13 = arith.constant 0 : index
    %get3A_14 = vector.load %arg1[%get3A_12, %get3A_13] : memref<1024x128xf32, #tpu.memory_space<vmem>>, vector<1024x128xf32>
    %get3A_15 = arith.constant 0 : index
    %get3A_16 = arith.constant 0 : index
    %get3A_17 = vector.load %arg2[%get3A_15, %get3A_16] : memref<128x128xf32, #tpu.memory_space<vmem>>, vector<128x128xf32>
    %dot_general3A = arith.constant dense<0.000000e+00> : vector<1024x128xf32>
    %dot_general3A_18 = tpu.matmul %get3A_14, %get3A_17, %dot_general3A {dimension_numbers = #tpu.dot_dimension_numbers<[1], [0], [0], [1], [0, 0, 1, 1], [], []>, transpose_lhs_hint = false} : vector<1024x128xf32>, vector<128x128xf32>, vector<1024x128xf32> -> vector<1024x128xf32>
    %broadcast_in_dim3A = vector.shape_cast %rsqrt3A : vector<1024xf32> to vector<1024x1xf32>
    %mul3A = vector.broadcast %broadcast_in_dim3A : vector<1024x1xf32> to vector<1024x128xf32>
    %mul3A_19 = arith.mulf %dot_general3A_18, %mul3A : vector<1024x128xf32>
    %swap3A = arith.constant 0 : index
    %swap3A_20 = arith.constant 0 : index
    %swap3A_21 = vector.load %arg4[%swap3A, %swap3A_20] : memref<1024x128xf32, #tpu.memory_space<vmem>>, vector<1024x128xf32>
    tpu.vector_store %arg4[%swap3A, %swap3A_20], %mul3A_19 {strides = array<i32>} : memref<1024x128xf32, #tpu.memory_space<vmem>>, vector<1024x128xf32>,
    return
  }
  func.func @transform_0(%arg0: i32) -> (i32, i32) {
    %c0_i32 = arith.constant 0 : i32
    %c0_i32_0 = arith.constant 0 : i32
    return %arg0, %c0_i32 : i32, i32
  }
  func.func @transform_1(%arg0: i32) -> (i32, i32) {
    %c0_i32 = arith.constant 0 : i32
    %c0_i32_0 = arith.constant 0 : i32
    %c0_i32_1 = arith.constant 0 : i32
    return %c0_i32, %c0_i32_0 : i32, i32
  }
  func.func @transform_2(%arg0: i32) -> (i32, i32, i32) {
    %c0_i32 = arith.constant 0 : i32
    %c0_i32_0 = arith.constant 0 : i32
    %c0_i32_1 = arith.constant 0 : i32
    return %c0_i32, %arg0, %c0_i32_0 : i32, i32, i32
  }
  func.func @transform_3(%arg0: i32) -> (i32, i32) {
    %c0_i32 = arith.constant 0 : i32
    %c0_i32_0 = arith.constant 0 : i32
    return %arg0, %c0_i32 : i32, i32
  }
}

module attributes {stable_mosaic.version = 14 : i64} {
  func.func @_tc_mid_body(%arg0: i32, %arg1: memref<2x1024x128xf32, #tpu.memory_space<vmem>>, %arg2: memref<1024x128xf32, #tpu.memory_space<vmem>>, %arg3: memref<2x1024x16xf32, #tpu.memory_space<vmem>>, %arg4: memref<1x128xf32, #tpu.memory_space<vmem>>, %arg5: memref<128x128xf32, #tpu.memory_space<vmem>>, %arg6: memref<1024x128xf32, #tpu.memory_space<vmem>>) attributes {dimension_semantics = [#tpu.dimension_semantics<arbitrary>], iteration_bounds = array<i64: 10>, scalar_prefetch = 0 : i64, scratch_operands = 0 : i64, tpu.core_type = #tpu.core_type<tc>, window_params = [{transform_indices = @transform_0, window_bounds = array<i64: 2, 1024, 128>}, {transform_indices = @transform_1, window_bounds = array<i64: 1024, 128>}, {transform_indices = @transform_2, window_bounds = array<i64: 2, 1024, 16>}, {pipeline_mode = #tpu.pipeline_mode<synchronous>, transform_indices = @transform_3, window_bounds = array<i64: 1, 128>}, {pipeline_mode = #tpu.pipeline_mode<synchronous>, transform_indices = @transform_4, window_bounds = array<i64: 128, 128>}, {transform_indices = @transform_5, window_bounds = array<i64: 1024, 128>}]} {
    %get3A = arith.constant 0 : index
    %get3A_0 = arith.constant 0 : index
    %get3A_1 = arith.constant 0 : index
    %get3A_2 = vector.load %arg3[%get3A, %get3A_0, %get3A_1] : memref<2x1024x16xf32, #tpu.memory_space<vmem>>, vector<1x1024x1xf32>
    %get3A_3 = vector.shape_cast %get3A_2 : vector<1x1024x1xf32> to vector<1024xf32>
    %get3A_4 = arith.constant 1 : index
    %get3A_5 = arith.constant 0 : index
    %get3A_6 = arith.constant 0 : index
    %get3A_7 = vector.load %arg3[%get3A_4, %get3A_5, %get3A_6] : memref<2x1024x16xf32, #tpu.memory_space<vmem>>, vector<1x1024x1xf32>
    %get3A_8 = vector.shape_cast %get3A_7 : vector<1x1024x1xf32> to vector<1024xf32>
    %add3A = arith.addf %get3A_3, %get3A_8 : vector<1024xf32>
    %add3A_9 = arith.constant 1.000000e+00 : f32
    %add3A_10 = vector.broadcast %add3A_9 : f32 to vector<1024xf32>
    %add3A_11 = arith.addf %add3A, %add3A_10 : vector<1024xf32>
    %rsqrt3A = math.rsqrt %add3A_11 : vector<1024xf32>
    %get3A_12 = arith.constant 0 : index
    %get3A_13 = arith.constant 0 : index
    %get3A_14 = arith.constant 0 : index
    %get3A_15 = vector.load %arg1[%get3A_12, %get3A_13, %get3A_14] : memref<2x1024x128xf32, #tpu.memory_space<vmem>>, vector<1x1024x128xf32>
    %get3A_16 = vector.shape_cast %get3A_15 : vector<1x1024x128xf32> to vector<1024x128xf32>
    %get3A_17 = arith.constant 1 : index
    %get3A_18 = arith.constant 0 : index
    %get3A_19 = arith.constant 0 : index
    %get3A_20 = vector.load %arg1[%get3A_17, %get3A_18, %get3A_19] : memref<2x1024x128xf32, #tpu.memory_space<vmem>>, vector<1x1024x128xf32>
    %get3A_21 = vector.shape_cast %get3A_20 : vector<1x1024x128xf32> to vector<1024x128xf32>
    %add3A_22 = arith.addf %get3A_16, %get3A_21 : vector<1024x128xf32>
    %get3A_23 = arith.constant 0 : index
    %get3A_24 = arith.constant 0 : index
    %get3A_25 = vector.load %arg2[%get3A_23, %get3A_24] : memref<1024x128xf32, #tpu.memory_space<vmem>>, vector<1024x128xf32>
    %add3A_26 = arith.addf %add3A_22, %get3A_25 : vector<1024x128xf32>
    %broadcast_in_dim3A = vector.shape_cast %rsqrt3A : vector<1024xf32> to vector<1024x1xf32>
    %mul3A = vector.broadcast %broadcast_in_dim3A : vector<1024x1xf32> to vector<1024x128xf32>
    %mul3A_27 = arith.mulf %add3A_26, %mul3A : vector<1024x128xf32>
    %get3A_28 = arith.constant 0 : index
    %get3A_29 = arith.constant 0 : index
    %get3A_30 = vector.load %arg4[%get3A_28, %get3A_29] : memref<1x128xf32, #tpu.memory_space<vmem>>, vector<1x128xf32>
    %add3A_31 = vector.broadcast %get3A_30 : vector<1x128xf32> to vector<1024x128xf32>
    %add3A_32 = arith.addf %mul3A_27, %add3A_31 : vector<1024x128xf32>
    %max3A = arith.constant 0.000000e+00 : f32
    %max3A_33 = vector.broadcast %max3A : f32 to vector<1024x128xf32>
    %max3A_34 = arith.maximumf %add3A_32, %max3A_33 : vector<1024x128xf32>
    %get3A_35 = arith.constant 0 : index
    %get3A_36 = arith.constant 0 : index
    %get3A_37 = vector.load %arg5[%get3A_35, %get3A_36] : memref<128x128xf32, #tpu.memory_space<vmem>>, vector<128x128xf32>
    %dot_general3A = arith.constant dense<0.000000e+00> : vector<1024x128xf32>
    %dot_general3A_38 = tpu.matmul %max3A_34, %get3A_37, %dot_general3A {dimension_numbers = #tpu.dot_dimension_numbers<[1], [0], [0], [1], [0, 0, 1, 1], [], []>, transpose_lhs_hint = false} : vector<1024x128xf32>, vector<128x128xf32>, vector<1024x128xf32> -> vector<1024x128xf32>
    %broadcast_in_dim3A_39 = vector.shape_cast %rsqrt3A : vector<1024xf32> to vector<1024x1xf32>
    %mul3A_40 = vector.broadcast %broadcast_in_dim3A_39 : vector<1024x1xf32> to vector<1024x128xf32>
    %mul3A_41 = arith.mulf %dot_general3A_38, %mul3A_40 : vector<1024x128xf32>
    %swap3A = arith.constant 0 : index
    %swap3A_42 = arith.constant 0 : index
    %swap3A_43 = vector.load %arg6[%swap3A, %swap3A_42] : memref<1024x128xf32, #tpu.memory_space<vmem>>, vector<1024x128xf32>
    tpu.vector_store %arg6[%swap3A, %swap3A_42], %mul3A_41 {strides = array<i32>} : memref<1024x128xf32, #tpu.memory_space<vmem>>, vector<1024x128xf32>,
    return
  }
  func.func @transform_0(%arg0: i32) -> (i32, i32, i32) {
    %c0_i32 = arith.constant 0 : i32
    %c0_i32_0 = arith.constant 0 : i32
    %c0_i32_1 = arith.constant 0 : i32
    return %c0_i32, %arg0, %c0_i32_0 : i32, i32, i32
  }
  func.func @transform_1(%arg0: i32) -> (i32, i32) {
    %c0_i32 = arith.constant 0 : i32
    %c0_i32_0 = arith.constant 0 : i32
    return %arg0, %c0_i32 : i32, i32
  }
  func.func @transform_2(%arg0: i32) -> (i32, i32, i32) {
    %c0_i32 = arith.constant 0 : i32
    %c0_i32_0 = arith.constant 0 : i32
    %c0_i32_1 = arith.constant 0 : i32
    return %c0_i32, %arg0, %c0_i32_0 : i32, i32, i32
  }
  func.func @transform_3(%arg0: i32) -> (i32, i32) {
    %c0_i32 = arith.constant 0 : i32
    %c0_i32_0 = arith.constant 0 : i32
    %c0_i32_1 = arith.constant 0 : i32
    return %c0_i32, %c0_i32_0 : i32, i32
  }
  func.func @transform_4(%arg0: i32) -> (i32, i32) {
    %c0_i32 = arith.constant 0 : i32
    %c0_i32_0 = arith.constant 0 : i32
    %c0_i32_1 = arith.constant 0 : i32
    return %c0_i32, %c0_i32_0 : i32, i32
  }
  func.func @transform_5(%arg0: i32) -> (i32, i32) {
    %c0_i32 = arith.constant 0 : i32
    %c0_i32_0 = arith.constant 0 : i32
    return %arg0, %c0_i32 : i32, i32
  }
}

module attributes {stable_mosaic.version = 14 : i64} {
  func.func @_tc_final_body(%arg0: i32, %arg1: memref<2x1024x128xf32, #tpu.memory_space<vmem>>, %arg2: memref<1024x128xf32, #tpu.memory_space<vmem>>, %arg3: memref<2x1024x16xf32, #tpu.memory_space<vmem>>, %arg4: memref<1x128xf32, #tpu.memory_space<vmem>>, %arg5: memref<1024x128xf32, #tpu.memory_space<vmem>>) attributes {dimension_semantics = [#tpu.dimension_semantics<arbitrary>], iteration_bounds = array<i64: 10>, scalar_prefetch = 0 : i64, scratch_operands = 0 : i64, tpu.core_type = #tpu.core_type<tc>, window_params = [{transform_indices = @transform_0, window_bounds = array<i64: 2, 1024, 128>}, {transform_indices = @transform_1, window_bounds = array<i64: 1024, 128>}, {transform_indices = @transform_2, window_bounds = array<i64: 2, 1024, 16>}, {pipeline_mode = #tpu.pipeline_mode<synchronous>, transform_indices = @transform_3, window_bounds = array<i64: 1, 128>}, {transform_indices = @transform_4, window_bounds = array<i64: 1024, 128>}]} {
    %get3A = arith.constant 0 : index
    %get3A_0 = arith.constant 0 : index
    %get3A_1 = arith.constant 0 : index
    %get3A_2 = vector.load %arg3[%get3A, %get3A_0, %get3A_1] : memref<2x1024x16xf32, #tpu.memory_space<vmem>>, vector<1x1024x1xf32>
    %get3A_3 = vector.shape_cast %get3A_2 : vector<1x1024x1xf32> to vector<1024xf32>
    %get3A_4 = arith.constant 1 : index
    %get3A_5 = arith.constant 0 : index
    %get3A_6 = arith.constant 0 : index
    %get3A_7 = vector.load %arg3[%get3A_4, %get3A_5, %get3A_6] : memref<2x1024x16xf32, #tpu.memory_space<vmem>>, vector<1x1024x1xf32>
    %get3A_8 = vector.shape_cast %get3A_7 : vector<1x1024x1xf32> to vector<1024xf32>
    %add3A = arith.addf %get3A_3, %get3A_8 : vector<1024xf32>
    %add3A_9 = arith.constant 1.000000e+00 : f32
    %add3A_10 = vector.broadcast %add3A_9 : f32 to vector<1024xf32>
    %add3A_11 = arith.addf %add3A, %add3A_10 : vector<1024xf32>
    %rsqrt3A = math.rsqrt %add3A_11 : vector<1024xf32>
    %get3A_12 = arith.constant 0 : index
    %get3A_13 = arith.constant 0 : index
    %get3A_14 = arith.constant 0 : index
    %get3A_15 = vector.load %arg1[%get3A_12, %get3A_13, %get3A_14] : memref<2x1024x128xf32, #tpu.memory_space<vmem>>, vector<1x1024x128xf32>
    %get3A_16 = vector.shape_cast %get3A_15 : vector<1x1024x128xf32> to vector<1024x128xf32>
    %get3A_17 = arith.constant 1 : index
    %get3A_18 = arith.constant 0 : index
    %get3A_19 = arith.constant 0 : index
    %get3A_20 = vector.load %arg1[%get3A_17, %get3A_18, %get3A_19] : memref<2x1024x128xf32, #tpu.memory_space<vmem>>, vector<1x1024x128xf32>
    %get3A_21 = vector.shape_cast %get3A_20 : vector<1x1024x128xf32> to vector<1024x128xf32>
    %add3A_22 = arith.addf %get3A_16, %get3A_21 : vector<1024x128xf32>
    %get3A_23 = arith.constant 0 : index
    %get3A_24 = arith.constant 0 : index
    %get3A_25 = vector.load %arg2[%get3A_23, %get3A_24] : memref<1024x128xf32, #tpu.memory_space<vmem>>, vector<1024x128xf32>
    %add3A_26 = arith.addf %add3A_22, %get3A_25 : vector<1024x128xf32>
    %broadcast_in_dim3A = vector.shape_cast %rsqrt3A : vector<1024xf32> to vector<1024x1xf32>
    %mul3A = vector.broadcast %broadcast_in_dim3A : vector<1024x1xf32> to vector<1024x128xf32>
    %mul3A_27 = arith.mulf %add3A_26, %mul3A : vector<1024x128xf32>
    %get3A_28 = arith.constant 0 : index
    %get3A_29 = arith.constant 0 : index
    %get3A_30 = vector.load %arg4[%get3A_28, %get3A_29] : memref<1x128xf32, #tpu.memory_space<vmem>>, vector<1x128xf32>
    %add3A_31 = vector.broadcast %get3A_30 : vector<1x128xf32> to vector<1024x128xf32>
    %add3A_32 = arith.addf %mul3A_27, %add3A_31 : vector<1024x128xf32>
    %max3A = arith.constant 0.000000e+00 : f32
    %max3A_33 = vector.broadcast %max3A : f32 to vector<1024x128xf32>
    %max3A_34 = arith.maximumf %add3A_32, %max3A_33 : vector<1024x128xf32>
    %swap3A = arith.constant 0 : index
    %swap3A_35 = arith.constant 0 : index
    %swap3A_36 = vector.load %arg5[%swap3A, %swap3A_35] : memref<1024x128xf32, #tpu.memory_space<vmem>>, vector<1024x128xf32>
    tpu.vector_store %arg5[%swap3A, %swap3A_35], %max3A_34 {strides = array<i32>} : memref<1024x128xf32, #tpu.memory_space<vmem>>, vector<1024x128xf32>,
    return
  }
  func.func @transform_0(%arg0: i32) -> (i32, i32, i32) {
    %c0_i32 = arith.constant 0 : i32
    %c0_i32_0 = arith.constant 0 : i32
    %c0_i32_1 = arith.constant 0 : i32
    return %c0_i32, %arg0, %c0_i32_0 : i32, i32, i32
  }
  func.func @transform_1(%arg0: i32) -> (i32, i32) {
    %c0_i32 = arith.constant 0 : i32
    %c0_i32_0 = arith.constant 0 : i32
    return %arg0, %c0_i32 : i32, i32
  }
  func.func @transform_2(%arg0: i32) -> (i32, i32, i32) {
    %c0_i32 = arith.constant 0 : i32
    %c0_i32_0 = arith.constant 0 : i32
    %c0_i32_1 = arith.constant 0 : i32
    return %c0_i32, %arg0, %c0_i32_0 : i32, i32, i32
  }
  func.func @transform_3(%arg0: i32) -> (i32, i32) {
    %c0_i32 = arith.constant 0 : i32
    %c0_i32_0 = arith.constant 0 : i32
    %c0_i32_1 = arith.constant 0 : i32
    return %c0_i32, %c0_i32_0 : i32, i32
  }
  func.func @transform_4(%arg0: i32) -> (i32, i32) {
    %c0_i32 = arith.constant 0 : i32
    %c0_i32_0 = arith.constant 0 : i32
    return %arg0, %c0_i32 : i32, i32
  }
}

</mosaic_0001>

<sc_bundles>
// kernel: kernel.11.cloned.1.call-start
scs
__scs_entry_jumppad:
0x0: {  	(pc) =	sbr.rel $0x88, $3  }
0x1: {  	(tag) =	ssettag $0x0;
	lr =	simm.s32 $0x1  }
0x2: {  	[smem:$0x3F9B] =	sst lr;
	_ =	strace $0xD0000000  }
0x3: {  	_ = 	snop  }
0x4: {  	_ = 	snop  }
0x5: {  	_ = 	snop  }
0x6: {  	_ = 	snop  }
0x7: {  	_ = 	snop  }
__scs_overlays_trampoline_lowered:
0x8: {  	[smem:$0x3FAA] =	sst s0  }
0x9: {  	[smem:$0x3FAB] =	sst s1  }
0xa: {  	[smem:$0x3FAC] =	sst s2  }
0xb: {  	[smem:$0x3FAD] =	sst s3  }
0xc: {  	[smem:$0x3FAE] =	sst s4  }
0xd: {  	[smem:$0x3FAF] =	sst s5  }
0xe: {  	[smem:$0x3FB0] =	sst s6  }
0xf: {  	[smem:$0x3FB1] =	sst s7  }
0x10: {  	[smem:$0x3FB2] =	sst s8  }
0x11: {  	[smem:$0x3FB3] =	sst s9;
	s0 =	simm.s32 @!p0 $0x0  }
0x12: {  	s1 =	sld [smem:$0x3F99];
	s0 =	simm.s32 @p0 $0x1  }
0x13: {  	[smem:$0x3FB4] =	sst s0;
	s0 =	simm.s32 @!p1 $0x0  }
0x14: {  	s2 =	sld [smem:$0x3F98];
	s0 =	simm.s32 @p1 $0x1  }
0x15: {  	[smem:$0x3FB5] =	sst s0;
	s0 =	simm.s32 @!p2 $0x0  }
0x16: {  	s3 =	sld [smem:$0x3FDB];
	s0 =	simm.s32 @p2 $0x1  }
0x17: {  	s4 =	simm.s32 $0x1BF5;
	[smem:$0x3FB7] =	sst s0  }
0x18: {  	s0 =	sld [smem:$0x3F9A];
	_ =	swait.ge [sflag:s4], $0x0  }
0x19: {  	s7 =	sld [smem:$0x3F9B]  }
0x1a: {  	s8 =	sadd.s32 $0xFFFFE003, lr  }
0x1b: {  	s9 =	sadd.s32 $0xFFFFFEF7, lr;
	s5 =	simm.s32 $0xFFFFFFFF;
	p2 =	slt.u32 s8, $0xFFFFF086  }
0x1c: {  	p1 =	slt.u32 s9, $0xF7A;
	s5 =	simm.s32 @!p2 $0x0  }
0x1d: {  	s5 =	simm.s32 @p1 $0x1;
	p0 =	seq.s32 s7, s2  }
0x1e: {  	s7 =	smul.u32 @!p0 $0xF7A, s2;
	p2 =	seq.s32 @!p0 s5, $0x0  }
0x1f: {  	s9 =	smul.u32 $0xF7A, s1;
	s8 =	simm.s32 @!p0 $0x1BF5;
	p2 =	por !p2, p0  }
0x20: {  	[sflag:s8] =	ssyncset.s32 @!p0 $0xFFFFF086;
	s6 =	sadd.s32 @!p0 s3, s7;
	s7 =	simm.s32 @!p0 $0x108  }
0x21: {  	s3 =	sadd.s32 s3, s9;
	s6 =	sadd.s32 @!p0 $0x88, s6;
	s7 =	simm.s32 @p2 $0x1082  }
0x22: {  	[simem:s7], [sflag:s8] =	dma.local @!p0 [hbm:s6], $0xF7A  }
0x23: {  	s9 =	sor.u32 $0xD0000000, s2;
	s6 =	simm.s32 $0x108;
	_ =	swait.ge @!p0 [sflag:s8], $0x0  }
0x24: {  	s3 =	sadd.s32 $0x88, s3;
	s6 =	simm.s32 @!p1 $0x1082;
	[sflag:s4] =	ssyncset.s32 $0xFFFFF086  }
0x25: {  	[simem:s6], [sflag:s4] =	dma.local [hbm:s3], $0xF7A  }
0x26: {  	[smem:$0x3F9B] =	sst s1;
	(tag) =	ssettag s2;
	_ =	strace s9  }
0x27: {  	s1 =	sld [smem:$0x3FAB]  }
0x28: {  	s2 =	sld [smem:$0x3FAC]  }
0x29: {  	s4 =	sld [smem:$0x3FAE]  }
0x2a: {  	p0 =	seq.s32 s5, $0x0;
	s5 =	sld [smem:$0x3FAF]  }
0x2b: {  	s6 =	sld [smem:$0x3FB0]  }
0x2c: {  	s7 =	sld [smem:$0x3FB1]  }
0x2d: {  	s3 =	simm.s32 $0x108;
	s8 =	sld [smem:$0x3FB2]  }
0x2e: {  	s3 =	simm.s32 @!p0 $0x1082;
	s9 =	sld [smem:$0x3FB3]  }
0x2f: {  	lr =	sadd.s32 s0, s3;
	s0 =	sld [smem:$0x3FAA]  }
0x30: {  	s3 =	sld [smem:$0x3FAD]  }
0x31: {  	[smem:$0x3FB6] =	sst s10  }
0x32: {  	s10 =	sld [smem:$0x3FB4];
	_ =	sdelay $0x3  }
0x33: {  	p0 =	seq.s32 s10, $0x1;
	s10 =	sld [smem:$0x3FB6];
	_ =	sdelay $0x3  }
0x34: {  	[smem:$0x3FB6] =	sst s10  }
0x35: {  	s10 =	sld [smem:$0x3FB5];
	_ =	sdelay $0x3  }
0x36: {  	p1 =	seq.s32 s10, $0x1;
	s10 =	sld [smem:$0x3FB6];
	_ =	sdelay $0x3  }
0x37: {  	[smem:$0x3FB6] =	sst s10  }
0x38: {  	s10 =	sld [smem:$0x3FB7]  }
0x39: {  	_ = 	snop;
	(pc) =	sbr.ind lr, $3  }
0x3a: {  	_ = 	snop  }
0x3b: {  	_ = 	snop  }
0x3c: {  	p2 =	seq.s32 s10, $0x1;
	s10 =	sld [smem:$0x3FB6]  }
0x3d: {  	_ =	shalt  }
0x3e: {  	_ =	shalt  }
0x3f: {  	_ =	shalt  }
0x40: {  	_ =	shalt  }
0x41: {  	_ =	shalt  }
0x42: {  	_ =	shalt  }
0x43: {  	_ =	shalt  }
0x44: {  	_ =	shalt  }
0x45: {  	_ =	shalt  }
0x46: {  	_ =	shalt  }
0x47: {  	_ =	shalt  }
0x48: {  	_ =	shalt  }
0x49: {  	_ =	shalt  }
0x4a: {  	_ =	shalt  }
0x4b: {  	_ =	shalt  }
0x4c: {  	_ =	shalt  }
0x4d: {  	_ =	shalt  }
0x4e: {  	_ =	shalt  }
0x4f: {  	_ =	shalt  }
0x50: {  	_ =	shalt  }
0x51: {  	_ =	shalt  }
0x52: {  	_ =	shalt  }
0x53: {  	_ =	shalt  }
0x54: {  	_ =	shalt  }
0x55: {  	_ =	shalt  }
0x56: {  	_ =	shalt  }
0x57: {  	_ =	shalt  }
0x58: {  	_ =	shalt  }
0x59: {  	_ =	shalt  }
0x5a: {  	_ =	shalt  }
0x5b: {  	_ =	shalt  }
0x5c: {  	_ =	shalt  }
0x5d: {  	_ =	shalt  }
0x5e: {  	_ =	shalt  }
0x5f: {  	_ =	shalt  }
0x60: {  	_ =	shalt  }
0x61: {  	_ =	shalt  }
0x62: {  	_ =	shalt  }
0x63: {  	_ =	shalt  }
0x64: {  	_ =	shalt  }
0x65: {  	_ =	shalt  }
0x66: {  	_ =	shalt  }
0x67: {  	_ =	shalt  }
0x68: {  	_ =	shalt  }
0x69: {  	_ =	shalt  }
0x6a: {  	_ =	shalt  }
0x6b: {  	_ =	shalt  }
0x6c: {  	_ =	shalt  }
0x6d: {  	_ =	shalt  }
0x6e: {  	_ =	shalt  }
0x6f: {  	_ =	shalt  }
0x70: {  	_ =	shalt  }
0x71: {  	_ =	shalt  }
0x72: {  	_ =	shalt  }
0x73: {  	_ =	shalt  }
0x74: {  	_ =	shalt  }
0x75: {  	_ =	shalt  }
0x76: {  	_ =	shalt  }
0x77: {  	_ =	shalt  }
0x78: {  	_ =	shalt  }
0x79: {  	_ =	shalt  }
0x7a: {  	_ =	shalt  }
0x7b: {  	_ =	shalt  }
0x7c: {  	_ =	shalt  }
0x7d: {  	_ =	shalt  }
0x7e: {  	_ =	shalt  }
0x7f: {  	_ =	shalt  }
0x80: {  	_ =	shalt  }
0x81: {  	_ =	shalt  }
0x82: {  	_ =	shalt  }
0x83: {  	_ =	shalt  }
0x84: {  	_ =	shalt  }
0x85: {  	_ =	shalt  }
0x86: {  	_ =	shalt  }
0x87: {  	_ =	shalt  }
.Lfunc_end0:
.L_simem_size_0:
called_computation.1_lowered:
.L_overlay_start_0:
0x88: {  	s2 =	sld [smem:$0x3FD9]  }
0x89: {  	s3 =	sld [smem:$0x3FFE];
	_ =	sdelay $0x1  }
0x8a: {  	s1 =	srdreg.scid  }
0x8b: {  	s0 =	sand.u32 $0x1, s1  }
0x8c: {  	s17 =	sshll.u32 s0, $0xA;
	s2 =	sadd.s32 s3, s2  }
0x8d: {  	s2 =	sadd.s32 s2, s17  }
0x8e: {  	[smem:$0x3FC2] =	sst s2  }
0x8f: {  	_ = 	snop  }
0x90: {  	s2 =	sld [smem:$0x3FD0];
	(tm) =	ssettm $0x1  }
0x91: {  	s18 =	sld [smem:$0x3FFB];
	_ =	sdelay $0x3  }
0x92: {  	_ =	strace s18  }
0x93: {  	s3 =	sld [smem:$0x3FFC];
	_ =	sdelay $0x3  }
0x94: {  	_ =	strace s3  }
0x95: {  	s3 =	sld [smem:$0x3FFD];
	_ =	sdelay $0x3  }
0x96: {  	_ =	strace s3  }
0x97: {  	_ =	strace $0x8FFFFFFF  }
0x98: {  	s19 =	sld [smem:$0x3FDB];
	_ =	sdelay $0x1  }
0x99: {  	s4 =	simm.s32 $_scs_section_size  }
0x9a: {  	s5 =	simm.s32 $_size__tile_overlayer_lowered;
	s6 =	simm.s32 $_tile_overlayer_lowered  }
0x9b: {  	s22 =	simm.s32 $0x1BFF;
	s21 =	sshll.u32 s6, $0x1;
	s3 =	sadd.s32 s4, s19  }
0x9c: {  	s7 =	simm.s32 $0x0;
	s20 =	sshll.u32 s5, $0x1;
	s5 =	sadd.s32 s21, s3  }
0x9d: {  	[timem:s7], [sflag:s22] =	dma.local [hbm:s5], s20  }
0x9e: {  	_ =	swait.ge [sflag:s22], s20  }
0x9f: {  	s4 =	ssub.s32 $0x0, s20;
	[sflag:s22] =	ssyncset.done $0x0  }
0xa0: {  	[sflag:s22] =	ssyncadd.s32 s4;
	_ =	sdelay $0x1  }
0xa1: {  	s23 =	simm.s32 $0x1B8B  }
0xa2: {  	_ =	swait.ge [sflag:s23], $0x1  }
0xa3: {  	[sflag:s23] =	ssyncset.done $0x0  }
0xa4: {  	s25 =	simm.s32 $0x1B8E;
	s24 =	sld [smem:$0x3FFE];
	[sflag:s23] =	ssyncadd.s32 $0xFFFFFFFF  }
0xa5: {  	s26 =	simm.s32 $execute0_lowered;
	[smem:$0x3FD2] =	sst s25  }
0xa6: {  	s5 =	sshll.u32 s26, $0x1;
	_ =	strace $0x80000049;
	[dreg:$0x1] =	wrdreg $0xFFFFFFFF  }
0xa7: {  	s28 =	simm.s32 $_size_execute0_lowered;
	s3 =	sadd.s32 s3, s5;
	[dreg:$0x0] =	wrdreg $0x0  }
0xa8: {  	s5 =	sshll.u32 s28, $0x1;
	[dreg:$0x2] =	wrdreg s3  }
0xa9: {  	[dreg:$0x3] =	wrdreg s5  }
0xaa: {  	[dreg:$0x4] =	wrdreg $0xC0  }
0xab: {  	_ =	task [dreg:s7], $0x5FFFF  }
0xac: {  	[dreg:$0x1] =	wrdreg $0xFFFFFFFF  }
0xad: {  	[dreg:$0x0] =	wrdreg $0x60  }
0xae: {  	[dreg:$0x2] =	wrdreg s24  }
0xaf: {  	[dreg:$0x3] =	wrdreg s2  }
0xb0: {  	[dreg:$0x4] =	wrdreg $0x0  }
0xb1: {  	[dreg:$0x5] =	wrdreg $0x9  }
0xb2: {  	_ =	task.clear_ibuf [dreg:s7], $0x6FFFF;
	_ =	strace $0x90000049  }
0xb3: {  	s29 =	simm.s32 $0x9;
	_ =	strace $0x8000004B  }
0xb4: {  	_ =	swait.ge [sflag:s29], $0x1  }
0xb5: {  	[sflag:s29] =	ssyncadd.s32 $0xFFFFFFFF  }
0xb6: {  	_ =	strace $0x9000004B  }
0xb7: {  	_ =	sfence  }
0xb8: {  	s30 =	sld [smem:$0x0];
	_ =	sdelay $0x2  }
0xb9: {  	s31 =	sshll.u32 s1, $0xD;
	s1 =	sshrl.u32 s1, $0x2  }
0xba: {  	s3 =	sand.u32 $0x4000, s31;
	s1 =	sadd.s32 s1, s30  }
0xbb: {  	s0 =	sor.u32 s3, s0;
	s1 =	sshll.u32 s1, $0x11  }
0xbc: {  	s0 =	sor.u32 s1, s0  }
0xbd: {  	s0 =	sadd.s32 $0x8F2B, s0  }
0xbe: {  	[sflag:s0] =	ssyncadd.remote.s32 $0x1  }
0xbf: {  	_ =	sfence.sel $0xFFFF  }
0xc0: {  	[dreg:$0x0] =	wrdreg $0xFFFFFFFF;
	(pc) =	sbr.abs _section_cstart, $3  }
0xc1: {  	[dreg:$0x1] =	wrdreg $0xFFFFFFFF  }
0xc2: {  	_ =	task.clear_ibuf [dreg:s7], $0x2FFFF;
	_ =	strace $0x9FFFFFFF  }
0xc3: {  	(tm) =	ssettm $0x7FFFFFFF  }
tec
execute0_lowered:
.L_overlay_start_1:
0x0: {  	(tag) =	ssettag $0x1  }
0x1: {  	s6 =	rddreg [dreg:$0x0]  }
0x2: {  	s0 =	srdreg.scid;
	s1 =	rddreg [dreg:$0x1]  }
0x3: {  	s2 =	simm.s32 $0x2E00;
	s3 =	rddreg [dreg:$0x2];
	s4 =	simm.s32 $0x0  }
0x4: {  	s22 =	simm.s32 $0x18000;
	s23 =	simm.s32 $0x18080;
	s8 =	sand.u32 $0x1, s0  }
0x5: {  	s24 =	simm.s32 $0x80;
	s0 =	stileid.u32;
	s5 =	smul.u32 $0x2E000, s8  }
0x6: {  	s25 =	simm.s32 $0x1;
	s26 =	simm.s32 $0x0;
	s9 =	smul.u32 $0x50000, s0  }
0x7: {  	[smem:$0x7FF] =	sst s4;
	p0 =	seq.s32 s8, $0x0;
	s11 =	smul.u32 $0x14000, s0  }
0x8: {  	s29 =	ssub.s32 $0x2, s8;
	s18 =	smul.u32 $0x140000, s8;
	s2 =	simm.s32 @!p0 $0x2100  }
0x9: {  	s16 =	sadd.s32 $0x8E400, s6;
	s30 =	sshrl.u32 s29, $0x1;
	s7 =	smul.u32 s0, s2  }
0xa: {  	s2 =	rddreg [dreg:$0x3];
	_ =	strace $0x8000004A;
	s17 =	ssub.s32 s29, s30  }
0xb: {  	s31 =	sshrl.u32 s9, $0x2;
	s12 =	sadd.s32 $0x4000, s11;
	s14 =	sadd.s32 $0x8000, s11  }
0xc: {  	s15 =	sadd.s32 $0xC000, s11;
	s20 =	sadd.s32 $0x10000, s11;
	s13 =	sadd.s32 s11, s18  }
0xd: {  	s8 =	sadd.s32 s12, s3;
	s9 =	sadd.s32 s14, s3;
	s10 =	sadd.s32 s15, s3  }
0xe: {  	s12 =	sadd.s32 s18, s12;
	s11 =	sadd.s32 s20, s3;
	s13 =	sshrl.u32 s13, $0x3  }
0xf: {  	s14 =	sadd.s32 s18, s14;
	s15 =	sadd.s32 s18, s15;
	s18 =	sadd.s32 s18, s20  }
0x10: {  	s17 =	smax.u32 s17, $0x1;
	s20 =	simm.s32 $0x14000;
	s7 =	sadd.s32 s5, s7  }
0x11: {  	s5 =	sadd.s32 $0x66400, s6;
	s21 =	sshrl.u32 s12, $0x3;
	s12 =	sadd.s32 s16, s13  }
0x12: {  	s14 =	sshrl.u32 s14, $0x3;
	s15 =	sshrl.u32 s15, $0x3;
	s18 =	sshrl.u32 s18, $0x3  }
0x13: {  	s7 =	sshrl.u32 s7, $0x3;
	s13 =	sadd.s32 s16, s21;
	s14 =	sadd.s32 s16, s14  }
0x14: {  	s15 =	sadd.s32 s16, s15;
	s16 =	sadd.s32 s16, s18;
	s21 =	simm.s32 $0x2  }
0x15: {  	s19 =	sadd.s32 s7, s6;
	s6 =	simm.s32 $0x5C;
	s7 =	sadd.s32 s31, s3  }
0x16: {  	s6 =	simm.s32 @!p0 $0x42;
	s18 =	sadd.s32 $0x2800, s19;
	s19 =	sadd.s32 $0xC600, s19  }
.LBB2_1:
0x17: {  	[tilespmem:s20], [sflag:$0x2] =	stream.linear.gather [hbm4b:s1+s4], $0x4000, $0x38;
	[tilespmem:$0x18100] =	vst v63  }
0x18: {  	_ =	swait.ge [sflag:s21], $0x4000  }
0x19: {  	[sflag:s21] =	ssyncset.done $0x0  }
0x1a: {  	[sflag:s21] =	ssyncadd.s32 $0xFFFFC000  }
0x1b: {  	[spmem:s7] =	stream.linear.scatter [tilespmem:s20], [sflag:$0x2], $0x4000, $0x38;
	[tilespmem:$0x18100] =	vst v63  }
0x1c: {  	_ =	swait.ge [sflag:s21], $0x4000  }
0x1d: {  	[sflag:s21] =	ssyncset.done $0x0  }
0x1e: {  	[sflag:s21] =	ssyncadd.s32 $0xFFFFC000  }
0x1f: {  	[spmem:s8] =	stream.linear.scatter [tilespmem:s20], [sflag:$0x2], $0x4000, $0x38;
	[tilespmem:$0x18100] =	vst v63  }
0x20: {  	_ =	swait.ge [sflag:s21], $0x4000  }
0x21: {  	[sflag:s21] =	ssyncset.done $0x0  }
0x22: {  	[sflag:s21] =	ssyncadd.s32 $0xFFFFC000  }
0x23: {  	[spmem:s9] =	stream.linear.scatter [tilespmem:s20], [sflag:$0x2], $0x4000, $0x38;
	[tilespmem:$0x18100] =	vst v63  }
0x24: {  	_ =	swait.ge [sflag:s21], $0x4000  }
0x25: {  	[sflag:s21] =	ssyncset.done $0x0  }
0x26: {  	[sflag:s21] =	ssyncadd.s32 $0xFFFFC000  }
0x27: {  	[spmem:s10] =	stream.linear.scatter [tilespmem:s20], [sflag:$0x2], $0x4000, $0x38;
	[tilespmem:$0x18100] =	vst v63  }
0x28: {  	_ =	swait.ge [sflag:s21], $0x4000  }
0x29: {  	[sflag:s21] =	ssyncset.done $0x0  }
0x2a: {  	[sflag:s21] =	ssyncadd.s32 $0xFFFFC000  }
0x2b: {  	[spmem:s11] =	stream.linear.scatter [tilespmem:s20], [sflag:$0x2], $0x4000, $0x38;
	[tilespmem:$0x18100] =	vst v63  }
0x2c: {  	_ =	swait.ge [sflag:s21], $0x4000  }
0x2d: {  	[sflag:s21] =	ssyncset.done $0x0  }
0x2e: {  	[sflag:s21] =	ssyncadd.s32 $0xFFFFC000  }
0x2f: {  	[bflag:$0x0] =	sbarrier.arrive $0xFFFF  }
0x30: {  	[tilespmem:s22], [sflag:$0x2] =	stream.linear.gather [hbm4b:s19+s4], $0x80, $0x38;
	[tilespmem:$0x18100] =	vst v63  }
0x31: {  	_ =	swait.ge [sflag:s21], $0x80  }
0x32: {  	[sflag:s21] =	ssyncset.done $0x0  }
0x33: {  	[sflag:s21] =	ssyncadd.s32 $0xFFFFFF80  }
0x34: {  	[tilespmem:s23], [sflag:$0x2] =	stream.linear.gather [hbm4b:s18+s4], $0x80, $0x38;
	[tilespmem:$0x18100] =	vst v63  }
0x35: {  	_ =	swait.ge [sflag:s21], $0x80  }
0x36: {  	[sflag:s21] =	ssyncset.done $0x0  }
0x37: {  	[sflag:s21] =	ssyncadd.s32 $0xFFFFFF80  }
0x38: {  	[tilespmem:s20], [sflag:$0x1] =	stream.indirect.gather [hbm4b:s5+s24], $0x80, s22, s24, $0xb8;
	[tilespmem:$0x18100] =	vst v63  }
0x39: {  	p0 =	sne.s32 s6, $0x1;
	_ =	swait.ge [sflag:s25], $0x4000  }
.Ltmp0:
0x3a: {  	[sflag:s25] =	ssyncset.done $0x0;
	(pc) =	sbr.rel @!p0 .LBB2_3-.Ltmp0, $4  }
0x3b: {  	[sflag:s25] =	ssyncadd.s32 $0xFFFFC000  }
0x3c: {  	[spmem:s3] =	stream.indirect.scatter.add.f32 [tilespmem:s20], [sflag:$0x2], $0x80, s23, s24, $0xb8;
	[tilespmem:$0x18100] =	vst v63  }
0x3d: {  	s28 =	sadd.s32 $0xFFFFFFFF, s6;
	_ =	swait.ge [sflag:s21], $0x4000  }
0x3e: {  	s29 =	smov.u32 s18;
	s30 =	smov.u32 s19;
	[sflag:s21] =	ssyncset.done $0x0  }
.LBB2_2:
0x3f: {  	[sflag:s21] =	ssyncadd.s32 $0xFFFFC000;
	s29 =	sadd.s32 $0x10, s29;
	s30 =	sadd.s32 $0x10, s30  }
0x40: {  	[tilespmem:s22], [sflag:$0x2] =	stream.linear.gather [hbm4b:s30+s4], $0x80, $0x38;
	[tilespmem:$0x18100] =	vst v63  }
0x41: {  	p0 =	sne.s32 s28, $0x1;
	s28 =	sadd.s32 $0xFFFFFFFF, s28;
	_ =	swait.ge [sflag:s21], $0x80  }
0x42: {  	[sflag:s21] =	ssyncset.done $0x0  }
0x43: {  	[sflag:s21] =	ssyncadd.s32 $0xFFFFFF80  }
0x44: {  	[tilespmem:s23], [sflag:$0x2] =	stream.linear.gather [hbm4b:s29+s4], $0x80, $0x38;
	[tilespmem:$0x18100] =	vst v63  }
0x45: {  	_ =	swait.ge [sflag:s21], $0x80  }
0x46: {  	[sflag:s21] =	ssyncset.done $0x0  }
0x47: {  	[sflag:s21] =	ssyncadd.s32 $0xFFFFFF80  }
0x48: {  	[tilespmem:s20], [sflag:$0x1] =	stream.indirect.gather [hbm4b:s5+s24], $0x80, s22, s24, $0xb8;
	[tilespmem:$0x18100] =	vst v63  }
0x49: {  	_ =	swait.ge [sflag:s25], $0x4000  }
.Ltmp1:
0x4a: {  	[sflag:s25] =	ssyncset.done $0x0;
	(pc) =	sbr.rel @p0 .LBB2_2-.Ltmp1, $4  }
0x4b: {  	[sflag:s25] =	ssyncadd.s32 $0xFFFFC000  }
0x4c: {  	[spmem:s3] =	stream.indirect.scatter.add.f32 [tilespmem:s20], [sflag:$0x2], $0x80, s23, s24, $0xb8;
	[tilespmem:$0x18100] =	vst v63  }
0x4d: {  	_ =	swait.ge [sflag:s21], $0x4000  }
0x4e: {  	[sflag:s21] =	ssyncset.done $0x0  }
.LBB2_3:
0x4f: {  	[sflag:s21] =	ssyncadd.s32 $0xFFFFC000  }
0x50: {  	[bflag:$0x0] =	sbarrier.arrive $0xFFFF  }
0x51: {  	[tilespmem:s20], [sflag:$0x2] =	stream.linear.gather [spmem:s7], $0x4000, $0x38;
	[tilespmem:$0x18100] =	vst v63  }
0x52: {  	_ =	swait.ge [sflag:s21], $0x4000  }
0x53: {  	[sflag:s21] =	ssyncset.done $0x0  }
0x54: {  	[sflag:s21] =	ssyncadd.s32 $0xFFFFC000  }
0x55: {  	[hbm4b:s12+s4] =	stream.linear.scatter [tilespmem:s20], [sflag:$0x2], $0x4000, $0x38;
	[tilespmem:$0x18100] =	vst v63  }
0x56: {  	_ =	swait.ge [sflag:s21], $0x4000  }
0x57: {  	[sflag:s21] =	ssyncset.done $0x0  }
0x58: {  	[sflag:s21] =	ssyncadd.s32 $0xFFFFC000  }
0x59: {  	[tilespmem:s20], [sflag:$0x2] =	stream.linear.gather [spmem:s8], $0x4000, $0x38;
	[tilespmem:$0x18100] =	vst v63  }
0x5a: {  	_ =	swait.ge [sflag:s21], $0x4000  }
0x5b: {  	[sflag:s21] =	ssyncset.done $0x0  }
0x5c: {  	[sflag:s21] =	ssyncadd.s32 $0xFFFFC000  }
0x5d: {  	[hbm4b:s13+s4] =	stream.linear.scatter [tilespmem:s20], [sflag:$0x2], $0x4000, $0x38;
	[tilespmem:$0x18100] =	vst v63  }
0x5e: {  	_ =	swait.ge [sflag:s21], $0x4000  }
0x5f: {  	[sflag:s21] =	ssyncset.done $0x0  }
0x60: {  	[sflag:s21] =	ssyncadd.s32 $0xFFFFC000  }
0x61: {  	[tilespmem:s20], [sflag:$0x2] =	stream.linear.gather [spmem:s9], $0x4000, $0x38;
	[tilespmem:$0x18100] =	vst v63  }
0x62: {  	_ =	swait.ge [sflag:s21], $0x4000  }
0x63: {  	[sflag:s21] =	ssyncset.done $0x0  }
0x64: {  	[sflag:s21] =	ssyncadd.s32 $0xFFFFC000  }
0x65: {  	[hbm4b:s14+s4] =	stream.linear.scatter [tilespmem:s20], [sflag:$0x2], $0x4000, $0x38;
	[tilespmem:$0x18100] =	vst v63  }
0x66: {  	_ =	swait.ge [sflag:s21], $0x4000  }
0x67: {  	[sflag:s21] =	ssyncset.done $0x0  }
0x68: {  	[sflag:s21] =	ssyncadd.s32 $0xFFFFC000  }
0x69: {  	[tilespmem:s20], [sflag:$0x2] =	stream.linear.gather [spmem:s10], $0x4000, $0x38;
	[tilespmem:$0x18100] =	vst v63  }
0x6a: {  	_ =	swait.ge [sflag:s21], $0x4000  }
0x6b: {  	[sflag:s21] =	ssyncset.done $0x0  }
0x6c: {  	[sflag:s21] =	ssyncadd.s32 $0xFFFFC000  }
0x6d: {  	[hbm4b:s15+s4] =	stream.linear.scatter [tilespmem:s20], [sflag:$0x2], $0x4000, $0x38;
	[tilespmem:$0x18100] =	vst v63  }
0x6e: {  	_ =	swait.ge [sflag:s21], $0x4000  }
0x6f: {  	[sflag:s21] =	ssyncset.done $0x0  }
0x70: {  	[sflag:s21] =	ssyncadd.s32 $0xFFFFC000  }
0x71: {  	[tilespmem:s20], [sflag:$0x2] =	stream.linear.gather [spmem:s11], $0x4000, $0x38;
	[tilespmem:$0x18100] =	vst v63  }
0x72: {  	s26 =	sadd.s32 $0x1, s26;
	_ =	swait.ge [sflag:s21], $0x4000  }
0x73: {  	p0 =	sne.s32 s26, s17;
	[sflag:s21] =	ssyncset.done $0x0  }
.Ltmp2:
0x74: {  	[sflag:s21] =	ssyncadd.s32 $0xFFFFC000;
	(pc) =	sbr.rel @p0 .LBB2_1-.Ltmp2, $4  }
0x75: {  	[hbm4b:s16+s4] =	stream.linear.scatter [tilespmem:s20], [sflag:$0x2], $0x4000, $0x38;
	[tilespmem:$0x18100] =	vst v63  }
0x76: {  	_ =	swait.ge [sflag:s21], $0x4000  }
0x77: {  	[sflag:s21] =	ssyncset.done $0x0  }
0x78: {  	[sflag:s21] =	ssyncadd.s32 $0xFFFFC000  }
0x79: {  	_ =	sfence.sel $0x180000  }
0x7a: {  	[bflag:$0x0] =	sbarrier.arrive $0xFFFF  }
0x7b: {  	p0 =	sne.s32 s0, $0x0;
	_ =	strace $0x9000004A  }
0x7c: {  	s0 =	sadd.s32 @!p0 $0x100000, s2;
	[bflag:$0x2] =	sbarrier.arrive $0xFFFF  }
0x7d: {  	[sflag:s0] =	ssyncadd.tile.s32 @!p0 $0x1;
	_ =	shalt  }
.Lfunc_end2:
_tile_overlayer_lowered:
.L_overlay_start_2:
0x7e: {  	(tag) =	ssettag $0x2  }
0x7f: {  	s0 =	rddreg [dreg:$0x0];
	s2 =	stileid.u32  }
0x80: {  	s1 =	rddreg [dreg:$0x1];
	p0 =	sne.s32 s2, $0x0  }
0x81: {  	s3 =	rddreg [dreg:$0x2];
	[bflag:$0x3] =	sbarrier.arrive $0xFFFF;
	s2 =	simm.s32 @!p0 $0x1C02  }
0x82: {  	[timem:s3], [sflag:s2] =	dma.local @!p0 [hbm:s0], s1  }
0x83: {  	s0 =	simm.s32 @!p0 $0x2  }
0x84: {  	_ =	swait.ge @!p0 [sflag:s0], s1  }
0x85: {  	s1 =	ssub.s32 @!p0 $0x0, s1;
	[sflag:s0] =	ssyncset.done @!p0 $0x0  }
0x86: {  	[sflag:s0] =	ssyncadd.s32 @!p0 s1  }
0x87: {  	[bflag:$0x3] =	sbarrier.arrive $0xFFFF  }
0x88: {  	_ =	shalt  }

// kernel: kernel.14.cloned.1.call-start
scs
__scs_entry_jumppad:
0x0: {  	(pc) =	sbr.rel $0x88, $3  }
0x1: {  	(tag) =	ssettag $0x0;
	lr =	simm.s32 $0x1  }
0x2: {  	[smem:$0x3F9B] =	sst lr;
	_ =	strace $0xD0000000  }
0x3: {  	_ = 	snop  }
0x4: {  	_ = 	snop  }
0x5: {  	_ = 	snop  }
0x6: {  	_ = 	snop  }
0x7: {  	_ = 	snop  }
__scs_overlays_trampoline_lowered:
0x8: {  	[smem:$0x3FAA] =	sst s0  }
0x9: {  	[smem:$0x3FAB] =	sst s1  }
0xa: {  	[smem:$0x3FAC] =	sst s2  }
0xb: {  	[smem:$0x3FAD] =	sst s3  }
0xc: {  	[smem:$0x3FAE] =	sst s4  }
0xd: {  	[smem:$0x3FAF] =	sst s5  }
0xe: {  	[smem:$0x3FB0] =	sst s6  }
0xf: {  	[smem:$0x3FB1] =	sst s7  }
0x10: {  	[smem:$0x3FB2] =	sst s8  }
0x11: {  	[smem:$0x3FB3] =	sst s9;
	s0 =	simm.s32 @!p0 $0x0  }
0x12: {  	s1 =	sld [smem:$0x3F99];
	s0 =	simm.s32 @p0 $0x1  }
0x13: {  	[smem:$0x3FB4] =	sst s0;
	s0 =	simm.s32 @!p1 $0x0  }
0x14: {  	s2 =	sld [smem:$0x3F98];
	s0 =	simm.s32 @p1 $0x1  }
0x15: {  	[smem:$0x3FB5] =	sst s0;
	s0 =	simm.s32 @!p2 $0x0  }
0x16: {  	s3 =	sld [smem:$0x3FDB];
	s0 =	simm.s32 @p2 $0x1  }
0x17: {  	s4 =	simm.s32 $0x1BF5;
	[smem:$0x3FB7] =	sst s0  }
0x18: {  	s0 =	sld [smem:$0x3F9A];
	_ =	swait.ge [sflag:s4], $0x0  }
0x19: {  	s7 =	sld [smem:$0x3F9B]  }
0x1a: {  	s8 =	sadd.s32 $0xFFFFE003, lr  }
0x1b: {  	s9 =	sadd.s32 $0xFFFFFEF7, lr;
	s5 =	simm.s32 $0xFFFFFFFF;
	p2 =	slt.u32 s8, $0xFFFFF086  }
0x1c: {  	p1 =	slt.u32 s9, $0xF7A;
	s5 =	simm.s32 @!p2 $0x0  }
0x1d: {  	s5 =	simm.s32 @p1 $0x1;
	p0 =	seq.s32 s7, s2  }
0x1e: {  	s7 =	smul.u32 @!p0 $0xF7A, s2;
	p2 =	seq.s32 @!p0 s5, $0x0  }
0x1f: {  	s9 =	smul.u32 $0xF7A, s1;
	s8 =	simm.s32 @!p0 $0x1BF5;
	p2 =	por !p2, p0  }
0x20: {  	[sflag:s8] =	ssyncset.s32 @!p0 $0xFFFFF086;
	s6 =	sadd.s32 @!p0 s3, s7;
	s7 =	simm.s32 @!p0 $0x108  }
0x21: {  	s3 =	sadd.s32 s3, s9;
	s6 =	sadd.s32 @!p0 $0x88, s6;
	s7 =	simm.s32 @p2 $0x1082  }
0x22: {  	[simem:s7], [sflag:s8] =	dma.local @!p0 [hbm:s6], $0xF7A  }
0x23: {  	s9 =	sor.u32 $0xD0000000, s2;
	s6 =	simm.s32 $0x108;
	_ =	swait.ge @!p0 [sflag:s8], $0x0  }
0x24: {  	s3 =	sadd.s32 $0x88, s3;
	s6 =	simm.s32 @!p1 $0x1082;
	[sflag:s4] =	ssyncset.s32 $0xFFFFF086  }
0x25: {  	[simem:s6], [sflag:s4] =	dma.local [hbm:s3], $0xF7A  }
0x26: {  	[smem:$0x3F9B] =	sst s1;
	(tag) =	ssettag s2;
	_ =	strace s9  }
0x27: {  	s1 =	sld [smem:$0x3FAB]  }
0x28: {  	s2 =	sld [smem:$0x3FAC]  }
0x29: {  	s4 =	sld [smem:$0x3FAE]  }
0x2a: {  	p0 =	seq.s32 s5, $0x0;
	s5 =	sld [smem:$0x3FAF]  }
0x2b: {  	s6 =	sld [smem:$0x3FB0]  }
0x2c: {  	s7 =	sld [smem:$0x3FB1]  }
0x2d: {  	s3 =	simm.s32 $0x108;
	s8 =	sld [smem:$0x3FB2]  }
0x2e: {  	s3 =	simm.s32 @!p0 $0x1082;
	s9 =	sld [smem:$0x3FB3]  }
0x2f: {  	lr =	sadd.s32 s0, s3;
	s0 =	sld [smem:$0x3FAA]  }
0x30: {  	s3 =	sld [smem:$0x3FAD]  }
0x31: {  	[smem:$0x3FB6] =	sst s10  }
0x32: {  	s10 =	sld [smem:$0x3FB4];
	_ =	sdelay $0x3  }
0x33: {  	p0 =	seq.s32 s10, $0x1;
	s10 =	sld [smem:$0x3FB6];
	_ =	sdelay $0x3  }
0x34: {  	[smem:$0x3FB6] =	sst s10  }
0x35: {  	s10 =	sld [smem:$0x3FB5];
	_ =	sdelay $0x3  }
0x36: {  	p1 =	seq.s32 s10, $0x1;
	s10 =	sld [smem:$0x3FB6];
	_ =	sdelay $0x3  }
0x37: {  	[smem:$0x3FB6] =	sst s10  }
0x38: {  	s10 =	sld [smem:$0x3FB7]  }
0x39: {  	_ = 	snop;
	(pc) =	sbr.ind lr, $3  }
0x3a: {  	_ = 	snop  }
0x3b: {  	_ = 	snop  }
0x3c: {  	p2 =	seq.s32 s10, $0x1;
	s10 =	sld [smem:$0x3FB6]  }
0x3d: {  	_ =	shalt  }
0x3e: {  	_ =	shalt  }
0x3f: {  	_ =	shalt  }
0x40: {  	_ =	shalt  }
0x41: {  	_ =	shalt  }
0x42: {  	_ =	shalt  }
0x43: {  	_ =	shalt  }
0x44: {  	_ =	shalt  }
0x45: {  	_ =	shalt  }
0x46: {  	_ =	shalt  }
0x47: {  	_ =	shalt  }
0x48: {  	_ =	shalt  }
0x49: {  	_ =	shalt  }
0x4a: {  	_ =	shalt  }
0x4b: {  	_ =	shalt  }
0x4c: {  	_ =	shalt  }
0x4d: {  	_ =	shalt  }
0x4e: {  	_ =	shalt  }
0x4f: {  	_ =	shalt  }
0x50: {  	_ =	shalt  }
0x51: {  	_ =	shalt  }
0x52: {  	_ =	shalt  }
0x53: {  	_ =	shalt  }
0x54: {  	_ =	shalt  }
0x55: {  	_ =	shalt  }
0x56: {  	_ =	shalt  }
0x57: {  	_ =	shalt  }
0x58: {  	_ =	shalt  }
0x59: {  	_ =	shalt  }
0x5a: {  	_ =	shalt  }
0x5b: {  	_ =	shalt  }
0x5c: {  	_ =	shalt  }
0x5d: {  	_ =	shalt  }
0x5e: {  	_ =	shalt  }
0x5f: {  	_ =	shalt  }
0x60: {  	_ =	shalt  }
0x61: {  	_ =	shalt  }
0x62: {  	_ =	shalt  }
0x63: {  	_ =	shalt  }
0x64: {  	_ =	shalt  }
0x65: {  	_ =	shalt  }
0x66: {  	_ =	shalt  }
0x67: {  	_ =	shalt  }
0x68: {  	_ =	shalt  }
0x69: {  	_ =	shalt  }
0x6a: {  	_ =	shalt  }
0x6b: {  	_ =	shalt  }
0x6c: {  	_ =	shalt  }
0x6d: {  	_ =	shalt  }
0x6e: {  	_ =	shalt  }
0x6f: {  	_ =	shalt  }
0x70: {  	_ =	shalt  }
0x71: {  	_ =	shalt  }
0x72: {  	_ =	shalt  }
0x73: {  	_ =	shalt  }
0x74: {  	_ =	shalt  }
0x75: {  	_ =	shalt  }
0x76: {  	_ =	shalt  }
0x77: {  	_ =	shalt  }
0x78: {  	_ =	shalt  }
0x79: {  	_ =	shalt  }
0x7a: {  	_ =	shalt  }
0x7b: {  	_ =	shalt  }
0x7c: {  	_ =	shalt  }
0x7d: {  	_ =	shalt  }
0x7e: {  	_ =	shalt  }
0x7f: {  	_ =	shalt  }
0x80: {  	_ =	shalt  }
0x81: {  	_ =	shalt  }
0x82: {  	_ =	shalt  }
0x83: {  	_ =	shalt  }
0x84: {  	_ =	shalt  }
0x85: {  	_ =	shalt  }
0x86: {  	_ =	shalt  }
0x87: {  	_ =	shalt  }
.Lfunc_end0:
.L_simem_size_0:
called_computation.2_lowered:
.L_overlay_start_0:
0x88: {  	s2 =	sld [smem:$0x3FD9]  }
0x89: {  	s3 =	sld [smem:$0x3FFE];
	_ =	sdelay $0x1  }
0x8a: {  	s1 =	srdreg.scid  }
0x8b: {  	s0 =	sand.u32 $0x1, s1  }
0x8c: {  	s17 =	sshll.u32 s0, $0xA;
	s2 =	sadd.s32 s3, s2  }
0x8d: {  	s2 =	sadd.s32 s2, s17  }
0x8e: {  	[smem:$0x3FC2] =	sst s2  }
0x8f: {  	_ = 	snop  }
0x90: {  	s2 =	sld [smem:$0x3FD0];
	(tm) =	ssettm $0x1  }
0x91: {  	s18 =	sld [smem:$0x3FFB];
	_ =	sdelay $0x3  }
0x92: {  	_ =	strace s18  }
0x93: {  	s3 =	sld [smem:$0x3FFC];
	_ =	sdelay $0x3  }
0x94: {  	_ =	strace s3  }
0x95: {  	s3 =	sld [smem:$0x3FFD];
	_ =	sdelay $0x3  }
0x96: {  	_ =	strace s3  }
0x97: {  	_ =	strace $0x8FFFFFFF  }
0x98: {  	s19 =	sld [smem:$0x3FDB];
	_ =	sdelay $0x1  }
0x99: {  	s4 =	simm.s32 $_scs_section_size  }
0x9a: {  	s5 =	simm.s32 $_size__tile_overlayer_lowered;
	s6 =	simm.s32 $_tile_overlayer_lowered  }
0x9b: {  	s22 =	simm.s32 $0x1BFF;
	s21 =	sshll.u32 s6, $0x1;
	s3 =	sadd.s32 s4, s19  }
0x9c: {  	s7 =	simm.s32 $0x0;
	s20 =	sshll.u32 s5, $0x1;
	s5 =	sadd.s32 s21, s3  }
0x9d: {  	[timem:s7], [sflag:s22] =	dma.local [hbm:s5], s20  }
0x9e: {  	_ =	swait.ge [sflag:s22], s20  }
0x9f: {  	s4 =	ssub.s32 $0x0, s20;
	[sflag:s22] =	ssyncset.done $0x0  }
0xa0: {  	[sflag:s22] =	ssyncadd.s32 s4;
	_ =	sdelay $0x1  }
0xa1: {  	s23 =	simm.s32 $0x1B8B  }
0xa2: {  	_ =	swait.ge [sflag:s23], $0x1  }
0xa3: {  	[sflag:s23] =	ssyncset.done $0x0  }
0xa4: {  	s25 =	simm.s32 $0x1B8E;
	s24 =	sld [smem:$0x3FFE];
	[sflag:s23] =	ssyncadd.s32 $0xFFFFFFFF  }
0xa5: {  	s26 =	simm.s32 $execute0_lowered;
	[smem:$0x3FD2] =	sst s25  }
0xa6: {  	s5 =	sshll.u32 s26, $0x1;
	_ =	strace $0x8000004C;
	[dreg:$0x1] =	wrdreg $0xFFFFFFFF  }
0xa7: {  	s28 =	simm.s32 $_size_execute0_lowered;
	s3 =	sadd.s32 s3, s5;
	[dreg:$0x0] =	wrdreg $0x0  }
0xa8: {  	s5 =	sshll.u32 s28, $0x1;
	[dreg:$0x2] =	wrdreg s3  }
0xa9: {  	[dreg:$0x3] =	wrdreg s5  }
0xaa: {  	[dreg:$0x4] =	wrdreg $0xC0  }
0xab: {  	_ =	task [dreg:s7], $0x5FFFF  }
0xac: {  	[dreg:$0x1] =	wrdreg $0xFFFFFFFF  }
0xad: {  	[dreg:$0x0] =	wrdreg $0x60  }
0xae: {  	[dreg:$0x2] =	wrdreg s24  }
0xaf: {  	[dreg:$0x3] =	wrdreg s2  }
0xb0: {  	[dreg:$0x4] =	wrdreg $0x0  }
0xb1: {  	[dreg:$0x5] =	wrdreg $0x9  }
0xb2: {  	_ =	task.clear_ibuf [dreg:s7], $0x6FFFF;
	_ =	strace $0x9000004C  }
0xb3: {  	s29 =	simm.s32 $0x9;
	_ =	strace $0x8000004E  }
0xb4: {  	_ =	swait.ge [sflag:s29], $0x1  }
0xb5: {  	[sflag:s29] =	ssyncadd.s32 $0xFFFFFFFF  }
0xb6: {  	_ =	strace $0x9000004E  }
0xb7: {  	_ =	sfence  }
0xb8: {  	s30 =	sld [smem:$0x0];
	_ =	sdelay $0x2  }
0xb9: {  	s31 =	sshll.u32 s1, $0xD;
	s1 =	sshrl.u32 s1, $0x2  }
0xba: {  	s3 =	sand.u32 $0x4000, s31;
	s1 =	sadd.s32 s1, s30  }
0xbb: {  	s0 =	sor.u32 s3, s0;
	s1 =	sshll.u32 s1, $0x11  }
0xbc: {  	s0 =	sor.u32 s1, s0  }
0xbd: {  	s0 =	sadd.s32 $0x8F2B, s0  }
0xbe: {  	[sflag:s0] =	ssyncadd.remote.s32 $0x1  }
0xbf: {  	_ =	sfence.sel $0xFFFF  }
0xc0: {  	[dreg:$0x0] =	wrdreg $0xFFFFFFFF;
	(pc) =	sbr.abs _section_cstart, $3  }
0xc1: {  	[dreg:$0x1] =	wrdreg $0xFFFFFFFF  }
0xc2: {  	_ =	task.clear_ibuf [dreg:s7], $0x2FFFF;
	_ =	strace $0x9FFFFFFF  }
0xc3: {  	(tm) =	ssettm $0x7FFFFFFF  }
tec
execute0_lowered:
.L_overlay_start_1:
0x0: {  	(tag) =	ssettag $0x1  }
0x1: {  	s6 =	rddreg [dreg:$0x0]  }
0x2: {  	s0 =	srdreg.scid;
	s1 =	rddreg [dreg:$0x1]  }
0x3: {  	s2 =	simm.s32 $0x2E00;
	s3 =	rddreg [dreg:$0x2];
	s4 =	simm.s32 $0x0  }
0x4: {  	s22 =	simm.s32 $0x18000;
	s23 =	simm.s32 $0x18080;
	s8 =	sand.u32 $0x1, s0  }
0x5: {  	s24 =	simm.s32 $0x80;
	s0 =	stileid.u32;
	s5 =	smul.u32 $0x2E000, s8  }
0x6: {  	s25 =	simm.s32 $0x1;
	s26 =	simm.s32 $0x0;
	s9 =	smul.u32 $0x50000, s0  }
0x7: {  	[smem:$0x7FF] =	sst s4;
	p0 =	seq.s32 s8, $0x0;
	s11 =	smul.u32 $0x14000, s0  }
0x8: {  	s29 =	ssub.s32 $0x2, s8;
	s18 =	smul.u32 $0x140000, s8;
	s2 =	simm.s32 @!p0 $0x2100  }
0x9: {  	s16 =	sadd.s32 $0x8E400, s6;
	s30 =	sshrl.u32 s29, $0x1;
	s7 =	smul.u32 s0, s2  }
0xa: {  	s2 =	rddreg [dreg:$0x3];
	_ =	strace $0x8000004D;
	s17 =	ssub.s32 s29, s30  }
0xb: {  	s31 =	sshrl.u32 s9, $0x2;
	s12 =	sadd.s32 $0x4000, s11;
	s14 =	sadd.s32 $0x8000, s11  }
0xc: {  	s15 =	sadd.s32 $0xC000, s11;
	s20 =	sadd.s32 $0x10000, s11;
	s13 =	sadd.s32 s11, s18  }
0xd: {  	s8 =	sadd.s32 s12, s3;
	s9 =	sadd.s32 s14, s3;
	s10 =	sadd.s32 s15, s3  }
0xe: {  	s12 =	sadd.s32 s18, s12;
	s11 =	sadd.s32 s20, s3;
	s13 =	sshrl.u32 s13, $0x3  }
0xf: {  	s14 =	sadd.s32 s18, s14;
	s15 =	sadd.s32 s18, s15;
	s18 =	sadd.s32 s18, s20  }
0x10: {  	s17 =	smax.u32 s17, $0x1;
	s20 =	simm.s32 $0x14000;
	s7 =	sadd.s32 s5, s7  }
0x11: {  	s5 =	sadd.s32 $0x66400, s6;
	s21 =	sshrl.u32 s12, $0x3;
	s12 =	sadd.s32 s16, s13  }
0x12: {  	s14 =	sshrl.u32 s14, $0x3;
	s15 =	sshrl.u32 s15, $0x3;
	s18 =	sshrl.u32 s18, $0x3  }
0x13: {  	s7 =	sshrl.u32 s7, $0x3;
	s13 =	sadd.s32 s16, s21;
	s14 =	sadd.s32 s16, s14  }
0x14: {  	s15 =	sadd.s32 s16, s15;
	s16 =	sadd.s32 s16, s18;
	s21 =	simm.s32 $0x2  }
0x15: {  	s19 =	sadd.s32 s7, s6;
	s6 =	simm.s32 $0x5C;
	s7 =	sadd.s32 s31, s3  }
0x16: {  	s6 =	simm.s32 @!p0 $0x42;
	s18 =	sadd.s32 $0x2800, s19;
	s19 =	sadd.s32 $0xC600, s19  }
.LBB2_1:
0x17: {  	[tilespmem:s20], [sflag:$0x2] =	stream.linear.gather [hbm4b:s1+s4], $0x4000, $0x38;
	[tilespmem:$0x18100] =	vst v63  }
0x18: {  	_ =	swait.ge [sflag:s21], $0x4000  }
0x19: {  	[sflag:s21] =	ssyncset.done $0x0  }
0x1a: {  	[sflag:s21] =	ssyncadd.s32 $0xFFFFC000  }
0x1b: {  	[spmem:s7] =	stream.linear.scatter [tilespmem:s20], [sflag:$0x2], $0x4000, $0x38;
	[tilespmem:$0x18100] =	vst v63  }
0x1c: {  	_ =	swait.ge [sflag:s21], $0x4000  }
0x1d: {  	[sflag:s21] =	ssyncset.done $0x0  }
0x1e: {  	[sflag:s21] =	ssyncadd.s32 $0xFFFFC000  }
0x1f: {  	[spmem:s8] =	stream.linear.scatter [tilespmem:s20], [sflag:$0x2], $0x4000, $0x38;
	[tilespmem:$0x18100] =	vst v63  }
0x20: {  	_ =	swait.ge [sflag:s21], $0x4000  }
0x21: {  	[sflag:s21] =	ssyncset.done $0x0  }
0x22: {  	[sflag:s21] =	ssyncadd.s32 $0xFFFFC000  }
0x23: {  	[spmem:s9] =	stream.linear.scatter [tilespmem:s20], [sflag:$0x2], $0x4000, $0x38;
	[tilespmem:$0x18100] =	vst v63  }
0x24: {  	_ =	swait.ge [sflag:s21], $0x4000  }
0x25: {  	[sflag:s21] =	ssyncset.done $0x0  }
0x26: {  	[sflag:s21] =	ssyncadd.s32 $0xFFFFC000  }
0x27: {  	[spmem:s10] =	stream.linear.scatter [tilespmem:s20], [sflag:$0x2], $0x4000, $0x38;
	[tilespmem:$0x18100] =	vst v63  }
0x28: {  	_ =	swait.ge [sflag:s21], $0x4000  }
0x29: {  	[sflag:s21] =	ssyncset.done $0x0  }
0x2a: {  	[sflag:s21] =	ssyncadd.s32 $0xFFFFC000  }
0x2b: {  	[spmem:s11] =	stream.linear.scatter [tilespmem:s20], [sflag:$0x2], $0x4000, $0x38;
	[tilespmem:$0x18100] =	vst v63  }
0x2c: {  	_ =	swait.ge [sflag:s21], $0x4000  }
0x2d: {  	[sflag:s21] =	ssyncset.done $0x0  }
0x2e: {  	[sflag:s21] =	ssyncadd.s32 $0xFFFFC000  }
0x2f: {  	[bflag:$0x0] =	sbarrier.arrive $0xFFFF  }
0x30: {  	[tilespmem:s22], [sflag:$0x2] =	stream.linear.gather [hbm4b:s19+s4], $0x80, $0x38;
	[tilespmem:$0x18100] =	vst v63  }
0x31: {  	_ =	swait.ge [sflag:s21], $0x80  }
0x32: {  	[sflag:s21] =	ssyncset.done $0x0  }
0x33: {  	[sflag:s21] =	ssyncadd.s32 $0xFFFFFF80  }
0x34: {  	[tilespmem:s23], [sflag:$0x2] =	stream.linear.gather [hbm4b:s18+s4], $0x80, $0x38;
	[tilespmem:$0x18100] =	vst v63  }
0x35: {  	_ =	swait.ge [sflag:s21], $0x80  }
0x36: {  	[sflag:s21] =	ssyncset.done $0x0  }
0x37: {  	[sflag:s21] =	ssyncadd.s32 $0xFFFFFF80  }
0x38: {  	[tilespmem:s20], [sflag:$0x1] =	stream.indirect.gather [hbm4b:s5+s24], $0x80, s22, s24, $0xb8;
	[tilespmem:$0x18100] =	vst v63  }
0x39: {  	p0 =	sne.s32 s6, $0x1;
	_ =	swait.ge [sflag:s25], $0x4000  }
.Ltmp0:
0x3a: {  	[sflag:s25] =	ssyncset.done $0x0;
	(pc) =	sbr.rel @!p0 .LBB2_3-.Ltmp0, $4  }
0x3b: {  	[sflag:s25] =	ssyncadd.s32 $0xFFFFC000  }
0x3c: {  	[spmem:s3] =	stream.indirect.scatter.add.f32 [tilespmem:s20], [sflag:$0x2], $0x80, s23, s24, $0xb8;
	[tilespmem:$0x18100] =	vst v63  }
0x3d: {  	s28 =	sadd.s32 $0xFFFFFFFF, s6;
	_ =	swait.ge [sflag:s21], $0x4000  }
0x3e: {  	s29 =	smov.u32 s18;
	s30 =	smov.u32 s19;
	[sflag:s21] =	ssyncset.done $0x0  }
.LBB2_2:
0x3f: {  	[sflag:s21] =	ssyncadd.s32 $0xFFFFC000;
	s29 =	sadd.s32 $0x10, s29;
	s30 =	sadd.s32 $0x10, s30  }
0x40: {  	[tilespmem:s22], [sflag:$0x2] =	stream.linear.gather [hbm4b:s30+s4], $0x80, $0x38;
	[tilespmem:$0x18100] =	vst v63  }
0x41: {  	p0 =	sne.s32 s28, $0x1;
	s28 =	sadd.s32 $0xFFFFFFFF, s28;
	_ =	swait.ge [sflag:s21], $0x80  }
0x42: {  	[sflag:s21] =	ssyncset.done $0x0  }
0x43: {  	[sflag:s21] =	ssyncadd.s32 $0xFFFFFF80  }
0x44: {  	[tilespmem:s23], [sflag:$0x2] =	stream.linear.gather [hbm4b:s29+s4], $0x80, $0x38;
	[tilespmem:$0x18100] =	vst v63  }
0x45: {  	_ =	swait.ge [sflag:s21], $0x80  }
0x46: {  	[sflag:s21] =	ssyncset.done $0x0  }
0x47: {  	[sflag:s21] =	ssyncadd.s32 $0xFFFFFF80  }
0x48: {  	[tilespmem:s20], [sflag:$0x1] =	stream.indirect.gather [hbm4b:s5+s24], $0x80, s22, s24, $0xb8;
	[tilespmem:$0x18100] =	vst v63  }
0x49: {  	_ =	swait.ge [sflag:s25], $0x4000  }
.Ltmp1:
0x4a: {  	[sflag:s25] =	ssyncset.done $0x0;
	(pc) =	sbr.rel @p0 .LBB2_2-.Ltmp1, $4  }
0x4b: {  	[sflag:s25] =	ssyncadd.s32 $0xFFFFC000  }
0x4c: {  	[spmem:s3] =	stream.indirect.scatter.add.f32 [tilespmem:s20], [sflag:$0x2], $0x80, s23, s24, $0xb8;
	[tilespmem:$0x18100] =	vst v63  }
0x4d: {  	_ =	swait.ge [sflag:s21], $0x4000  }
0x4e: {  	[sflag:s21] =	ssyncset.done $0x0  }
.LBB2_3:
0x4f: {  	[sflag:s21] =	ssyncadd.s32 $0xFFFFC000  }
0x50: {  	[bflag:$0x0] =	sbarrier.arrive $0xFFFF  }
0x51: {  	[tilespmem:s20], [sflag:$0x2] =	stream.linear.gather [spmem:s7], $0x4000, $0x38;
	[tilespmem:$0x18100] =	vst v63  }
0x52: {  	_ =	swait.ge [sflag:s21], $0x4000  }
0x53: {  	[sflag:s21] =	ssyncset.done $0x0  }
0x54: {  	[sflag:s21] =	ssyncadd.s32 $0xFFFFC000  }
0x55: {  	[hbm4b:s12+s4] =	stream.linear.scatter [tilespmem:s20], [sflag:$0x2], $0x4000, $0x38;
	[tilespmem:$0x18100] =	vst v63  }
0x56: {  	_ =	swait.ge [sflag:s21], $0x4000  }
0x57: {  	[sflag:s21] =	ssyncset.done $0x0  }
0x58: {  	[sflag:s21] =	ssyncadd.s32 $0xFFFFC000  }
0x59: {  	[tilespmem:s20], [sflag:$0x2] =	stream.linear.gather [spmem:s8], $0x4000, $0x38;
	[tilespmem:$0x18100] =	vst v63  }
0x5a: {  	_ =	swait.ge [sflag:s21], $0x4000  }
0x5b: {  	[sflag:s21] =	ssyncset.done $0x0  }
0x5c: {  	[sflag:s21] =	ssyncadd.s32 $0xFFFFC000  }
0x5d: {  	[hbm4b:s13+s4] =	stream.linear.scatter [tilespmem:s20], [sflag:$0x2], $0x4000, $0x38;
	[tilespmem:$0x18100] =	vst v63  }
0x5e: {  	_ =	swait.ge [sflag:s21], $0x4000  }
0x5f: {  	[sflag:s21] =	ssyncset.done $0x0  }
0x60: {  	[sflag:s21] =	ssyncadd.s32 $0xFFFFC000  }
0x61: {  	[tilespmem:s20], [sflag:$0x2] =	stream.linear.gather [spmem:s9], $0x4000, $0x38;
	[tilespmem:$0x18100] =	vst v63  }
0x62: {  	_ =	swait.ge [sflag:s21], $0x4000  }
0x63: {  	[sflag:s21] =	ssyncset.done $0x0  }
0x64: {  	[sflag:s21] =	ssyncadd.s32 $0xFFFFC000  }
0x65: {  	[hbm4b:s14+s4] =	stream.linear.scatter [tilespmem:s20], [sflag:$0x2], $0x4000, $0x38;
	[tilespmem:$0x18100] =	vst v63  }
0x66: {  	_ =	swait.ge [sflag:s21], $0x4000  }
0x67: {  	[sflag:s21] =	ssyncset.done $0x0  }
0x68: {  	[sflag:s21] =	ssyncadd.s32 $0xFFFFC000  }
0x69: {  	[tilespmem:s20], [sflag:$0x2] =	stream.linear.gather [spmem:s10], $0x4000, $0x38;
	[tilespmem:$0x18100] =	vst v63  }
0x6a: {  	_ =	swait.ge [sflag:s21], $0x4000  }
0x6b: {  	[sflag:s21] =	ssyncset.done $0x0  }
0x6c: {  	[sflag:s21] =	ssyncadd.s32 $0xFFFFC000  }
0x6d: {  	[hbm4b:s15+s4] =	stream.linear.scatter [tilespmem:s20], [sflag:$0x2], $0x4000, $0x38;
	[tilespmem:$0x18100] =	vst v63  }
0x6e: {  	_ =	swait.ge [sflag:s21], $0x4000  }
0x6f: {  	[sflag:s21] =	ssyncset.done $0x0  }
0x70: {  	[sflag:s21] =	ssyncadd.s32 $0xFFFFC000  }
0x71: {  	[tilespmem:s20], [sflag:$0x2] =	stream.linear.gather [spmem:s11], $0x4000, $0x38;
	[tilespmem:$0x18100] =	vst v63  }
0x72: {  	s26 =	sadd.s32 $0x1, s26;
	_ =	swait.ge [sflag:s21], $0x4000  }
0x73: {  	p0 =	sne.s32 s26, s17;
	[sflag:s21] =	ssyncset.done $0x0  }
.Ltmp2:
0x74: {  	[sflag:s21] =	ssyncadd.s32 $0xFFFFC000;
	(pc) =	sbr.rel @p0 .LBB2_1-.Ltmp2, $4  }
0x75: {  	[hbm4b:s16+s4] =	stream.linear.scatter [tilespmem:s20], [sflag:$0x2], $0x4000, $0x38;
	[tilespmem:$0x18100] =	vst v63  }
0x76: {  	_ =	swait.ge [sflag:s21], $0x4000  }
0x77: {  	[sflag:s21] =	ssyncset.done $0x0  }
0x78: {  	[sflag:s21] =	ssyncadd.s32 $0xFFFFC000  }
0x79: {  	_ =	sfence.sel $0x180000  }
0x7a: {  	[bflag:$0x0] =	sbarrier.arrive $0xFFFF  }
0x7b: {  	p0 =	sne.s32 s0, $0x0;
	_ =	strace $0x9000004D  }
0x7c: {  	s0 =	sadd.s32 @!p0 $0x100000, s2;
	[bflag:$0x2] =	sbarrier.arrive $0xFFFF  }
0x7d: {  	[sflag:s0] =	ssyncadd.tile.s32 @!p0 $0x1;
	_ =	shalt  }
.Lfunc_end2:
_tile_overlayer_lowered:
.L_overlay_start_2:
0x7e: {  	(tag) =	ssettag $0x2  }
0x7f: {  	s0 =	rddreg [dreg:$0x0];
	s2 =	stileid.u32  }
0x80: {  	s1 =	rddreg [dreg:$0x1];
	p0 =	sne.s32 s2, $0x0  }
0x81: {  	s3 =	rddreg [dreg:$0x2];
	[bflag:$0x3] =	sbarrier.arrive $0xFFFF;
	s2 =	simm.s32 @!p0 $0x1C02  }
0x82: {  	[timem:s3], [sflag:s2] =	dma.local @!p0 [hbm:s0], s1  }
0x83: {  	s0 =	simm.s32 @!p0 $0x2  }
0x84: {  	_ =	swait.ge @!p0 [sflag:s0], s1  }
0x85: {  	s1 =	ssub.s32 @!p0 $0x0, s1;
	[sflag:s0] =	ssyncset.done @!p0 $0x0  }
0x86: {  	[sflag:s0] =	ssyncadd.s32 @!p0 s1  }
0x87: {  	[bflag:$0x3] =	sbarrier.arrive $0xFFFF  }
0x88: {  	_ =	shalt  }

// kernel: kernel.8.cloned.1.call-start
scs
__scs_entry_jumppad:
0x0: {  	(pc) =	sbr.rel $0x88, $3  }
0x1: {  	(tag) =	ssettag $0x0;
	lr =	simm.s32 $0x1  }
0x2: {  	[smem:$0x3F9B] =	sst lr;
	_ =	strace $0xD0000000  }
0x3: {  	_ = 	snop  }
0x4: {  	_ = 	snop  }
0x5: {  	_ = 	snop  }
0x6: {  	_ = 	snop  }
0x7: {  	_ = 	snop  }
__scs_overlays_trampoline_lowered:
0x8: {  	[smem:$0x3FAA] =	sst s0  }
0x9: {  	[smem:$0x3FAB] =	sst s1  }
0xa: {  	[smem:$0x3FAC] =	sst s2  }
0xb: {  	[smem:$0x3FAD] =	sst s3  }
0xc: {  	[smem:$0x3FAE] =	sst s4  }
0xd: {  	[smem:$0x3FAF] =	sst s5  }
0xe: {  	[smem:$0x3FB0] =	sst s6  }
0xf: {  	[smem:$0x3FB1] =	sst s7  }
0x10: {  	[smem:$0x3FB2] =	sst s8  }
0x11: {  	[smem:$0x3FB3] =	sst s9;
	s0 =	simm.s32 @!p0 $0x0  }
0x12: {  	s1 =	sld [smem:$0x3F99];
	s0 =	simm.s32 @p0 $0x1  }
0x13: {  	[smem:$0x3FB4] =	sst s0;
	s0 =	simm.s32 @!p1 $0x0  }
0x14: {  	s2 =	sld [smem:$0x3F98];
	s0 =	simm.s32 @p1 $0x1  }
0x15: {  	[smem:$0x3FB5] =	sst s0;
	s0 =	simm.s32 @!p2 $0x0  }
0x16: {  	s3 =	sld [smem:$0x3FDB];
	s0 =	simm.s32 @p2 $0x1  }
0x17: {  	s4 =	simm.s32 $0x1BF5;
	[smem:$0x3FB7] =	sst s0  }
0x18: {  	s0 =	sld [smem:$0x3F9A];
	_ =	swait.ge [sflag:s4], $0x0  }
0x19: {  	s7 =	sld [smem:$0x3F9B]  }
0x1a: {  	s8 =	sadd.s32 $0xFFFFE003, lr  }
0x1b: {  	s9 =	sadd.s32 $0xFFFFFEF7, lr;
	s5 =	simm.s32 $0xFFFFFFFF;
	p2 =	slt.u32 s8, $0xFFFFF086  }
0x1c: {  	p1 =	slt.u32 s9, $0xF7A;
	s5 =	simm.s32 @!p2 $0x0  }
0x1d: {  	s5 =	simm.s32 @p1 $0x1;
	p0 =	seq.s32 s7, s2  }
0x1e: {  	s7 =	smul.u32 @!p0 $0xF7A, s2;
	p2 =	seq.s32 @!p0 s5, $0x0  }
0x1f: {  	s9 =	smul.u32 $0xF7A, s1;
	s8 =	simm.s32 @!p0 $0x1BF5;
	p2 =	por !p2, p0  }
0x20: {  	[sflag:s8] =	ssyncset.s32 @!p0 $0xFFFFF086;
	s6 =	sadd.s32 @!p0 s3, s7;
	s7 =	simm.s32 @!p0 $0x108  }
0x21: {  	s3 =	sadd.s32 s3, s9;
	s6 =	sadd.s32 @!p0 $0x88, s6;
	s7 =	simm.s32 @p2 $0x1082  }
0x22: {  	[simem:s7], [sflag:s8] =	dma.local @!p0 [hbm:s6], $0xF7A  }
0x23: {  	s9 =	sor.u32 $0xD0000000, s2;
	s6 =	simm.s32 $0x108;
	_ =	swait.ge @!p0 [sflag:s8], $0x0  }
0x24: {  	s3 =	sadd.s32 $0x88, s3;
	s6 =	simm.s32 @!p1 $0x1082;
	[sflag:s4] =	ssyncset.s32 $0xFFFFF086  }
0x25: {  	[simem:s6], [sflag:s4] =	dma.local [hbm:s3], $0xF7A  }
0x26: {  	[smem:$0x3F9B] =	sst s1;
	(tag) =	ssettag s2;
	_ =	strace s9  }
0x27: {  	s1 =	sld [smem:$0x3FAB]  }
0x28: {  	s2 =	sld [smem:$0x3FAC]  }
0x29: {  	s4 =	sld [smem:$0x3FAE]  }
0x2a: {  	p0 =	seq.s32 s5, $0x0;
	s5 =	sld [smem:$0x3FAF]  }
0x2b: {  	s6 =	sld [smem:$0x3FB0]  }
0x2c: {  	s7 =	sld [smem:$0x3FB1]  }
0x2d: {  	s3 =	simm.s32 $0x108;
	s8 =	sld [smem:$0x3FB2]  }
0x2e: {  	s3 =	simm.s32 @!p0 $0x1082;
	s9 =	sld [smem:$0x3FB3]  }
0x2f: {  	lr =	sadd.s32 s0, s3;
	s0 =	sld [smem:$0x3FAA]  }
0x30: {  	s3 =	sld [smem:$0x3FAD]  }
0x31: {  	[smem:$0x3FB6] =	sst s10  }
0x32: {  	s10 =	sld [smem:$0x3FB4];
	_ =	sdelay $0x3  }
0x33: {  	p0 =	seq.s32 s10, $0x1;
	s10 =	sld [smem:$0x3FB6];
	_ =	sdelay $0x3  }
0x34: {  	[smem:$0x3FB6] =	sst s10  }
0x35: {  	s10 =	sld [smem:$0x3FB5];
	_ =	sdelay $0x3  }
0x36: {  	p1 =	seq.s32 s10, $0x1;
	s10 =	sld [smem:$0x3FB6];
	_ =	sdelay $0x3  }
0x37: {  	[smem:$0x3FB6] =	sst s10  }
0x38: {  	s10 =	sld [smem:$0x3FB7]  }
0x39: {  	_ = 	snop;
	(pc) =	sbr.ind lr, $3  }
0x3a: {  	_ = 	snop  }
0x3b: {  	_ = 	snop  }
0x3c: {  	p2 =	seq.s32 s10, $0x1;
	s10 =	sld [smem:$0x3FB6]  }
0x3d: {  	_ =	shalt  }
0x3e: {  	_ =	shalt  }
0x3f: {  	_ =	shalt  }
0x40: {  	_ =	shalt  }
0x41: {  	_ =	shalt  }
0x42: {  	_ =	shalt  }
0x43: {  	_ =	shalt  }
0x44: {  	_ =	shalt  }
0x45: {  	_ =	shalt  }
0x46: {  	_ =	shalt  }
0x47: {  	_ =	shalt  }
0x48: {  	_ =	shalt  }
0x49: {  	_ =	shalt  }
0x4a: {  	_ =	shalt  }
0x4b: {  	_ =	shalt  }
0x4c: {  	_ =	shalt  }
0x4d: {  	_ =	shalt  }
0x4e: {  	_ =	shalt  }
0x4f: {  	_ =	shalt  }
0x50: {  	_ =	shalt  }
0x51: {  	_ =	shalt  }
0x52: {  	_ =	shalt  }
0x53: {  	_ =	shalt  }
0x54: {  	_ =	shalt  }
0x55: {  	_ =	shalt  }
0x56: {  	_ =	shalt  }
0x57: {  	_ =	shalt  }
0x58: {  	_ =	shalt  }
0x59: {  	_ =	shalt  }
0x5a: {  	_ =	shalt  }
0x5b: {  	_ =	shalt  }
0x5c: {  	_ =	shalt  }
0x5d: {  	_ =	shalt  }
0x5e: {  	_ =	shalt  }
0x5f: {  	_ =	shalt  }
0x60: {  	_ =	shalt  }
0x61: {  	_ =	shalt  }
0x62: {  	_ =	shalt  }
0x63: {  	_ =	shalt  }
0x64: {  	_ =	shalt  }
0x65: {  	_ =	shalt  }
0x66: {  	_ =	shalt  }
0x67: {  	_ =	shalt  }
0x68: {  	_ =	shalt  }
0x69: {  	_ =	shalt  }
0x6a: {  	_ =	shalt  }
0x6b: {  	_ =	shalt  }
0x6c: {  	_ =	shalt  }
0x6d: {  	_ =	shalt  }
0x6e: {  	_ =	shalt  }
0x6f: {  	_ =	shalt  }
0x70: {  	_ =	shalt  }
0x71: {  	_ =	shalt  }
0x72: {  	_ =	shalt  }
0x73: {  	_ =	shalt  }
0x74: {  	_ =	shalt  }
0x75: {  	_ =	shalt  }
0x76: {  	_ =	shalt  }
0x77: {  	_ =	shalt  }
0x78: {  	_ =	shalt  }
0x79: {  	_ =	shalt  }
0x7a: {  	_ =	shalt  }
0x7b: {  	_ =	shalt  }
0x7c: {  	_ =	shalt  }
0x7d: {  	_ =	shalt  }
0x7e: {  	_ =	shalt  }
0x7f: {  	_ =	shalt  }
0x80: {  	_ =	shalt  }
0x81: {  	_ =	shalt  }
0x82: {  	_ =	shalt  }
0x83: {  	_ =	shalt  }
0x84: {  	_ =	shalt  }
0x85: {  	_ =	shalt  }
0x86: {  	_ =	shalt  }
0x87: {  	_ =	shalt  }
.Lfunc_end0:
.L_simem_size_0:
called_computation_lowered:
.L_overlay_start_0:
0x88: {  	s2 =	sld [smem:$0x3FD9]  }
0x89: {  	s3 =	sld [smem:$0x3FFE];
	_ =	sdelay $0x1  }
0x8a: {  	s1 =	srdreg.scid  }
0x8b: {  	s0 =	sand.u32 $0x1, s1  }
0x8c: {  	s17 =	sshll.u32 s0, $0xA;
	s2 =	sadd.s32 s3, s2  }
0x8d: {  	s2 =	sadd.s32 s2, s17  }
0x8e: {  	[smem:$0x3FC2] =	sst s2  }
0x8f: {  	_ = 	snop  }
0x90: {  	s2 =	sld [smem:$0x3FD0];
	(tm) =	ssettm $0x1  }
0x91: {  	s18 =	sld [smem:$0x3FFB];
	_ =	sdelay $0x3  }
0x92: {  	_ =	strace s18  }
0x93: {  	s3 =	sld [smem:$0x3FFC];
	_ =	sdelay $0x3  }
0x94: {  	_ =	strace s3  }
0x95: {  	s3 =	sld [smem:$0x3FFD];
	_ =	sdelay $0x3  }
0x96: {  	_ =	strace s3  }
0x97: {  	_ =	strace $0x8FFFFFFF  }
0x98: {  	s19 =	sld [smem:$0x3FDB];
	_ =	sdelay $0x1  }
0x99: {  	s4 =	simm.s32 $_scs_section_size  }
0x9a: {  	s5 =	simm.s32 $_size__tile_overlayer_lowered;
	s6 =	simm.s32 $_tile_overlayer_lowered  }
0x9b: {  	s22 =	simm.s32 $0x1BFF;
	s21 =	sshll.u32 s6, $0x1;
	s3 =	sadd.s32 s4, s19  }
0x9c: {  	s7 =	simm.s32 $0x0;
	s20 =	sshll.u32 s5, $0x1;
	s5 =	sadd.s32 s21, s3  }
0x9d: {  	[timem:s7], [sflag:s22] =	dma.local [hbm:s5], s20  }
0x9e: {  	_ =	swait.ge [sflag:s22], s20  }
0x9f: {  	s4 =	ssub.s32 $0x0, s20;
	[sflag:s22] =	ssyncset.done $0x0  }
0xa0: {  	[sflag:s22] =	ssyncadd.s32 s4;
	_ =	sdelay $0x1  }
0xa1: {  	s23 =	simm.s32 $0x1B8B  }
0xa2: {  	_ =	swait.ge [sflag:s23], $0x1  }
0xa3: {  	[sflag:s23] =	ssyncset.done $0x0  }
0xa4: {  	s25 =	simm.s32 $0x1B8E;
	s24 =	sld [smem:$0x3FFE];
	[sflag:s23] =	ssyncadd.s32 $0xFFFFFFFF  }
0xa5: {  	s26 =	simm.s32 $execute0_lowered;
	[smem:$0x3FD2] =	sst s25  }
0xa6: {  	s5 =	sshll.u32 s26, $0x1;
	_ =	strace $0x80000046;
	[dreg:$0x1] =	wrdreg $0xFFFFFFFF  }
0xa7: {  	s28 =	simm.s32 $_size_execute0_lowered;
	s3 =	sadd.s32 s3, s5;
	[dreg:$0x0] =	wrdreg $0x0  }
0xa8: {  	s5 =	sshll.u32 s28, $0x1;
	[dreg:$0x2] =	wrdreg s3  }
0xa9: {  	[dreg:$0x3] =	wrdreg s5  }
0xaa: {  	[dreg:$0x4] =	wrdreg $0xC0  }
0xab: {  	_ =	task [dreg:s7], $0x5FFFF  }
0xac: {  	[dreg:$0x1] =	wrdreg $0xFFFFFFFF  }
0xad: {  	[dreg:$0x0] =	wrdreg $0x60  }
0xae: {  	[dreg:$0x2] =	wrdreg s24  }
0xaf: {  	[dreg:$0x3] =	wrdreg s2  }
0xb0: {  	[dreg:$0x4] =	wrdreg $0x0  }
0xb1: {  	[dreg:$0x5] =	wrdreg $0x9  }
0xb2: {  	_ =	task.clear_ibuf [dreg:s7], $0x6FFFF;
	_ =	strace $0x90000046  }
0xb3: {  	s29 =	simm.s32 $0x9;
	_ =	strace $0x80000048  }
0xb4: {  	_ =	swait.ge [sflag:s29], $0x1  }
0xb5: {  	[sflag:s29] =	ssyncadd.s32 $0xFFFFFFFF  }
0xb6: {  	_ =	strace $0x90000048  }
0xb7: {  	_ =	sfence  }
0xb8: {  	s30 =	sld [smem:$0x0];
	_ =	sdelay $0x2  }
0xb9: {  	s31 =	sshll.u32 s1, $0xD;
	s1 =	sshrl.u32 s1, $0x2  }
0xba: {  	s3 =	sand.u32 $0x4000, s31;
	s1 =	sadd.s32 s1, s30  }
0xbb: {  	s0 =	sor.u32 s3, s0;
	s1 =	sshll.u32 s1, $0x11  }
0xbc: {  	s0 =	sor.u32 s1, s0  }
0xbd: {  	s0 =	sadd.s32 $0x8F2B, s0  }
0xbe: {  	[sflag:s0] =	ssyncadd.remote.s32 $0x1  }
0xbf: {  	_ =	sfence.sel $0xFFFF  }
0xc0: {  	[dreg:$0x0] =	wrdreg $0xFFFFFFFF;
	(pc) =	sbr.abs _section_cstart, $3  }
0xc1: {  	[dreg:$0x1] =	wrdreg $0xFFFFFFFF  }
0xc2: {  	_ =	task.clear_ibuf [dreg:s7], $0x2FFFF;
	_ =	strace $0x9FFFFFFF  }
0xc3: {  	(tm) =	ssettm $0x7FFFFFFF  }
tec
execute0_lowered:
.L_overlay_start_1:
0x0: {  	(tag) =	ssettag $0x1  }
0x1: {  	s4 =	rddreg [dreg:$0x0]  }
0x2: {  	s8 =	rddreg [dreg:$0x1]  }
0x3: {  	s1 =	rddreg [dreg:$0x2]  }
0x4: {  	s0 =	srdreg.scid;
	s6 =	simm.s32 $0x2E00;
	s2 =	rddreg [dreg:$0x3]  }
0x5: {  	s3 =	simm.s32 $0x0;
	s17 =	simm.s32 $0x6800;
	s18 =	simm.s32 $0x1  }
0x6: {  	s19 =	simm.s32 $0xB000;
	s20 =	simm.s32 $0x80;
	s5 =	sand.u32 $0x1, s0  }
0x7: {  	s21 =	simm.s32 $0x2800;
	s0 =	stileid.u32;
	s7 =	smul.u32 $0x2E000, s5  }
0x8: {  	s22 =	simm.s32 $0xA800;
	s23 =	simm.s32 $0x0;
	s9 =	smul.u32 $0x50000, s0  }
0x9: {  	p0 =	seq.s32 s5, $0x0;
	s28 =	ssub.s32 $0x2, s5;
	s5 =	smul.u32 $0x28000, s5  }
0xa: {  	[smem:$0x7FF] =	sst s3;
	s11 =	smul.u32 $0x2800, s0;
	s6 =	simm.s32 @!p0 $0x2100  }
0xb: {  	_ =	strace $0x80000047;
	s10 =	sshrl.u32 s28, $0x1;
	s6 =	smul.u32 s0, s6  }
0xc: {  	s15 =	ssub.s32 s28, s10;
	s29 =	sshrl.u32 s9, $0x2;
	s30 =	sadd.s32 s11, s5  }
0xd: {  	s5 =	sadd.s32 s29, s1;
	s31 =	sshrl.u32 s30, $0x3;
	s15 =	smax.u32 s15, $0x1  }
0xe: {  	s6 =	sadd.s32 s7, s6;
	s7 =	sadd.s32 $0x8000, s5;
	s8 =	sadd.s32 s8, s31  }
0xf: {  	s9 =	sadd.s32 $0xC000, s5;
	s10 =	sadd.s32 $0x10000, s5;
	s6 =	sshrl.u32 s6, $0x3  }
0x10: {  	s11 =	sadd.s32 $0x100, s8;
	s12 =	sadd.s32 $0x200, s8;
	s13 =	sadd.s32 $0x300, s8  }
0x11: {  	s14 =	sadd.s32 $0x400, s8;
	s16 =	sadd.s32 s6, s4;
	s4 =	simm.s32 $0x5C  }
0x12: {  	v0 =	vimm.f32 $1.000000000e+00;
	v1 =	vimm.f32 $0.0e+00;
	s6 =	sadd.s32 $0x4000, s5;
	s4 =	simm.s32 @!p0 $0x42;
	s16 =	sadd.s32 $0x2800, s16  }
.LBB2_1:
0x13: {  	s24 =	simm.s32 $0x200;
	s25 =	simm.s32 $0x0  }
.LBB2_2:
0x14: {  	p0 =	sne.s32 s24, $0xFE00;
	[tilespmem:s25+$0x2800] =	vst v0;
	s26 =	smov.u32 s24;
	s24 =	sadd.s32 $0x200, s24  }
.Ltmp0:
0x15: {  	[tilespmem:s25+$0x6800] =	vst v1;
	(pc) =	sbr.rel @p0 .LBB2_2-.Ltmp0, $2  }
0x16: {  	_ =	sdelay $0x2  }
0x17: {  	s25 =	sshra.s32 s26, $0x2  }
0x18: {  	[tilespmem:s25+$0x2800] =	vst v0  }
0x19: {  	[tilespmem:s25+$0x6800] =	vst v1  }
0x1a: {  	[spmem:s5] =	stream.linear.scatter [tilespmem:s17], [sflag:$0x1], $0x4000, $0x38;
	[tilespmem:$0xB080] =	vst v63  }
0x1b: {  	_ =	swait.ge [sflag:s18], $0x4000  }
0x1c: {  	[sflag:s18] =	ssyncset.done $0x0  }
0x1d: {  	[sflag:s18] =	ssyncadd.s32 $0xFFFFC000  }
0x1e: {  	[spmem:s6] =	stream.linear.scatter [tilespmem:s17], [sflag:$0x1], $0x4000, $0x38;
	[tilespmem:$0xB080] =	vst v63  }
0x1f: {  	_ =	swait.ge [sflag:s18], $0x4000  }
0x20: {  	[sflag:s18] =	ssyncset.done $0x0  }
0x21: {  	[sflag:s18] =	ssyncadd.s32 $0xFFFFC000  }
0x22: {  	[spmem:s7] =	stream.linear.scatter [tilespmem:s17], [sflag:$0x1], $0x4000, $0x38;
	[tilespmem:$0xB080] =	vst v63  }
0x23: {  	_ =	swait.ge [sflag:s18], $0x4000  }
0x24: {  	[sflag:s18] =	ssyncset.done $0x0  }
0x25: {  	[sflag:s18] =	ssyncadd.s32 $0xFFFFC000  }
0x26: {  	[spmem:s9] =	stream.linear.scatter [tilespmem:s17], [sflag:$0x1], $0x4000, $0x38;
	[tilespmem:$0xB080] =	vst v63  }
0x27: {  	_ =	swait.ge [sflag:s18], $0x4000  }
0x28: {  	[sflag:s18] =	ssyncset.done $0x0  }
0x29: {  	[sflag:s18] =	ssyncadd.s32 $0xFFFFC000  }
0x2a: {  	[spmem:s10] =	stream.linear.scatter [tilespmem:s17], [sflag:$0x1], $0x4000, $0x38;
	[tilespmem:$0xB080] =	vst v63  }
0x2b: {  	_ =	swait.ge [sflag:s18], $0x4000  }
0x2c: {  	[sflag:s18] =	ssyncset.done $0x0  }
0x2d: {  	[sflag:s18] =	ssyncadd.s32 $0xFFFFC000  }
0x2e: {  	[bflag:$0x0] =	sbarrier.arrive $0xFFFF  }
0x2f: {  	[tilespmem:s19], [sflag:$0x1] =	stream.linear.gather [hbm4b:s16+s3], $0x80, $0x38;
	[tilespmem:$0xB080] =	vst v63  }
0x30: {  	p0 =	sne.s32 s4, $0x1;
	_ =	swait.ge [sflag:s18], $0x80  }
.Ltmp1:
0x31: {  	[sflag:s18] =	ssyncset.done $0x0;
	(pc) =	sbr.rel @!p0 .LBB2_5-.Ltmp1, $4  }
0x32: {  	[sflag:s18] =	ssyncadd.s32 $0xFFFFFF80  }
0x33: {  	[spmem:s1] =	stream.indirect.scatter.add.f32 [tilespmem:s21], [sflag:$0x1], $0x10, s19, s20, $0xb8;
	[tilespmem:$0xB080] =	vst v63  }
0x34: {  	_ =	swait.ge [sflag:s18], $0x800  }
0x35: {  	s24 =	sadd.s32 $0xFFFFFFFF, s4;
	s25 =	smov.u32 s16;
	[sflag:s18] =	ssyncset.done $0x0  }
.LBB2_4:
0x36: {  	p0 =	sne.s32 s24, $0x1;
	[sflag:s18] =	ssyncadd.s32 $0xFFFFF800;
	s25 =	sadd.s32 $0x10, s25  }
0x37: {  	[tilespmem:s19], [sflag:$0x1] =	stream.linear.gather [hbm4b:s25+s3], $0x80, $0x38;
	[tilespmem:$0xB080] =	vst v63  }
0x38: {  	s24 =	sadd.s32 $0xFFFFFFFF, s24;
	_ =	swait.ge [sflag:s18], $0x80  }
.Ltmp2:
0x39: {  	[sflag:s18] =	ssyncset.done $0x0;
	(pc) =	sbr.rel @p0 .LBB2_4-.Ltmp2, $4  }
0x3a: {  	[sflag:s18] =	ssyncadd.s32 $0xFFFFFF80  }
0x3b: {  	[spmem:s1] =	stream.indirect.scatter.add.f32 [tilespmem:s21], [sflag:$0x1], $0x10, s19, s20, $0xb8;
	[tilespmem:$0xB080] =	vst v63  }
0x3c: {  	_ =	swait.ge [sflag:s18], $0x800  }
0x3d: {  	[sflag:s18] =	ssyncset.done $0x0  }
.LBB2_5:
0x3e: {  	[sflag:s18] =	ssyncadd.s32 $0xFFFFF800  }
0x3f: {  	[bflag:$0x0] =	sbarrier.arrive $0xFFFF  }
0x40: {  	[tilespmem:s17], [sflag:$0x1] =	stream.linear.gather [spmem:s5], $0x4000, $0x38;
	[tilespmem:$0xB080] =	vst v63  }
0x41: {  	_ =	swait.ge [sflag:s18], $0x4000  }
0x42: {  	[sflag:s18] =	ssyncset.done $0x0  }
0x43: {  	s25 =	simm.s32 $0x0;
	[sflag:s18] =	ssyncadd.s32 $0xFFFFC000  }
0x44: {  	v2 =	vld [tilespmem:s25+$0x6800];
	_ =	sdelay $0x3  }
0x45: {  	s24 =	simm.s32 $0xA840  }
0x46: {  	[tilespmem:s24+$0xFFFFFFC0] =	vst v2  }
0x47: {  	v2 =	vld [tilespmem:s25+$0x6880];
	_ =	sdelay $0x4  }
0x48: {  	[tilespmem:s24+$0xFFFFFFD0] =	vst v2  }
0x49: {  	v2 =	vld [tilespmem:s25+$0x6900];
	_ =	sdelay $0x4  }
0x4a: {  	[tilespmem:s24+$0xFFFFFFE0] =	vst v2  }
0x4b: {  	v2 =	vld [tilespmem:s25+$0x6980];
	_ =	sdelay $0x4  }
0x4c: {  	[tilespmem:s24+$0xFFFFFFF0] =	vst v2  }
0x4d: {  	v2 =	vld [tilespmem:s25+$0x6A00];
	_ =	sdelay $0x4  }
0x4e: {  	[tilespmem:s24+$0x0] =	vst v2  }
0x4f: {  	v2 =	vld [tilespmem:s25+$0x6A80];
	_ =	sdelay $0x4  }
0x50: {  	[tilespmem:s24+$0x10] =	vst v2  }
0x51: {  	v2 =	vld [tilespmem:s25+$0x6B00];
	_ =	sdelay $0x4  }
0x52: {  	[tilespmem:s24+$0x20] =	vst v2  }
0x53: {  	v2 =	vld [tilespmem:s25+$0x6B80];
	_ =	sdelay $0x4  }
0x54: {  	s26 =	simm.s32 $0x2000;
	s25 =	simm.s32 $0x400;
	[tilespmem:s24+$0x30] =	vst v2  }
.LBB2_6:
0x55: {  	p0 =	sne.s32 s26, $0xF000;
	v2 =	vld [tilespmem:s25+$0x6800];
	_ =	sdelay $0x3  }
0x56: {  	s24 =	sadd.s32 $0x80, s24  }
0x57: {  	[tilespmem:s24+$0xFFFFFFC0] =	vst v2  }
0x58: {  	v2 =	vld [tilespmem:s25+$0x6880];
	_ =	sdelay $0x4  }
0x59: {  	[tilespmem:s24+$0xFFFFFFD0] =	vst v2  }
0x5a: {  	v2 =	vld [tilespmem:s25+$0x6900];
	_ =	sdelay $0x4  }
0x5b: {  	[tilespmem:s24+$0xFFFFFFE0] =	vst v2  }
0x5c: {  	v2 =	vld [tilespmem:s25+$0x6980];
	_ =	sdelay $0x4  }
0x5d: {  	[tilespmem:s24+$0xFFFFFFF0] =	vst v2  }
0x5e: {  	v2 =	vld [tilespmem:s25+$0x6A00];
	_ =	sdelay $0x4  }
0x5f: {  	[tilespmem:s24+$0x0] =	vst v2  }
0x60: {  	v2 =	vld [tilespmem:s25+$0x6A80];
	_ =	sdelay $0x4  }
0x61: {  	[tilespmem:s24+$0x10] =	vst v2  }
0x62: {  	v2 =	vld [tilespmem:s25+$0x6B00];
	_ =	sdelay $0x4  }
0x63: {  	[tilespmem:s24+$0x20] =	vst v2  }
0x64: {  	v2 =	vld [tilespmem:s25+$0x6B80]  }
.Ltmp3:
0x65: {  	(pc) =	sbr.rel @p0 .LBB2_6-.Ltmp3, $2  }
0x66: {  	_ =	sdelay $0x2  }
0x67: {  	s25 =	sshra.s32 s26, $0x2;
	s26 =	sadd.s32 $0x1000, s26;
	[tilespmem:s24+$0x30] =	vst v2  }
0x68: {  	v2 =	vld [tilespmem:s25+$0x6800];
	_ =	sdelay $0x3  }
0x69: {  	s24 =	sadd.s32 $0x80, s24  }
0x6a: {  	[tilespmem:s24+$0xFFFFFFC0] =	vst v2  }
0x6b: {  	v2 =	vld [tilespmem:s25+$0x6880];
	_ =	sdelay $0x4  }
0x6c: {  	[tilespmem:s24+$0xFFFFFFD0] =	vst v2  }
0x6d: {  	v2 =	vld [tilespmem:s25+$0x6900];
	_ =	sdelay $0x4  }
0x6e: {  	[tilespmem:s24+$0xFFFFFFE0] =	vst v2  }
0x6f: {  	v2 =	vld [tilespmem:s25+$0x6980];
	_ =	sdelay $0x4  }
0x70: {  	[tilespmem:s24+$0xFFFFFFF0] =	vst v2  }
0x71: {  	v2 =	vld [tilespmem:s25+$0x6A00];
	_ =	sdelay $0x4  }
0x72: {  	[tilespmem:s24+$0x0] =	vst v2  }
0x73: {  	v2 =	vld [tilespmem:s25+$0x6A80];
	_ =	sdelay $0x4  }
0x74: {  	[tilespmem:s24+$0x10] =	vst v2  }
0x75: {  	v2 =	vld [tilespmem:s25+$0x6B00];
	_ =	sdelay $0x4  }
0x76: {  	[tilespmem:s24+$0x20] =	vst v2  }
0x77: {  	v2 =	vld [tilespmem:s25+$0x6B80];
	_ =	sdelay $0x4  }
0x78: {  	s30 =	simm.s32 $0x0;
	[tilespmem:s24+$0x30] =	vst v2  }
0x79: {  	[hbm4b:s8+s30] =	stream.linear.scatter [tilespmem:s22], [sflag:$0x1], $0x800, $0x38;
	[tilespmem:$0xB080] =	vst v63  }
0x7a: {  	_ =	swait.ge [sflag:s18], $0x800  }
0x7b: {  	[sflag:s18] =	ssyncset.done $0x0  }
0x7c: {  	[sflag:s18] =	ssyncadd.s32 $0xFFFFF800  }
0x7d: {  	[tilespmem:s17], [sflag:$0x1] =	stream.linear.gather [spmem:s6], $0x4000, $0x38;
	[tilespmem:$0xB080] =	vst v63  }
0x7e: {  	_ =	swait.ge [sflag:s18], $0x4000  }
0x7f: {  	[sflag:s18] =	ssyncset.done $0x0  }
0x80: {  	s31 =	simm.s32 $0x0;
	[sflag:s18] =	ssyncadd.s32 $0xFFFFC000  }
0x81: {  	v2 =	vld [tilespmem:s31+$0x6800];
	_ =	sdelay $0x3  }
0x82: {  	s24 =	simm.s32 $0xA840  }
0x83: {  	[tilespmem:s24+$0xFFFFFFC0] =	vst v2  }
0x84: {  	v2 =	vld [tilespmem:s31+$0x6880];
	_ =	sdelay $0x4  }
0x85: {  	[tilespmem:s24+$0xFFFFFFD0] =	vst v2  }
0x86: {  	v2 =	vld [tilespmem:s31+$0x6900];
	_ =	sdelay $0x4  }
0x87: {  	[tilespmem:s24+$0xFFFFFFE0] =	vst v2  }
0x88: {  	v2 =	vld [tilespmem:s31+$0x6980];
	_ =	sdelay $0x4  }
0x89: {  	[tilespmem:s24+$0xFFFFFFF0] =	vst v2  }
0x8a: {  	v2 =	vld [tilespmem:s31+$0x6A00];
	_ =	sdelay $0x4  }
0x8b: {  	[tilespmem:s24+$0x0] =	vst v2  }
0x8c: {  	v2 =	vld [tilespmem:s31+$0x6A80];
	_ =	sdelay $0x4  }
0x8d: {  	[tilespmem:s24+$0x10] =	vst v2  }
0x8e: {  	v2 =	vld [tilespmem:s31+$0x6B00];
	_ =	sdelay $0x4  }
0x8f: {  	[tilespmem:s24+$0x20] =	vst v2  }
0x90: {  	v2 =	vld [tilespmem:s31+$0x6B80];
	_ =	sdelay $0x4  }
0x91: {  	s26 =	simm.s32 $0x2000;
	s25 =	simm.s32 $0x400;
	[tilespmem:s24+$0x30] =	vst v2  }
.LBB2_8:
0x92: {  	p0 =	sne.s32 s26, $0xF000;
	v2 =	vld [tilespmem:s25+$0x6800];
	_ =	sdelay $0x3  }
0x93: {  	s24 =	sadd.s32 $0x80, s24  }
0x94: {  	[tilespmem:s24+$0xFFFFFFC0] =	vst v2  }
0x95: {  	v2 =	vld [tilespmem:s25+$0x6880];
	_ =	sdelay $0x4  }
0x96: {  	[tilespmem:s24+$0xFFFFFFD0] =	vst v2  }
0x97: {  	v2 =	vld [tilespmem:s25+$0x6900];
	_ =	sdelay $0x4  }
0x98: {  	[tilespmem:s24+$0xFFFFFFE0] =	vst v2  }
0x99: {  	v2 =	vld [tilespmem:s25+$0x6980];
	_ =	sdelay $0x4  }
0x9a: {  	[tilespmem:s24+$0xFFFFFFF0] =	vst v2  }
0x9b: {  	v2 =	vld [tilespmem:s25+$0x6A00];
	_ =	sdelay $0x4  }
0x9c: {  	[tilespmem:s24+$0x0] =	vst v2  }
0x9d: {  	v2 =	vld [tilespmem:s25+$0x6A80];
	_ =	sdelay $0x4  }
0x9e: {  	[tilespmem:s24+$0x10] =	vst v2  }
0x9f: {  	v2 =	vld [tilespmem:s25+$0x6B00];
	_ =	sdelay $0x4  }
0xa0: {  	[tilespmem:s24+$0x20] =	vst v2  }
0xa1: {  	v2 =	vld [tilespmem:s25+$0x6B80]  }
.Ltmp4:
0xa2: {  	(pc) =	sbr.rel @p0 .LBB2_8-.Ltmp4, $2  }
0xa3: {  	_ =	sdelay $0x2  }
0xa4: {  	s25 =	sshra.s32 s26, $0x2;
	s26 =	sadd.s32 $0x1000, s26;
	[tilespmem:s24+$0x30] =	vst v2  }
0xa5: {  	v2 =	vld [tilespmem:s25+$0x6800];
	_ =	sdelay $0x3  }
0xa6: {  	s24 =	sadd.s32 $0x80, s24  }
0xa7: {  	[tilespmem:s24+$0xFFFFFFC0] =	vst v2  }
0xa8: {  	v2 =	vld [tilespmem:s25+$0x6880];
	_ =	sdelay $0x4  }
0xa9: {  	[tilespmem:s24+$0xFFFFFFD0] =	vst v2  }
0xaa: {  	v2 =	vld [tilespmem:s25+$0x6900];
	_ =	sdelay $0x4  }
0xab: {  	[tilespmem:s24+$0xFFFFFFE0] =	vst v2  }
0xac: {  	v2 =	vld [tilespmem:s25+$0x6980];
	_ =	sdelay $0x4  }
0xad: {  	[tilespmem:s24+$0xFFFFFFF0] =	vst v2  }
0xae: {  	v2 =	vld [tilespmem:s25+$0x6A00];
	_ =	sdelay $0x4  }
0xaf: {  	[tilespmem:s24+$0x0] =	vst v2  }
0xb0: {  	v2 =	vld [tilespmem:s25+$0x6A80];
	_ =	sdelay $0x4  }
0xb1: {  	[tilespmem:s24+$0x10] =	vst v2  }
0xb2: {  	v2 =	vld [tilespmem:s25+$0x6B00];
	_ =	sdelay $0x4  }
0xb3: {  	[tilespmem:s24+$0x20] =	vst v2  }
0xb4: {  	v2 =	vld [tilespmem:s25+$0x6B80];
	_ =	sdelay $0x4  }
0xb5: {  	s30 =	simm.s32 $0x0;
	[tilespmem:s24+$0x30] =	vst v2  }
0xb6: {  	[hbm4b:s11+s30] =	stream.linear.scatter [tilespmem:s22], [sflag:$0x1], $0x800, $0x38;
	[tilespmem:$0xB080] =	vst v63  }
0xb7: {  	_ =	swait.ge [sflag:s18], $0x800  }
0xb8: {  	[sflag:s18] =	ssyncset.done $0x0  }
0xb9: {  	[sflag:s18] =	ssyncadd.s32 $0xFFFFF800  }
0xba: {  	[tilespmem:s17], [sflag:$0x1] =	stream.linear.gather [spmem:s7], $0x4000, $0x38;
	[tilespmem:$0xB080] =	vst v63  }
0xbb: {  	_ =	swait.ge [sflag:s18], $0x4000  }
0xbc: {  	[sflag:s18] =	ssyncset.done $0x0  }
0xbd: {  	s31 =	simm.s32 $0x0;
	[sflag:s18] =	ssyncadd.s32 $0xFFFFC000  }
0xbe: {  	v2 =	vld [tilespmem:s31+$0x6800];
	_ =	sdelay $0x3  }
0xbf: {  	s24 =	simm.s32 $0xA840  }
0xc0: {  	[tilespmem:s24+$0xFFFFFFC0] =	vst v2  }
0xc1: {  	v2 =	vld [tilespmem:s31+$0x6880];
	_ =	sdelay $0x4  }
0xc2: {  	[tilespmem:s24+$0xFFFFFFD0] =	vst v2  }
0xc3: {  	v2 =	vld [tilespmem:s31+$0x6900];
	_ =	sdelay $0x4  }
0xc4: {  	[tilespmem:s24+$0xFFFFFFE0] =	vst v2  }
0xc5: {  	v2 =	vld [tilespmem:s31+$0x6980];
	_ =	sdelay $0x4  }
0xc6: {  	[tilespmem:s24+$0xFFFFFFF0] =	vst v2  }
0xc7: {  	v2 =	vld [tilespmem:s31+$0x6A00];
	_ =	sdelay $0x4  }
0xc8: {  	[tilespmem:s24+$0x0] =	vst v2  }
0xc9: {  	v2 =	vld [tilespmem:s31+$0x6A80];
	_ =	sdelay $0x4  }
0xca: {  	[tilespmem:s24+$0x10] =	vst v2  }
0xcb: {  	v2 =	vld [tilespmem:s31+$0x6B00];
	_ =	sdelay $0x4  }
0xcc: {  	[tilespmem:s24+$0x20] =	vst v2  }
0xcd: {  	v2 =	vld [tilespmem:s31+$0x6B80];
	_ =	sdelay $0x4  }
0xce: {  	s26 =	simm.s32 $0x2000;
	s25 =	simm.s32 $0x400;
	[tilespmem:s24+$0x30] =	vst v2  }
.LBB2_10:
0xcf: {  	p0 =	sne.s32 s26, $0xF000;
	v2 =	vld [tilespmem:s25+$0x6800];
	_ =	sdelay $0x3  }
0xd0: {  	s24 =	sadd.s32 $0x80, s24  }
0xd1: {  	[tilespmem:s24+$0xFFFFFFC0] =	vst v2  }
0xd2: {  	v2 =	vld [tilespmem:s25+$0x6880];
	_ =	sdelay $0x4  }
0xd3: {  	[tilespmem:s24+$0xFFFFFFD0] =	vst v2  }
0xd4: {  	v2 =	vld [tilespmem:s25+$0x6900];
	_ =	sdelay $0x4  }
0xd5: {  	[tilespmem:s24+$0xFFFFFFE0] =	vst v2  }
0xd6: {  	v2 =	vld [tilespmem:s25+$0x6980];
	_ =	sdelay $0x4  }
0xd7: {  	[tilespmem:s24+$0xFFFFFFF0] =	vst v2  }
0xd8: {  	v2 =	vld [tilespmem:s25+$0x6A00];
	_ =	sdelay $0x4  }
0xd9: {  	[tilespmem:s24+$0x0] =	vst v2  }
0xda: {  	v2 =	vld [tilespmem:s25+$0x6A80];
	_ =	sdelay $0x4  }
0xdb: {  	[tilespmem:s24+$0x10] =	vst v2  }
0xdc: {  	v2 =	vld [tilespmem:s25+$0x6B00];
	_ =	sdelay $0x4  }
0xdd: {  	[tilespmem:s24+$0x20] =	vst v2  }
0xde: {  	v2 =	vld [tilespmem:s25+$0x6B80]  }
.Ltmp5:
0xdf: {  	(pc) =	sbr.rel @p0 .LBB2_10-.Ltmp5, $2  }
0xe0: {  	_ =	sdelay $0x2  }
0xe1: {  	s25 =	sshra.s32 s26, $0x2;
	s26 =	sadd.s32 $0x1000, s26;
	[tilespmem:s24+$0x30] =	vst v2  }
0xe2: {  	v2 =	vld [tilespmem:s25+$0x6800];
	_ =	sdelay $0x3  }
0xe3: {  	s24 =	sadd.s32 $0x80, s24  }
0xe4: {  	[tilespmem:s24+$0xFFFFFFC0] =	vst v2  }
0xe5: {  	v2 =	vld [tilespmem:s25+$0x6880];
	_ =	sdelay $0x4  }
0xe6: {  	[tilespmem:s24+$0xFFFFFFD0] =	vst v2  }
0xe7: {  	v2 =	vld [tilespmem:s25+$0x6900];
	_ =	sdelay $0x4  }
0xe8: {  	[tilespmem:s24+$0xFFFFFFE0] =	vst v2  }
0xe9: {  	v2 =	vld [tilespmem:s25+$0x6980];
	_ =	sdelay $0x4  }
0xea: {  	[tilespmem:s24+$0xFFFFFFF0] =	vst v2  }
0xeb: {  	v2 =	vld [tilespmem:s25+$0x6A00];
	_ =	sdelay $0x4  }
0xec: {  	[tilespmem:s24+$0x0] =	vst v2  }
0xed: {  	v2 =	vld [tilespmem:s25+$0x6A80];
	_ =	sdelay $0x4  }
0xee: {  	[tilespmem:s24+$0x10] =	vst v2  }
0xef: {  	v2 =	vld [tilespmem:s25+$0x6B00];
	_ =	sdelay $0x4  }
0xf0: {  	[tilespmem:s24+$0x20] =	vst v2  }
0xf1: {  	v2 =	vld [tilespmem:s25+$0x6B80];
	_ =	sdelay $0x4  }
0xf2: {  	s30 =	simm.s32 $0x0;
	[tilespmem:s24+$0x30] =	vst v2  }
0xf3: {  	[hbm4b:s12+s30] =	stream.linear.scatter [tilespmem:s22], [sflag:$0x1], $0x800, $0x38;
	[tilespmem:$0xB080] =	vst v63  }
0xf4: {  	_ =	swait.ge [sflag:s18], $0x800  }
0xf5: {  	[sflag:s18] =	ssyncset.done $0x0  }
0xf6: {  	[sflag:s18] =	ssyncadd.s32 $0xFFFFF800  }
0xf7: {  	[tilespmem:s17], [sflag:$0x1] =	stream.linear.gather [spmem:s9], $0x4000, $0x38;
	[tilespmem:$0xB080] =	vst v63  }
0xf8: {  	_ =	swait.ge [sflag:s18], $0x4000  }
0xf9: {  	[sflag:s18] =	ssyncset.done $0x0  }
0xfa: {  	s31 =	simm.s32 $0x0;
	[sflag:s18] =	ssyncadd.s32 $0xFFFFC000  }
0xfb: {  	v2 =	vld [tilespmem:s31+$0x6800];
	_ =	sdelay $0x3  }
0xfc: {  	s24 =	simm.s32 $0xA840  }
0xfd: {  	[tilespmem:s24+$0xFFFFFFC0] =	vst v2  }
0xfe: {  	v2 =	vld [tilespmem:s31+$0x6880];
	_ =	sdelay $0x4  }
0xff: {  	[tilespmem:s24+$0xFFFFFFD0] =	vst v2  }
0x100: {  	v2 =	vld [tilespmem:s31+$0x6900];
	_ =	sdelay $0x4  }
0x101: {  	[tilespmem:s24+$0xFFFFFFE0] =	vst v2  }
0x102: {  	v2 =	vld [tilespmem:s31+$0x6980];
	_ =	sdelay $0x4  }
0x103: {  	[tilespmem:s24+$0xFFFFFFF0] =	vst v2  }
0x104: {  	v2 =	vld [tilespmem:s31+$0x6A00];
	_ =	sdelay $0x4  }
0x105: {  	[tilespmem:s24+$0x0] =	vst v2  }
0x106: {  	v2 =	vld [tilespmem:s31+$0x6A80];
	_ =	sdelay $0x4  }
0x107: {  	[tilespmem:s24+$0x10] =	vst v2  }
0x108: {  	v2 =	vld [tilespmem:s31+$0x6B00];
	_ =	sdelay $0x4  }
0x109: {  	[tilespmem:s24+$0x20] =	vst v2  }
0x10a: {  	v2 =	vld [tilespmem:s31+$0x6B80];
	_ =	sdelay $0x4  }
0x10b: {  	s26 =	simm.s32 $0x2000;
	s25 =	simm.s32 $0x400;
	[tilespmem:s24+$0x30] =	vst v2  }
.LBB2_12:
0x10c: {  	p0 =	sne.s32 s26, $0xF000;
	v2 =	vld [tilespmem:s25+$0x6800];
	_ =	sdelay $0x3  }
0x10d: {  	s24 =	sadd.s32 $0x80, s24  }
0x10e: {  	[tilespmem:s24+$0xFFFFFFC0] =	vst v2  }
0x10f: {  	v2 =	vld [tilespmem:s25+$0x6880];
	_ =	sdelay $0x4  }
0x110: {  	[tilespmem:s24+$0xFFFFFFD0] =	vst v2  }
0x111: {  	v2 =	vld [tilespmem:s25+$0x6900];
	_ =	sdelay $0x4  }
0x112: {  	[tilespmem:s24+$0xFFFFFFE0] =	vst v2  }
0x113: {  	v2 =	vld [tilespmem:s25+$0x6980];
	_ =	sdelay $0x4  }
0x114: {  	[tilespmem:s24+$0xFFFFFFF0] =	vst v2  }
0x115: {  	v2 =	vld [tilespmem:s25+$0x6A00];
	_ =	sdelay $0x4  }
0x116: {  	[tilespmem:s24+$0x0] =	vst v2  }
0x117: {  	v2 =	vld [tilespmem:s25+$0x6A80];
	_ =	sdelay $0x4  }
0x118: {  	[tilespmem:s24+$0x10] =	vst v2  }
0x119: {  	v2 =	vld [tilespmem:s25+$0x6B00];
	_ =	sdelay $0x4  }
0x11a: {  	[tilespmem:s24+$0x20] =	vst v2  }
0x11b: {  	v2 =	vld [tilespmem:s25+$0x6B80]  }
.Ltmp6:
0x11c: {  	(pc) =	sbr.rel @p0 .LBB2_12-.Ltmp6, $2  }
0x11d: {  	_ =	sdelay $0x2  }
0x11e: {  	s25 =	sshra.s32 s26, $0x2;
	s26 =	sadd.s32 $0x1000, s26;
	[tilespmem:s24+$0x30] =	vst v2  }
0x11f: {  	v2 =	vld [tilespmem:s25+$0x6800];
	_ =	sdelay $0x3  }
0x120: {  	s24 =	sadd.s32 $0x80, s24  }
0x121: {  	[tilespmem:s24+$0xFFFFFFC0] =	vst v2  }
0x122: {  	v2 =	vld [tilespmem:s25+$0x6880];
	_ =	sdelay $0x4  }
0x123: {  	[tilespmem:s24+$0xFFFFFFD0] =	vst v2  }
0x124: {  	v2 =	vld [tilespmem:s25+$0x6900];
	_ =	sdelay $0x4  }
0x125: {  	[tilespmem:s24+$0xFFFFFFE0] =	vst v2  }
0x126: {  	v2 =	vld [tilespmem:s25+$0x6980];
	_ =	sdelay $0x4  }
0x127: {  	[tilespmem:s24+$0xFFFFFFF0] =	vst v2  }
0x128: {  	v2 =	vld [tilespmem:s25+$0x6A00];
	_ =	sdelay $0x4  }
0x129: {  	[tilespmem:s24+$0x0] =	vst v2  }
0x12a: {  	v2 =	vld [tilespmem:s25+$0x6A80];
	_ =	sdelay $0x4  }
0x12b: {  	[tilespmem:s24+$0x10] =	vst v2  }
0x12c: {  	v2 =	vld [tilespmem:s25+$0x6B00];
	_ =	sdelay $0x4  }
0x12d: {  	[tilespmem:s24+$0x20] =	vst v2  }
0x12e: {  	v2 =	vld [tilespmem:s25+$0x6B80];
	_ =	sdelay $0x4  }
0x12f: {  	s30 =	simm.s32 $0x0;
	[tilespmem:s24+$0x30] =	vst v2  }
0x130: {  	[hbm4b:s13+s30] =	stream.linear.scatter [tilespmem:s22], [sflag:$0x1], $0x800, $0x38;
	[tilespmem:$0xB080] =	vst v63  }
0x131: {  	_ =	swait.ge [sflag:s18], $0x800  }
0x132: {  	[sflag:s18] =	ssyncset.done $0x0  }
0x133: {  	[sflag:s18] =	ssyncadd.s32 $0xFFFFF800  }
0x134: {  	[tilespmem:s17], [sflag:$0x1] =	stream.linear.gather [spmem:s10], $0x4000, $0x38;
	[tilespmem:$0xB080] =	vst v63  }
0x135: {  	_ =	swait.ge [sflag:s18], $0x4000  }
0x136: {  	[sflag:s18] =	ssyncset.done $0x0  }
0x137: {  	s31 =	simm.s32 $0x0;
	[sflag:s18] =	ssyncadd.s32 $0xFFFFC000  }
0x138: {  	v2 =	vld [tilespmem:s31+$0x6800];
	_ =	sdelay $0x3  }
0x139: {  	s24 =	simm.s32 $0xA840  }
0x13a: {  	[tilespmem:s24+$0xFFFFFFC0] =	vst v2  }
0x13b: {  	v2 =	vld [tilespmem:s31+$0x6880];
	_ =	sdelay $0x4  }
0x13c: {  	[tilespmem:s24+$0xFFFFFFD0] =	vst v2  }
0x13d: {  	v2 =	vld [tilespmem:s31+$0x6900];
	_ =	sdelay $0x4  }
0x13e: {  	[tilespmem:s24+$0xFFFFFFE0] =	vst v2  }
0x13f: {  	v2 =	vld [tilespmem:s31+$0x6980];
	_ =	sdelay $0x4  }
0x140: {  	[tilespmem:s24+$0xFFFFFFF0] =	vst v2  }
0x141: {  	v2 =	vld [tilespmem:s31+$0x6A00];
	_ =	sdelay $0x4  }
0x142: {  	[tilespmem:s24+$0x0] =	vst v2  }
0x143: {  	v2 =	vld [tilespmem:s31+$0x6A80];
	_ =	sdelay $0x4  }
0x144: {  	[tilespmem:s24+$0x10] =	vst v2  }
0x145: {  	v2 =	vld [tilespmem:s31+$0x6B00];
	_ =	sdelay $0x4  }
0x146: {  	[tilespmem:s24+$0x20] =	vst v2  }
0x147: {  	v2 =	vld [tilespmem:s31+$0x6B80];
	_ =	sdelay $0x4  }
0x148: {  	s26 =	simm.s32 $0x2000;
	s25 =	simm.s32 $0x400;
	[tilespmem:s24+$0x30] =	vst v2  }
.LBB2_14:
0x149: {  	p0 =	sne.s32 s26, $0xF000;
	v2 =	vld [tilespmem:s25+$0x6800];
	_ =	sdelay $0x3  }
0x14a: {  	s24 =	sadd.s32 $0x80, s24  }
0x14b: {  	[tilespmem:s24+$0xFFFFFFC0] =	vst v2  }
0x14c: {  	v2 =	vld [tilespmem:s25+$0x6880];
	_ =	sdelay $0x4  }
0x14d: {  	[tilespmem:s24+$0xFFFFFFD0] =	vst v2  }
0x14e: {  	v2 =	vld [tilespmem:s25+$0x6900];
	_ =	sdelay $0x4  }
0x14f: {  	[tilespmem:s24+$0xFFFFFFE0] =	vst v2  }
0x150: {  	v2 =	vld [tilespmem:s25+$0x6980];
	_ =	sdelay $0x4  }
0x151: {  	[tilespmem:s24+$0xFFFFFFF0] =	vst v2  }
0x152: {  	v2 =	vld [tilespmem:s25+$0x6A00];
	_ =	sdelay $0x4  }
0x153: {  	[tilespmem:s24+$0x0] =	vst v2  }
0x154: {  	v2 =	vld [tilespmem:s25+$0x6A80];
	_ =	sdelay $0x4  }
0x155: {  	[tilespmem:s24+$0x10] =	vst v2  }
0x156: {  	v2 =	vld [tilespmem:s25+$0x6B00];
	_ =	sdelay $0x4  }
0x157: {  	[tilespmem:s24+$0x20] =	vst v2  }
0x158: {  	v2 =	vld [tilespmem:s25+$0x6B80]  }
.Ltmp7:
0x159: {  	(pc) =	sbr.rel @p0 .LBB2_14-.Ltmp7, $2  }
0x15a: {  	_ =	sdelay $0x2  }
0x15b: {  	s25 =	sshra.s32 s26, $0x2;
	s26 =	sadd.s32 $0x1000, s26;
	[tilespmem:s24+$0x30] =	vst v2  }
0x15c: {  	v2 =	vld [tilespmem:s25+$0x6800];
	_ =	sdelay $0x3  }
0x15d: {  	s24 =	sadd.s32 $0x80, s24  }
0x15e: {  	[tilespmem:s24+$0xFFFFFFC0] =	vst v2  }
0x15f: {  	v2 =	vld [tilespmem:s25+$0x6880];
	_ =	sdelay $0x4  }
0x160: {  	[tilespmem:s24+$0xFFFFFFD0] =	vst v2  }
0x161: {  	v2 =	vld [tilespmem:s25+$0x6900];
	_ =	sdelay $0x4  }
0x162: {  	[tilespmem:s24+$0xFFFFFFE0] =	vst v2  }
0x163: {  	v2 =	vld [tilespmem:s25+$0x6980];
	_ =	sdelay $0x4  }
0x164: {  	[tilespmem:s24+$0xFFFFFFF0] =	vst v2  }
0x165: {  	v2 =	vld [tilespmem:s25+$0x6A00];
	_ =	sdelay $0x4  }
0x166: {  	[tilespmem:s24+$0x0] =	vst v2  }
0x167: {  	v2 =	vld [tilespmem:s25+$0x6A80];
	_ =	sdelay $0x4  }
0x168: {  	[tilespmem:s24+$0x10] =	vst v2  }
0x169: {  	v2 =	vld [tilespmem:s25+$0x6B00];
	_ =	sdelay $0x4  }
0x16a: {  	[tilespmem:s24+$0x20] =	vst v2  }
0x16b: {  	v2 =	vld [tilespmem:s25+$0x6B80];
	_ =	sdelay $0x2  }
0x16c: {  	s23 =	sadd.s32 $0x1, s23  }
0x16d: {  	p0 =	sne.s32 s23, s15  }
.Ltmp8:
0x16e: {  	[tilespmem:s24+$0x30] =	vst v2;
	(pc) =	sbr.rel @p0 .LBB2_1-.Ltmp8, $4  }
0x16f: {  	[hbm4b:s14+s3] =	stream.linear.scatter [tilespmem:s22], [sflag:$0x1], $0x800, $0x38;
	[tilespmem:$0xB080] =	vst v63  }
0x170: {  	_ =	swait.ge [sflag:s18], $0x800  }
0x171: {  	[sflag:s18] =	ssyncset.done $0x0  }
0x172: {  	[sflag:s18] =	ssyncadd.s32 $0xFFFFF800  }
0x173: {  	_ =	sfence.sel $0x180000  }
0x174: {  	[bflag:$0x0] =	sbarrier.arrive $0xFFFF  }
0x175: {  	p0 =	sne.s32 s0, $0x0;
	_ =	strace $0x90000047  }
0x176: {  	s0 =	sadd.s32 @!p0 $0x100000, s2;
	[bflag:$0x2] =	sbarrier.arrive $0xFFFF  }
0x177: {  	[sflag:s0] =	ssyncadd.tile.s32 @!p0 $0x1;
	_ =	shalt  }
.Lfunc_end2:
_tile_overlayer_lowered:
.L_overlay_start_2:
0x178: {  	(tag) =	ssettag $0x2  }
0x179: {  	s0 =	rddreg [dreg:$0x0];
	s2 =	stileid.u32  }
0x17a: {  	s1 =	rddreg [dreg:$0x1];
	p0 =	sne.s32 s2, $0x0  }
0x17b: {  	s3 =	rddreg [dreg:$0x2];
	[bflag:$0x3] =	sbarrier.arrive $0xFFFF;
	s2 =	simm.s32 @!p0 $0x1C01  }
0x17c: {  	[timem:s3], [sflag:s2] =	dma.local @!p0 [hbm:s0], s1  }
0x17d: {  	s0 =	simm.s32 @!p0 $0x1  }
0x17e: {  	_ =	swait.ge @!p0 [sflag:s0], s1  }
0x17f: {  	s1 =	ssub.s32 @!p0 $0x0, s1;
	[sflag:s0] =	ssyncset.done @!p0 $0x0  }
0x180: {  	[sflag:s0] =	ssyncadd.s32 @!p0 s1  }
0x181: {  	[bflag:$0x3] =	sbarrier.arrive $0xFFFF  }
0x182: {  	_ =	shalt  }

</sc_bundles>
